<compile_context>
chip_gen: v7x
topology: tpu7x:2x2x1
jax: 0.10.2.dev20260603
libtpu: 0.0.44.dev20260713+nightly
codegen_flags: <defaults>
</compile_context>

<pallas_src>
import jax
import jax.numpy as jnp
from jax import lax
from jax.experimental import pallas as pl
from jax.experimental.pallas import tpu as pltpu
from jax.experimental.pallas import tpu_sc as plsc

_N = 16384
_OUT_D = 129
_EMB_D = 64
_GATHER_D = 128
_NC = 2
_NS = 16
_NW = _NC * _NS
_RPW = _N // _NW
_GCHUNK = 128
_NG = _RPW // _GCHUNK
_N_TYPES = 16


def _body(x_hbm, tbl_hbm, out_hbm, sh, xs, idx2, gbuf, zbuf, ttmp, etbl,
          sin, sga, sgb, so1, so2):
    sid = lax.axis_index("s")
    wid = sid * _NC + lax.axis_index("c")
    base = wid * _RPW

    cin = pltpu.async_copy(
        x_hbm.at[pl.ds(base, _RPW), pl.ds(0, 2)], xs, sin)

    lanes = lax.iota(jnp.int32, 16)
    col0 = jnp.zeros((16,), jnp.int32)
    col1 = jnp.ones((16,), jnp.int32)
    zero16 = jnp.zeros((16,), jnp.int32)
    cap16 = jnp.full((16,), _N_TYPES - 1, jnp.int32)
    zf16 = jnp.zeros((16,), jnp.float32)

    @pl.when(sid == 0)
    def _():
        pltpu.sync_copy(tbl_hbm, ttmp)
        for c in range(_GATHER_D):
            if 1 <= c <= _EMB_D:
                v = plsc.load_gather(ttmp, [lanes, jnp.full((16,), c - 1, jnp.int32)])
            else:
                v = zf16
            plsc.store_scatter(etbl, [lanes, jnp.full((16,), c, jnp.int32)], v)
        pltpu.sync_copy(etbl, sh)

    for g in range(_RPW // 16):
        plsc.store_scatter(zbuf, [lanes + g * 16, col0], zf16)
    c2 = pltpu.async_copy(
        zbuf, out_hbm.at[pl.ds(base, _RPW), pl.ds(_GATHER_D, 1)], so2)

    plsc.subcore_barrier()

    cin.wait()
    for j in range(_NG):
        for g in range(_GCHUNK // 16):
            rows = lanes + (j * _GCHUNK + g * 16)
            x1 = plsc.load_gather(xs, [rows, col1])
            idx = jnp.minimum(jnp.maximum(x1.astype(jnp.int32), zero16), cap16)
            idx2[j, pl.ds(g * 16, 16)] = idx

    half = _RPW // 2
    sems = (sga, sgb)
    gathers = [
        pltpu.async_copy(
            sh.at[idx2.at[j]],
            gbuf.at[pl.ds(j * _GCHUNK, _GCHUNK)],
            sems[j // (_NG // 2)],
        )
        for j in range(_NG)
    ]

    outs = []
    for h in range(2):
        for c in gathers[h * (_NG // 2):(h + 1) * (_NG // 2)]:
            c.wait()
        for g in range(half // 16):
            rows = lanes + (h * half + g * 16)
            pre = plsc.load_gather(xs, [rows, col0])
            plsc.store_scatter(gbuf, [rows, col0], pre)
        outs.append(pltpu.async_copy(
            gbuf.at[pl.ds(h * half, half)],
            out_hbm.at[pl.ds(base + h * half, half), pl.ds(0, _GATHER_D)],
            so1,
        ))
    for c in outs:
        c.wait()
    c2.wait()


@jax.jit
def _sc_embed(X, type_table):
    mesh = plsc.VectorSubcoreMesh(core_axis_name="c", subcore_axis_name="s")
    return pl.kernel(
        _body,
        out_type=jax.ShapeDtypeStruct((_N, _OUT_D), jnp.float32),
        mesh=mesh,
        scratch_types=[
            pltpu.VMEM_SHARED((_N_TYPES, _GATHER_D), jnp.float32),
            pltpu.VMEM((_RPW, 2), jnp.float32),
            pltpu.VMEM((_NG, _GCHUNK), jnp.int32),
            pltpu.VMEM((_RPW, _GATHER_D), jnp.float32),
            pltpu.VMEM((_RPW, 1), jnp.float32),
            pltpu.VMEM((_N_TYPES, _EMB_D), jnp.float32),
            pltpu.VMEM((_N_TYPES, _GATHER_D), jnp.float32),
            pltpu.SemaphoreType.DMA,
            pltpu.SemaphoreType.DMA,
            pltpu.SemaphoreType.DMA,
            pltpu.SemaphoreType.DMA,
            pltpu.SemaphoreType.DMA,
        ],
        compiler_params=pltpu.CompilerParams(
            use_tc_tiling_on_sc=False, needs_layout_passes=False
        ),
    )(X, type_table)


def kernel(X, type_table):
    return _sc_embed(X, type_table)

# --- scband reference (transcript-rebuilt; emitter-appended) ---
"""Pipeline reference for scband-thing-embedder-6141803233449 (READ-ONLY COPY).

The authoritative reference and input builder live on the scoring server;
editing this copy changes nothing except your own understanding.
"""

import jax, jax.numpy as jnp
import numpy as np

NUM_TYPES = 16
TYPE_EMB_DIM = 64
ATTR_EMB_DIM = 64


def setup_inputs(seed: int = 0) -> dict:
    key = jax.random.key(seed)
    kx, kt = jax.random.split(key)
    # X is float32; column 1 holds the (integer-valued) node type index.
    # uniform [0,1) -> .astype(int) gives 0, a valid type index (< NUM_TYPES).
    X = jax.random.uniform(kx, (16384, 130), dtype=jnp.float32)
    # nn.Embedding(num_embeddings=len(node_types), embedding_dim=type_embedding_dim)
    type_table = jax.random.normal(kt, (NUM_TYPES, TYPE_EMB_DIM), dtype=jnp.float32)
    return {"X": X, "type_table": type_table}


def reference(X, type_table):
    # preexistence_feat = X[:, 0:1]
    pre = X[:, 0:1]
    # type_feat = self.type_embedder(X[:, 1].long())
    idx = jax.lax.stop_gradient(X[:, 1]).astype(jnp.int32)
    type_emb = jnp.take(type_table, idx, axis=0)
    # TypewiseEncoder.forward returns zeros of shape (N, attr_embedding_dim)
    attr = jnp.zeros((X.shape[0], ATTR_EMB_DIM), dtype=X.dtype)
    return jnp.concatenate([pre, type_emb, attr], axis=-1)

if __name__ == "__main__":
    import jax
    _d = setup_inputs()
    print(jax.jit(kernel)(*tuple(_d.values())))

</pallas_src>

<mosaic_0001>
#map = affine_map<(d0, d1) -> (0, 0)>
module attributes {stable_mosaic.version = 14 : i64} {
  func.func @_body(%arg0: i32, %arg1: i32, %arg2: memref<16384x130xf32, #tpu.memory_space<hbm>>, %arg3: memref<16x64xf32, #tpu.memory_space<hbm>>, %arg4: memref<16384x129xf32, #tpu.memory_space<hbm>>, %arg5: memref<16x128xf32, #tpu.memory_space<vmem_shared>>, %arg6: memref<512x2xf32, #tpu.memory_space<vmem>>, %arg7: memref<4x128xi32, #tpu.memory_space<vmem>>, %arg8: memref<512x128xf32, #tpu.memory_space<vmem>>, %arg9: memref<512x1xf32, #tpu.memory_space<vmem>>, %arg10: memref<16x64xf32, #tpu.memory_space<vmem>>, %arg11: memref<16x128xf32, #tpu.memory_space<vmem>>, %arg12: memref<!tpu.dma_semaphore, #tpu.memory_space<semaphore_mem>>, %arg13: memref<!tpu.dma_semaphore, #tpu.memory_space<semaphore_mem>>, %arg14: memref<!tpu.dma_semaphore, #tpu.memory_space<semaphore_mem>>, %arg15: memref<!tpu.dma_semaphore, #tpu.memory_space<semaphore_mem>>, %arg16: memref<!tpu.dma_semaphore, #tpu.memory_space<semaphore_mem>>) attributes {dimension_semantics = [#tpu.dimension_semantics<core_parallel>, #tpu.dimension_semantics<subcore_parallel>], iteration_bounds = array<i64: 2, 16>, scalar_prefetch = 0 : i64, scratch_operands = 12 : i64, tpu.core_type = #tpu.core_type<sc_vector_subcore>, window_params = [{transform_indices = #map}, {transform_indices = #map}, {transform_indices = #map}]} {
    %mul3A = arith.constant 2 : i32
    %mul3A_0 = arith.muli %arg1, %mul3A : i32
    %add3A = arith.addi %mul3A_0, %arg0 : i32
    %mul3A_1 = arith.constant 512 : i32
    %mul3A_2 = arith.muli %add3A, %mul3A_1 : i32
    %dma_start3A = arith.constant 0 : i32
    %dma_start3A_3 = tpu.memref_slice %arg2[%mul3A_2, %dma_start3A] : memref<16384x130xf32, #tpu.memory_space<hbm>> -> memref<512x2xf32, #tpu.memory_space<hbm>>
    %dma_start3A_4 = arith.constant 0 : i32
    %dma_start3A_5 = tpu.memref_slice %arg2[%mul3A_2, %dma_start3A_4] : memref<16384x130xf32, #tpu.memory_space<hbm>> -> memref<512x2xf32, #tpu.memory_space<hbm>>
    tpu.enqueue_dma source(%dma_start3A_5 : memref<512x2xf32, #tpu.memory_space<hbm>>) target(%arg6 : memref<512x2xf32, #tpu.memory_space<vmem>>) target_semaphore(%arg12 : memref<!tpu.dma_semaphore, #tpu.memory_space<semaphore_mem>>)
    %iota3A = tpu.iota {dimensions = array<i32: 0>} : vector<16xi32>
    %broadcast_in_dim3A = arith.constant 0 : i32
    %broadcast_in_dim3A_6 = vector.broadcast %broadcast_in_dim3A : i32 to vector<16xi32>
    %broadcast_in_dim3A_7 = arith.constant 1 : i32
    %broadcast_in_dim3A_8 = vector.broadcast %broadcast_in_dim3A_7 : i32 to vector<16xi32>
    %broadcast_in_dim3A_9 = arith.constant 0 : i32
    %broadcast_in_dim3A_10 = vector.broadcast %broadcast_in_dim3A_9 : i32 to vector<16xi32>
    %broadcast_in_dim3A_11 = arith.constant 15 : i32
    %broadcast_in_dim3A_12 = vector.broadcast %broadcast_in_dim3A_11 : i32 to vector<16xi32>
    %broadcast_in_dim3A_13 = arith.constant 0.000000e+00 : f32
    %broadcast_in_dim3A_14 = vector.broadcast %broadcast_in_dim3A_13 : f32 to vector<16xf32>
    %eq3A = arith.constant 0 : i32
    %eq3A_15 = arith.cmpi eq, %arg1, %eq3A : i32
    %convert_element_type3A = arith.extui %eq3A_15 : i1 to i32
    %cond3A = arith.constant 0 : i32
    %cond3A_16 = arith.cmpi ne, %convert_element_type3A, %cond3A : i32
    scf.if %cond3A_16 {
      "tpu.region"() ({
        %run_scoped3A = tpu.sem_alloc : memref<!tpu.dma_semaphore, #tpu.memory_space<semaphore_mem>>
        tpu.enqueue_dma source(%arg3 : memref<16x64xf32, #tpu.memory_space<hbm>>) target(%arg10 : memref<16x64xf32, #tpu.memory_space<vmem>>) target_semaphore(%run_scoped3A : memref<!tpu.dma_semaphore, #tpu.memory_space<semaphore_mem>>)
        tpu.wait_dma2 semaphore(%run_scoped3A : memref<!tpu.dma_semaphore, #tpu.memory_space<semaphore_mem>>) src(%arg3 : memref<16x64xf32, #tpu.memory_space<hbm>>) dst(%arg10 : memref<16x64xf32, #tpu.memory_space<vmem>>)
        tpu.yield
      }) : () -> ()
      %broadcast_in_dim3A_724 = arith.constant 0 : i32
      %broadcast_in_dim3A_725 = vector.broadcast %broadcast_in_dim3A_724 : i32 to vector<16xi32>
      tpu.vector_store_idx %arg11[%iota3A, %broadcast_in_dim3A_725], %broadcast_in_dim3A_14 : memref<16x128xf32, #tpu.memory_space<vmem>>[vector<16xi32>, vector<16xi32>], vector<16xf32>,
      %broadcast_in_dim3A_726 = arith.constant 0 : i32
      %broadcast_in_dim3A_727 = vector.broadcast %broadcast_in_dim3A_726 : i32 to vector<16xi32>
      %gather3A_728 = tpu.vector_load_idx %arg10[%iota3A, %broadcast_in_dim3A_727] : memref<16x64xf32, #tpu.memory_space<vmem>>[vector<16xi32>, vector<16xi32>], vector<16xf32>,
      %broadcast_in_dim3A_729 = arith.constant 1 : i32
      %broadcast_in_dim3A_730 = vector.broadcast %broadcast_in_dim3A_729 : i32 to vector<16xi32>
      tpu.vector_store_idx %arg11[%iota3A, %broadcast_in_dim3A_730], %gather3A_728 : memref<16x128xf32, #tpu.memory_space<vmem>>[vector<16xi32>, vector<16xi32>], vector<16xf32>,
      %broadcast_in_dim3A_731 = arith.constant 1 : i32
      %broadcast_in_dim3A_732 = vector.broadcast %broadcast_in_dim3A_731 : i32 to vector<16xi32>
      %gather3A_733 = tpu.vector_load_idx %arg10[%iota3A, %broadcast_in_dim3A_732] : memref<16x64xf32, #tpu.memory_space<vmem>>[vector<16xi32>, vector<16xi32>], vector<16xf32>,
      %broadcast_in_dim3A_734 = arith.constant 2 : i32
      %broadcast_in_dim3A_735 = vector.broadcast %broadcast_in_dim3A_734 : i32 to vector<16xi32>
      tpu.vector_store_idx %arg11[%iota3A, %broadcast_in_dim3A_735], %gather3A_733 : memref<16x128xf32, #tpu.memory_space<vmem>>[vector<16xi32>, vector<16xi32>], vector<16xf32>,
      %broadcast_in_dim3A_736 = arith.constant 2 : i32
      %broadcast_in_dim3A_737 = vector.broadcast %broadcast_in_dim3A_736 : i32 to vector<16xi32>
      %gather3A_738 = tpu.vector_load_idx %arg10[%iota3A, %broadcast_in_dim3A_737] : memref<16x64xf32, #tpu.memory_space<vmem>>[vector<16xi32>, vector<16xi32>], vector<16xf32>,
      %broadcast_in_dim3A_739 = arith.constant 3 : i32
      %broadcast_in_dim3A_740 = vector.broadcast %broadcast_in_dim3A_739 : i32 to vector<16xi32>
      tpu.vector_store_idx %arg11[%iota3A, %broadcast_in_dim3A_740], %gather3A_738 : memref<16x128xf32, #tpu.memory_space<vmem>>[vector<16xi32>, vector<16xi32>], vector<16xf32>,
      %broadcast_in_dim3A_741 = arith.constant 3 : i32
      %broadcast_in_dim3A_742 = vector.broadcast %broadcast_in_dim3A_741 : i32 to vector<16xi32>
      %gather3A_743 = tpu.vector_load_idx %arg10[%iota3A, %broadcast_in_dim3A_742] : memref<16x64xf32, #tpu.memory_space<vmem>>[vector<16xi32>, vector<16xi32>], vector<16xf32>,
      %broadcast_in_dim3A_744 = arith.constant 4 : i32
      %broadcast_in_dim3A_745 = vector.broadcast %broadcast_in_dim3A_744 : i32 to vector<16xi32>
      tpu.vector_store_idx %arg11[%iota3A, %broadcast_in_dim3A_745], %gather3A_743 : memref<16x128xf32, #tpu.memory_space<vmem>>[vector<16xi32>, vector<16xi32>], vector<16xf32>,
      %broadcast_in_dim3A_746 = arith.constant 4 : i32
      %broadcast_in_dim3A_747 = vector.broadcast %broadcast_in_dim3A_746 : i32 to vector<16xi32>
      %gather3A_748 = tpu.vector_load_idx %arg10[%iota3A, %broadcast_in_dim3A_747] : memref<16x64xf32, #tpu.memory_space<vmem>>[vector<16xi32>, vector<16xi32>], vector<16xf32>,
      %broadcast_in_dim3A_749 = arith.constant 5 : i32
      %broadcast_in_dim3A_750 = vector.broadcast %broadcast_in_dim3A_749 : i32 to vector<16xi32>
      tpu.vector_store_idx %arg11[%iota3A, %broadcast_in_dim3A_750], %gather3A_748 : memref<16x128xf32, #tpu.memory_space<vmem>>[vector<16xi32>, vector<16xi32>], vector<16xf32>,
      %broadcast_in_dim3A_751 = arith.constant 5 : i32
      %broadcast_in_dim3A_752 = vector.broadcast %broadcast_in_dim3A_751 : i32 to vector<16xi32>
      %gather3A_753 = tpu.vector_load_idx %arg10[%iota3A, %broadcast_in_dim3A_752] : memref<16x64xf32, #tpu.memory_space<vmem>>[vector<16xi32>, vector<16xi32>], vector<16xf32>,
      %broadcast_in_dim3A_754 = arith.constant 6 : i32
      %broadcast_in_dim3A_755 = vector.broadcast %broadcast_in_dim3A_754 : i32 to vector<16xi32>
      tpu.vector_store_idx %arg11[%iota3A, %broadcast_in_dim3A_755], %gather3A_753 : memref<16x128xf32, #tpu.memory_space<vmem>>[vector<16xi32>, vector<16xi32>], vector<16xf32>,
      %broadcast_in_dim3A_756 = arith.constant 6 : i32
      %broadcast_in_dim3A_757 = vector.broadcast %broadcast_in_dim3A_756 : i32 to vector<16xi32>
      %gather3A_758 = tpu.vector_load_idx %arg10[%iota3A, %broadcast_in_dim3A_757] : memref<16x64xf32, #tpu.memory_space<vmem>>[vector<16xi32>, vector<16xi32>], vector<16xf32>,
      %broadcast_in_dim3A_759 = arith.constant 7 : i32
      %broadcast_in_dim3A_760 = vector.broadcast %broadcast_in_dim3A_759 : i32 to vector<16xi32>
      tpu.vector_store_idx %arg11[%iota3A, %broadcast_in_dim3A_760], %gather3A_758 : memref<16x128xf32, #tpu.memory_space<vmem>>[vector<16xi32>, vector<16xi32>], vector<16xf32>,
      %broadcast_in_dim3A_761 = arith.constant 7 : i32
      %broadcast_in_dim3A_762 = vector.broadcast %broadcast_in_dim3A_761 : i32 to vector<16xi32>
      %gather3A_763 = tpu.vector_load_idx %arg10[%iota3A, %broadcast_in_dim3A_762] : memref<16x64xf32, #tpu.memory_space<vmem>>[vector<16xi32>, vector<16xi32>], vector<16xf32>,
      %broadcast_in_dim3A_764 = arith.constant 8 : i32
      %broadcast_in_dim3A_765 = vector.broadcast %broadcast_in_dim3A_764 : i32 to vector<16xi32>
      tpu.vector_store_idx %arg11[%iota3A, %broadcast_in_dim3A_765], %gather3A_763 : memref<16x128xf32, #tpu.memory_space<vmem>>[vector<16xi32>, vector<16xi32>], vector<16xf32>,
      %broadcast_in_dim3A_766 = arith.constant 8 : i32
      %broadcast_in_dim3A_767 = vector.broadcast %broadcast_in_dim3A_766 : i32 to vector<16xi32>
      %gather3A_768 = tpu.vector_load_idx %arg10[%iota3A, %broadcast_in_dim3A_767] : memref<16x64xf32, #tpu.memory_space<vmem>>[vector<16xi32>, vector<16xi32>], vector<16xf32>,
      %broadcast_in_dim3A_769 = arith.constant 9 : i32
      %broadcast_in_dim3A_770 = vector.broadcast %broadcast_in_dim3A_769 : i32 to vector<16xi32>
      tpu.vector_store_idx %arg11[%iota3A, %broadcast_in_dim3A_770], %gather3A_768 : memref<16x128xf32, #tpu.memory_space<vmem>>[vector<16xi32>, vector<16xi32>], vector<16xf32>,
      %broadcast_in_dim3A_771 = arith.constant 9 : i32
      %broadcast_in_dim3A_772 = vector.broadcast %broadcast_in_dim3A_771 : i32 to vector<16xi32>
      %gather3A_773 = tpu.vector_load_idx %arg10[%iota3A, %broadcast_in_dim3A_772] : memref<16x64xf32, #tpu.memory_space<vmem>>[vector<16xi32>, vector<16xi32>], vector<16xf32>,
      %broadcast_in_dim3A_774 = arith.constant 10 : i32
      %broadcast_in_dim3A_775 = vector.broadcast %broadcast_in_dim3A_774 : i32 to vector<16xi32>
      tpu.vector_store_idx %arg11[%iota3A, %broadcast_in_dim3A_775], %gather3A_773 : memref<16x128xf32, #tpu.memory_space<vmem>>[vector<16xi32>, vector<16xi32>], vector<16xf32>,
      %broadcast_in_dim3A_776 = arith.constant 10 : i32
      %broadcast_in_dim3A_777 = vector.broadcast %broadcast_in_dim3A_776 : i32 to vector<16xi32>
      %gather3A_778 = tpu.vector_load_idx %arg10[%iota3A, %broadcast_in_dim3A_777] : memref<16x64xf32, #tpu.memory_space<vmem>>[vector<16xi32>, vector<16xi32>], vector<16xf32>,
      %broadcast_in_dim3A_779 = arith.constant 11 : i32
      %broadcast_in_dim3A_780 = vector.broadcast %broadcast_in_dim3A_779 : i32 to vector<16xi32>
      tpu.vector_store_idx %arg11[%iota3A, %broadcast_in_dim3A_780], %gather3A_778 : memref<16x128xf32, #tpu.memory_space<vmem>>[vector<16xi32>, vector<16xi32>], vector<16xf32>,
      %broadcast_in_dim3A_781 = arith.constant 11 : i32
      %broadcast_in_dim3A_782 = vector.broadcast %broadcast_in_dim3A_781 : i32 to vector<16xi32>
      %gather3A_783 = tpu.vector_load_idx %arg10[%iota3A, %broadcast_in_dim3A_782] : memref<16x64xf32, #tpu.memory_space<vmem>>[vector<16xi32>, vector<16xi32>], vector<16xf32>,
      %broadcast_in_dim3A_784 = arith.constant 12 : i32
      %broadcast_in_dim3A_785 = vector.broadcast %broadcast_in_dim3A_784 : i32 to vector<16xi32>
      tpu.vector_store_idx %arg11[%iota3A, %broadcast_in_dim3A_785], %gather3A_783 : memref<16x128xf32, #tpu.memory_space<vmem>>[vector<16xi32>, vector<16xi32>], vector<16xf32>,
      %broadcast_in_dim3A_786 = arith.constant 12 : i32
      %broadcast_in_dim3A_787 = vector.broadcast %broadcast_in_dim3A_786 : i32 to vector<16xi32>
      %gather3A_788 = tpu.vector_load_idx %arg10[%iota3A, %broadcast_in_dim3A_787] : memref<16x64xf32, #tpu.memory_space<vmem>>[vector<16xi32>, vector<16xi32>], vector<16xf32>,
      %broadcast_in_dim3A_789 = arith.constant 13 : i32
      %broadcast_in_dim3A_790 = vector.broadcast %broadcast_in_dim3A_789 : i32 to vector<16xi32>
      tpu.vector_store_idx %arg11[%iota3A, %broadcast_in_dim3A_790], %gather3A_788 : memref<16x128xf32, #tpu.memory_space<vmem>>[vector<16xi32>, vector<16xi32>], vector<16xf32>,
      %broadcast_in_dim3A_791 = arith.constant 13 : i32
      %broadcast_in_dim3A_792 = vector.broadcast %broadcast_in_dim3A_791 : i32 to vector<16xi32>
      %gather3A_793 = tpu.vector_load_idx %arg10[%iota3A, %broadcast_in_dim3A_792] : memref<16x64xf32, #tpu.memory_space<vmem>>[vector<16xi32>, vector<16xi32>], vector<16xf32>,
      %broadcast_in_dim3A_794 = arith.constant 14 : i32
      %broadcast_in_dim3A_795 = vector.broadcast %broadcast_in_dim3A_794 : i32 to vector<16xi32>
      tpu.vector_store_idx %arg11[%iota3A, %broadcast_in_dim3A_795], %gather3A_793 : memref<16x128xf32, #tpu.memory_space<vmem>>[vector<16xi32>, vector<16xi32>], vector<16xf32>,
      %broadcast_in_dim3A_796 = arith.constant 14 : i32
      %broadcast_in_dim3A_797 = vector.broadcast %broadcast_in_dim3A_796 : i32 to vector<16xi32>
      %gather3A_798 = tpu.vector_load_idx %arg10[%iota3A, %broadcast_in_dim3A_797] : memref<16x64xf32, #tpu.memory_space<vmem>>[vector<16xi32>, vector<16xi32>], vector<16xf32>,
      %broadcast_in_dim3A_799 = arith.constant 15 : i32
      %broadcast_in_dim3A_800 = vector.broadcast %broadcast_in_dim3A_799 : i32 to vector<16xi32>
      tpu.vector_store_idx %arg11[%iota3A, %broadcast_in_dim3A_800], %gather3A_798 : memref<16x128xf32, #tpu.memory_space<vmem>>[vector<16xi32>, vector<16xi32>], vector<16xf32>,
      %broadcast_in_dim3A_801 = arith.constant 15 : i32
      %broadcast_in_dim3A_802 = vector.broadcast %broadcast_in_dim3A_801 : i32 to vector<16xi32>
      %gather3A_803 = tpu.vector_load_idx %arg10[%iota3A, %broadcast_in_dim3A_802] : memref<16x64xf32, #tpu.memory_space<vmem>>[vector<16xi32>, vector<16xi32>], vector<16xf32>,
      %broadcast_in_dim3A_804 = arith.constant 16 : i32
      %broadcast_in_dim3A_805 = vector.broadcast %broadcast_in_dim3A_804 : i32 to vector<16xi32>
      tpu.vector_store_idx %arg11[%iota3A, %broadcast_in_dim3A_805], %gather3A_803 : memref<16x128xf32, #tpu.memory_space<vmem>>[vector<16xi32>, vector<16xi32>], vector<16xf32>,
      %broadcast_in_dim3A_806 = arith.constant 16 : i32
      %broadcast_in_dim3A_807 = vector.broadcast %broadcast_in_dim3A_806 : i32 to vector<16xi32>
      %gather3A_808 = tpu.vector_load_idx %arg10[%iota3A, %broadcast_in_dim3A_807] : memref<16x64xf32, #tpu.memory_space<vmem>>[vector<16xi32>, vector<16xi32>], vector<16xf32>,
      %broadcast_in_dim3A_809 = arith.constant 17 : i32
      %broadcast_in_dim3A_810 = vector.broadcast %broadcast_in_dim3A_809 : i32 to vector<16xi32>
      tpu.vector_store_idx %arg11[%iota3A, %broadcast_in_dim3A_810], %gather3A_808 : memref<16x128xf32, #tpu.memory_space<vmem>>[vector<16xi32>, vector<16xi32>], vector<16xf32>,
      %broadcast_in_dim3A_811 = arith.constant 17 : i32
      %broadcast_in_dim3A_812 = vector.broadcast %broadcast_in_dim3A_811 : i32 to vector<16xi32>
      %gather3A_813 = tpu.vector_load_idx %arg10[%iota3A, %broadcast_in_dim3A_812] : memref<16x64xf32, #tpu.memory_space<vmem>>[vector<16xi32>, vector<16xi32>], vector<16xf32>,
      %broadcast_in_dim3A_814 = arith.constant 18 : i32
      %broadcast_in_dim3A_815 = vector.broadcast %broadcast_in_dim3A_814 : i32 to vector<16xi32>
      tpu.vector_store_idx %arg11[%iota3A, %broadcast_in_dim3A_815], %gather3A_813 : memref<16x128xf32, #tpu.memory_space<vmem>>[vector<16xi32>, vector<16xi32>], vector<16xf32>,
      %broadcast_in_dim3A_816 = arith.constant 18 : i32
      %broadcast_in_dim3A_817 = vector.broadcast %broadcast_in_dim3A_816 : i32 to vector<16xi32>
      %gather3A_818 = tpu.vector_load_idx %arg10[%iota3A, %broadcast_in_dim3A_817] : memref<16x64xf32, #tpu.memory_space<vmem>>[vector<16xi32>, vector<16xi32>], vector<16xf32>,
      %broadcast_in_dim3A_819 = arith.constant 19 : i32
      %broadcast_in_dim3A_820 = vector.broadcast %broadcast_in_dim3A_819 : i32 to vector<16xi32>
      tpu.vector_store_idx %arg11[%iota3A, %broadcast_in_dim3A_820], %gather3A_818 : memref<16x128xf32, #tpu.memory_space<vmem>>[vector<16xi32>, vector<16xi32>], vector<16xf32>,
      %broadcast_in_dim3A_821 = arith.constant 19 : i32
      %broadcast_in_dim3A_822 = vector.broadcast %broadcast_in_dim3A_821 : i32 to vector<16xi32>
      %gather3A_823 = tpu.vector_load_idx %arg10[%iota3A, %broadcast_in_dim3A_822] : memref<16x64xf32, #tpu.memory_space<vmem>>[vector<16xi32>, vector<16xi32>], vector<16xf32>,
      %broadcast_in_dim3A_824 = arith.constant 20 : i32
      %broadcast_in_dim3A_825 = vector.broadcast %broadcast_in_dim3A_824 : i32 to vector<16xi32>
      tpu.vector_store_idx %arg11[%iota3A, %broadcast_in_dim3A_825], %gather3A_823 : memref<16x128xf32, #tpu.memory_space<vmem>>[vector<16xi32>, vector<16xi32>], vector<16xf32>,
      %broadcast_in_dim3A_826 = arith.constant 20 : i32
      %broadcast_in_dim3A_827 = vector.broadcast %broadcast_in_dim3A_826 : i32 to vector<16xi32>
      %gather3A_828 = tpu.vector_load_idx %arg10[%iota3A, %broadcast_in_dim3A_827] : memref<16x64xf32, #tpu.memory_space<vmem>>[vector<16xi32>, vector<16xi32>], vector<16xf32>,
      %broadcast_in_dim3A_829 = arith.constant 21 : i32
      %broadcast_in_dim3A_830 = vector.broadcast %broadcast_in_dim3A_829 : i32 to vector<16xi32>
      tpu.vector_store_idx %arg11[%iota3A, %broadcast_in_dim3A_830], %gather3A_828 : memref<16x128xf32, #tpu.memory_space<vmem>>[vector<16xi32>, vector<16xi32>], vector<16xf32>,
      %broadcast_in_dim3A_831 = arith.constant 21 : i32
      %broadcast_in_dim3A_832 = vector.broadcast %broadcast_in_dim3A_831 : i32 to vector<16xi32>
      %gather3A_833 = tpu.vector_load_idx %arg10[%iota3A, %broadcast_in_dim3A_832] : memref<16x64xf32, #tpu.memory_space<vmem>>[vector<16xi32>, vector<16xi32>], vector<16xf32>,
      %broadcast_in_dim3A_834 = arith.constant 22 : i32
      %broadcast_in_dim3A_835 = vector.broadcast %broadcast_in_dim3A_834 : i32 to vector<16xi32>
      tpu.vector_store_idx %arg11[%iota3A, %broadcast_in_dim3A_835], %gather3A_833 : memref<16x128xf32, #tpu.memory_space<vmem>>[vector<16xi32>, vector<16xi32>], vector<16xf32>,
      %broadcast_in_dim3A_836 = arith.constant 22 : i32
      %broadcast_in_dim3A_837 = vector.broadcast %broadcast_in_dim3A_836 : i32 to vector<16xi32>
      %gather3A_838 = tpu.vector_load_idx %arg10[%iota3A, %broadcast_in_dim3A_837] : memref<16x64xf32, #tpu.memory_space<vmem>>[vector<16xi32>, vector<16xi32>], vector<16xf32>,
      %broadcast_in_dim3A_839 = arith.constant 23 : i32
      %broadcast_in_dim3A_840 = vector.broadcast %broadcast_in_dim3A_839 : i32 to vector<16xi32>
      tpu.vector_store_idx %arg11[%iota3A, %broadcast_in_dim3A_840], %gather3A_838 : memref<16x128xf32, #tpu.memory_space<vmem>>[vector<16xi32>, vector<16xi32>], vector<16xf32>,
      %broadcast_in_dim3A_841 = arith.constant 23 : i32
      %broadcast_in_dim3A_842 = vector.broadcast %broadcast_in_dim3A_841 : i32 to vector<16xi32>
      %gather3A_843 = tpu.vector_load_idx %arg10[%iota3A, %broadcast_in_dim3A_842] : memref<16x64xf32, #tpu.memory_space<vmem>>[vector<16xi32>, vector<16xi32>], vector<16xf32>,
      %broadcast_in_dim3A_844 = arith.constant 24 : i32
      %broadcast_in_dim3A_845 = vector.broadcast %broadcast_in_dim3A_844 : i32 to vector<16xi32>
      tpu.vector_store_idx %arg11[%iota3A, %broadcast_in_dim3A_845], %gather3A_843 : memref<16x128xf32, #tpu.memory_space<vmem>>[vector<16xi32>, vector<16xi32>], vector<16xf32>,
      %broadcast_in_dim3A_846 = arith.constant 24 : i32
      %broadcast_in_dim3A_847 = vector.broadcast %broadcast_in_dim3A_846 : i32 to vector<16xi32>
      %gather3A_848 = tpu.vector_load_idx %arg10[%iota3A, %broadcast_in_dim3A_847] : memref<16x64xf32, #tpu.memory_space<vmem>>[vector<16xi32>, vector<16xi32>], vector<16xf32>,
      %broadcast_in_dim3A_849 = arith.constant 25 : i32
      %broadcast_in_dim3A_850 = vector.broadcast %broadcast_in_dim3A_849 : i32 to vector<16xi32>
      tpu.vector_store_idx %arg11[%iota3A, %broadcast_in_dim3A_850], %gather3A_848 : memref<16x128xf32, #tpu.memory_space<vmem>>[vector<16xi32>, vector<16xi32>], vector<16xf32>,
      %broadcast_in_dim3A_851 = arith.constant 25 : i32
      %broadcast_in_dim3A_852 = vector.broadcast %broadcast_in_dim3A_851 : i32 to vector<16xi32>
      %gather3A_853 = tpu.vector_load_idx %arg10[%iota3A, %broadcast_in_dim3A_852] : memref<16x64xf32, #tpu.memory_space<vmem>>[vector<16xi32>, vector<16xi32>], vector<16xf32>,
      %broadcast_in_dim3A_854 = arith.constant 26 : i32
      %broadcast_in_dim3A_855 = vector.broadcast %broadcast_in_dim3A_854 : i32 to vector<16xi32>
      tpu.vector_store_idx %arg11[%iota3A, %broadcast_in_dim3A_855], %gather3A_853 : memref<16x128xf32, #tpu.memory_space<vmem>>[vector<16xi32>, vector<16xi32>], vector<16xf32>,
      %broadcast_in_dim3A_856 = arith.constant 26 : i32
      %broadcast_in_dim3A_857 = vector.broadcast %broadcast_in_dim3A_856 : i32 to vector<16xi32>
      %gather3A_858 = tpu.vector_load_idx %arg10[%iota3A, %broadcast_in_dim3A_857] : memref<16x64xf32, #tpu.memory_space<vmem>>[vector<16xi32>, vector<16xi32>], vector<16xf32>,
      %broadcast_in_dim3A_859 = arith.constant 27 : i32
      %broadcast_in_dim3A_860 = vector.broadcast %broadcast_in_dim3A_859 : i32 to vector<16xi32>
      tpu.vector_store_idx %arg11[%iota3A, %broadcast_in_dim3A_860], %gather3A_858 : memref<16x128xf32, #tpu.memory_space<vmem>>[vector<16xi32>, vector<16xi32>], vector<16xf32>,
      %broadcast_in_dim3A_861 = arith.constant 27 : i32
      %broadcast_in_dim3A_862 = vector.broadcast %broadcast_in_dim3A_861 : i32 to vector<16xi32>
      %gather3A_863 = tpu.vector_load_idx %arg10[%iota3A, %broadcast_in_dim3A_862] : memref<16x64xf32, #tpu.memory_space<vmem>>[vector<16xi32>, vector<16xi32>], vector<16xf32>,
      %broadcast_in_dim3A_864 = arith.constant 28 : i32
      %broadcast_in_dim3A_865 = vector.broadcast %broadcast_in_dim3A_864 : i32 to vector<16xi32>
      tpu.vector_store_idx %arg11[%iota3A, %broadcast_in_dim3A_865], %gather3A_863 : memref<16x128xf32, #tpu.memory_space<vmem>>[vector<16xi32>, vector<16xi32>], vector<16xf32>,
      %broadcast_in_dim3A_866 = arith.constant 28 : i32
      %broadcast_in_dim3A_867 = vector.broadcast %broadcast_in_dim3A_866 : i32 to vector<16xi32>
      %gather3A_868 = tpu.vector_load_idx %arg10[%iota3A, %broadcast_in_dim3A_867] : memref<16x64xf32, #tpu.memory_space<vmem>>[vector<16xi32>, vector<16xi32>], vector<16xf32>,
      %broadcast_in_dim3A_869 = arith.constant 29 : i32
      %broadcast_in_dim3A_870 = vector.broadcast %broadcast_in_dim3A_869 : i32 to vector<16xi32>
      tpu.vector_store_idx %arg11[%iota3A, %broadcast_in_dim3A_870], %gather3A_868 : memref<16x128xf32, #tpu.memory_space<vmem>>[vector<16xi32>, vector<16xi32>], vector<16xf32>,
      %broadcast_in_dim3A_871 = arith.constant 29 : i32
      %broadcast_in_dim3A_872 = vector.broadcast %broadcast_in_dim3A_871 : i32 to vector<16xi32>
      %gather3A_873 = tpu.vector_load_idx %arg10[%iota3A, %broadcast_in_dim3A_872] : memref<16x64xf32, #tpu.memory_space<vmem>>[vector<16xi32>, vector<16xi32>], vector<16xf32>,
      %broadcast_in_dim3A_874 = arith.constant 30 : i32
      %broadcast_in_dim3A_875 = vector.broadcast %broadcast_in_dim3A_874 : i32 to vector<16xi32>
      tpu.vector_store_idx %arg11[%iota3A, %broadcast_in_dim3A_875], %gather3A_873 : memref<16x128xf32, #tpu.memory_space<vmem>>[vector<16xi32>, vector<16xi32>], vector<16xf32>,
      %broadcast_in_dim3A_876 = arith.constant 30 : i32
      %broadcast_in_dim3A_877 = vector.broadcast %broadcast_in_dim3A_876 : i32 to vector<16xi32>
      %gather3A_878 = tpu.vector_load_idx %arg10[%iota3A, %broadcast_in_dim3A_877] : memref<16x64xf32, #tpu.memory_space<vmem>>[vector<16xi32>, vector<16xi32>], vector<16xf32>,
      %broadcast_in_dim3A_879 = arith.constant 31 : i32
      %broadcast_in_dim3A_880 = vector.broadcast %broadcast_in_dim3A_879 : i32 to vector<16xi32>
      tpu.vector_store_idx %arg11[%iota3A, %broadcast_in_dim3A_880], %gather3A_878 : memref<16x128xf32, #tpu.memory_space<vmem>>[vector<16xi32>, vector<16xi32>], vector<16xf32>,
      %broadcast_in_dim3A_881 = arith.constant 31 : i32
      %broadcast_in_dim3A_882 = vector.broadcast %broadcast_in_dim3A_881 : i32 to vector<16xi32>
      %gather3A_883 = tpu.vector_load_idx %arg10[%iota3A, %broadcast_in_dim3A_882] : memref<16x64xf32, #tpu.memory_space<vmem>>[vector<16xi32>, vector<16xi32>], vector<16xf32>,
      %broadcast_in_dim3A_884 = arith.constant 32 : i32
      %broadcast_in_dim3A_885 = vector.broadcast %broadcast_in_dim3A_884 : i32 to vector<16xi32>
      tpu.vector_store_idx %arg11[%iota3A, %broadcast_in_dim3A_885], %gather3A_883 : memref<16x128xf32, #tpu.memory_space<vmem>>[vector<16xi32>, vector<16xi32>], vector<16xf32>,
      %broadcast_in_dim3A_886 = arith.constant 32 : i32
      %broadcast_in_dim3A_887 = vector.broadcast %broadcast_in_dim3A_886 : i32 to vector<16xi32>
      %gather3A_888 = tpu.vector_load_idx %arg10[%iota3A, %broadcast_in_dim3A_887] : memref<16x64xf32, #tpu.memory_space<vmem>>[vector<16xi32>, vector<16xi32>], vector<16xf32>,
      %broadcast_in_dim3A_889 = arith.constant 33 : i32
      %broadcast_in_dim3A_890 = vector.broadcast %broadcast_in_dim3A_889 : i32 to vector<16xi32>
      tpu.vector_store_idx %arg11[%iota3A, %broadcast_in_dim3A_890], %gather3A_888 : memref<16x128xf32, #tpu.memory_space<vmem>>[vector<16xi32>, vector<16xi32>], vector<16xf32>,
      %broadcast_in_dim3A_891 = arith.constant 33 : i32
      %broadcast_in_dim3A_892 = vector.broadcast %broadcast_in_dim3A_891 : i32 to vector<16xi32>
      %gather3A_893 = tpu.vector_load_idx %arg10[%iota3A, %broadcast_in_dim3A_892] : memref<16x64xf32, #tpu.memory_space<vmem>>[vector<16xi32>, vector<16xi32>], vector<16xf32>,
      %broadcast_in_dim3A_894 = arith.constant 34 : i32
      %broadcast_in_dim3A_895 = vector.broadcast %broadcast_in_dim3A_894 : i32 to vector<16xi32>
      tpu.vector_store_idx %arg11[%iota3A, %broadcast_in_dim3A_895], %gather3A_893 : memref<16x128xf32, #tpu.memory_space<vmem>>[vector<16xi32>, vector<16xi32>], vector<16xf32>,
      %broadcast_in_dim3A_896 = arith.constant 34 : i32
      %broadcast_in_dim3A_897 = vector.broadcast %broadcast_in_dim3A_896 : i32 to vector<16xi32>
      %gather3A_898 = tpu.vector_load_idx %arg10[%iota3A, %broadcast_in_dim3A_897] : memref<16x64xf32, #tpu.memory_space<vmem>>[vector<16xi32>, vector<16xi32>], vector<16xf32>,
      %broadcast_in_dim3A_899 = arith.constant 35 : i32
      %broadcast_in_dim3A_900 = vector.broadcast %broadcast_in_dim3A_899 : i32 to vector<16xi32>
      tpu.vector_store_idx %arg11[%iota3A, %broadcast_in_dim3A_900], %gather3A_898 : memref<16x128xf32, #tpu.memory_space<vmem>>[vector<16xi32>, vector<16xi32>], vector<16xf32>,
      %broadcast_in_dim3A_901 = arith.constant 35 : i32
      %broadcast_in_dim3A_902 = vector.broadcast %broadcast_in_dim3A_901 : i32 to vector<16xi32>
      %gather3A_903 = tpu.vector_load_idx %arg10[%iota3A, %broadcast_in_dim3A_902] : memref<16x64xf32, #tpu.memory_space<vmem>>[vector<16xi32>, vector<16xi32>], vector<16xf32>,
      %broadcast_in_dim3A_904 = arith.constant 36 : i32
      %broadcast_in_dim3A_905 = vector.broadcast %broadcast_in_dim3A_904 : i32 to vector<16xi32>
      tpu.vector_store_idx %arg11[%iota3A, %broadcast_in_dim3A_905], %gather3A_903 : memref<16x128xf32, #tpu.memory_space<vmem>>[vector<16xi32>, vector<16xi32>], vector<16xf32>,
      %broadcast_in_dim3A_906 = arith.constant 36 : i32
      %broadcast_in_dim3A_907 = vector.broadcast %broadcast_in_dim3A_906 : i32 to vector<16xi32>
      %gather3A_908 = tpu.vector_load_idx %arg10[%iota3A, %broadcast_in_dim3A_907] : memref<16x64xf32, #tpu.memory_space<vmem>>[vector<16xi32>, vector<16xi32>], vector<16xf32>,
      %broadcast_in_dim3A_909 = arith.constant 37 : i32
      %broadcast_in_dim3A_910 = vector.broadcast %broadcast_in_dim3A_909 : i32 to vector<16xi32>
      tpu.vector_store_idx %arg11[%iota3A, %broadcast_in_dim3A_910], %gather3A_908 : memref<16x128xf32, #tpu.memory_space<vmem>>[vector<16xi32>, vector<16xi32>], vector<16xf32>,
      %broadcast_in_dim3A_911 = arith.constant 37 : i32
      %broadcast_in_dim3A_912 = vector.broadcast %broadcast_in_dim3A_911 : i32 to vector<16xi32>
      %gather3A_913 = tpu.vector_load_idx %arg10[%iota3A, %broadcast_in_dim3A_912] : memref<16x64xf32, #tpu.memory_space<vmem>>[vector<16xi32>, vector<16xi32>], vector<16xf32>,
      %broadcast_in_dim3A_914 = arith.constant 38 : i32
      %broadcast_in_dim3A_915 = vector.broadcast %broadcast_in_dim3A_914 : i32 to vector<16xi32>
      tpu.vector_store_idx %arg11[%iota3A, %broadcast_in_dim3A_915], %gather3A_913 : memref<16x128xf32, #tpu.memory_space<vmem>>[vector<16xi32>, vector<16xi32>], vector<16xf32>,
      %broadcast_in_dim3A_916 = arith.constant 38 : i32
      %broadcast_in_dim3A_917 = vector.broadcast %broadcast_in_dim3A_916 : i32 to vector<16xi32>
      %gather3A_918 = tpu.vector_load_idx %arg10[%iota3A, %broadcast_in_dim3A_917] : memref<16x64xf32, #tpu.memory_space<vmem>>[vector<16xi32>, vector<16xi32>], vector<16xf32>,
      %broadcast_in_dim3A_919 = arith.constant 39 : i32
      %broadcast_in_dim3A_920 = vector.broadcast %broadcast_in_dim3A_919 : i32 to vector<16xi32>
      tpu.vector_store_idx %arg11[%iota3A, %broadcast_in_dim3A_920], %gather3A_918 : memref<16x128xf32, #tpu.memory_space<vmem>>[vector<16xi32>, vector<16xi32>], vector<16xf32>,
      %broadcast_in_dim3A_921 = arith.constant 39 : i32
      %broadcast_in_dim3A_922 = vector.broadcast %broadcast_in_dim3A_921 : i32 to vector<16xi32>
      %gather3A_923 = tpu.vector_load_idx %arg10[%iota3A, %broadcast_in_dim3A_922] : memref<16x64xf32, #tpu.memory_space<vmem>>[vector<16xi32>, vector<16xi32>], vector<16xf32>,
      %broadcast_in_dim3A_924 = arith.constant 40 : i32
      %broadcast_in_dim3A_925 = vector.broadcast %broadcast_in_dim3A_924 : i32 to vector<16xi32>
      tpu.vector_store_idx %arg11[%iota3A, %broadcast_in_dim3A_925], %gather3A_923 : memref<16x128xf32, #tpu.memory_space<vmem>>[vector<16xi32>, vector<16xi32>], vector<16xf32>,
      %broadcast_in_dim3A_926 = arith.constant 40 : i32
      %broadcast_in_dim3A_927 = vector.broadcast %broadcast_in_dim3A_926 : i32 to vector<16xi32>
      %gather3A_928 = tpu.vector_load_idx %arg10[%iota3A, %broadcast_in_dim3A_927] : memref<16x64xf32, #tpu.memory_space<vmem>>[vector<16xi32>, vector<16xi32>], vector<16xf32>,
      %broadcast_in_dim3A_929 = arith.constant 41 : i32
      %broadcast_in_dim3A_930 = vector.broadcast %broadcast_in_dim3A_929 : i32 to vector<16xi32>
      tpu.vector_store_idx %arg11[%iota3A, %broadcast_in_dim3A_930], %gather3A_928 : memref<16x128xf32, #tpu.memory_space<vmem>>[vector<16xi32>, vector<16xi32>], vector<16xf32>,
      %broadcast_in_dim3A_931 = arith.constant 41 : i32
      %broadcast_in_dim3A_932 = vector.broadcast %broadcast_in_dim3A_931 : i32 to vector<16xi32>
      %gather3A_933 = tpu.vector_load_idx %arg10[%iota3A, %broadcast_in_dim3A_932] : memref<16x64xf32, #tpu.memory_space<vmem>>[vector<16xi32>, vector<16xi32>], vector<16xf32>,
      %broadcast_in_dim3A_934 = arith.constant 42 : i32
      %broadcast_in_dim3A_935 = vector.broadcast %broadcast_in_dim3A_934 : i32 to vector<16xi32>
      tpu.vector_store_idx %arg11[%iota3A, %broadcast_in_dim3A_935], %gather3A_933 : memref<16x128xf32, #tpu.memory_space<vmem>>[vector<16xi32>, vector<16xi32>], vector<16xf32>,
      %broadcast_in_dim3A_936 = arith.constant 42 : i32
      %broadcast_in_dim3A_937 = vector.broadcast %broadcast_in_dim3A_936 : i32 to vector<16xi32>
      %gather3A_938 = tpu.vector_load_idx %arg10[%iota3A, %broadcast_in_dim3A_937] : memref<16x64xf32, #tpu.memory_space<vmem>>[vector<16xi32>, vector<16xi32>], vector<16xf32>,
      %broadcast_in_dim3A_939 = arith.constant 43 : i32
      %broadcast_in_dim3A_940 = vector.broadcast %broadcast_in_dim3A_939 : i32 to vector<16xi32>
      tpu.vector_store_idx %arg11[%iota3A, %broadcast_in_dim3A_940], %gather3A_938 : memref<16x128xf32, #tpu.memory_space<vmem>>[vector<16xi32>, vector<16xi32>], vector<16xf32>,
      %broadcast_in_dim3A_941 = arith.constant 43 : i32
      %broadcast_in_dim3A_942 = vector.broadcast %broadcast_in_dim3A_941 : i32 to vector<16xi32>
      %gather3A_943 = tpu.vector_load_idx %arg10[%iota3A, %broadcast_in_dim3A_942] : memref<16x64xf32, #tpu.memory_space<vmem>>[vector<16xi32>, vector<16xi32>], vector<16xf32>,
      %broadcast_in_dim3A_944 = arith.constant 44 : i32
      %broadcast_in_dim3A_945 = vector.broadcast %broadcast_in_dim3A_944 : i32 to vector<16xi32>
      tpu.vector_store_idx %arg11[%iota3A, %broadcast_in_dim3A_945], %gather3A_943 : memref<16x128xf32, #tpu.memory_space<vmem>>[vector<16xi32>, vector<16xi32>], vector<16xf32>,
      %broadcast_in_dim3A_946 = arith.constant 44 : i32
      %broadcast_in_dim3A_947 = vector.broadcast %broadcast_in_dim3A_946 : i32 to vector<16xi32>
      %gather3A_948 = tpu.vector_load_idx %arg10[%iota3A, %broadcast_in_dim3A_947] : memref<16x64xf32, #tpu.memory_space<vmem>>[vector<16xi32>, vector<16xi32>], vector<16xf32>,
      %broadcast_in_dim3A_949 = arith.constant 45 : i32
      %broadcast_in_dim3A_950 = vector.broadcast %broadcast_in_dim3A_949 : i32 to vector<16xi32>
      tpu.vector_store_idx %arg11[%iota3A, %broadcast_in_dim3A_950], %gather3A_948 : memref<16x128xf32, #tpu.memory_space<vmem>>[vector<16xi32>, vector<16xi32>], vector<16xf32>,
      %broadcast_in_dim3A_951 = arith.constant 45 : i32
      %broadcast_in_dim3A_952 = vector.broadcast %broadcast_in_dim3A_951 : i32 to vector<16xi32>
      %gather3A_953 = tpu.vector_load_idx %arg10[%iota3A, %broadcast_in_dim3A_952] : memref<16x64xf32, #tpu.memory_space<vmem>>[vector<16xi32>, vector<16xi32>], vector<16xf32>,
      %broadcast_in_dim3A_954 = arith.constant 46 : i32
      %broadcast_in_dim3A_955 = vector.broadcast %broadcast_in_dim3A_954 : i32 to vector<16xi32>
      tpu.vector_store_idx %arg11[%iota3A, %broadcast_in_dim3A_955], %gather3A_953 : memref<16x128xf32, #tpu.memory_space<vmem>>[vector<16xi32>, vector<16xi32>], vector<16xf32>,
      %broadcast_in_dim3A_956 = arith.constant 46 : i32
      %broadcast_in_dim3A_957 = vector.broadcast %broadcast_in_dim3A_956 : i32 to vector<16xi32>
      %gather3A_958 = tpu.vector_load_idx %arg10[%iota3A, %broadcast_in_dim3A_957] : memref<16x64xf32, #tpu.memory_space<vmem>>[vector<16xi32>, vector<16xi32>], vector<16xf32>,
      %broadcast_in_dim3A_959 = arith.constant 47 : i32
      %broadcast_in_dim3A_960 = vector.broadcast %broadcast_in_dim3A_959 : i32 to vector<16xi32>
      tpu.vector_store_idx %arg11[%iota3A, %broadcast_in_dim3A_960], %gather3A_958 : memref<16x128xf32, #tpu.memory_space<vmem>>[vector<16xi32>, vector<16xi32>], vector<16xf32>,
      %broadcast_in_dim3A_961 = arith.constant 47 : i32
      %broadcast_in_dim3A_962 = vector.broadcast %broadcast_in_dim3A_961 : i32 to vector<16xi32>
      %gather3A_963 = tpu.vector_load_idx %arg10[%iota3A, %broadcast_in_dim3A_962] : memref<16x64xf32, #tpu.memory_space<vmem>>[vector<16xi32>, vector<16xi32>], vector<16xf32>,
      %broadcast_in_dim3A_964 = arith.constant 48 : i32
      %broadcast_in_dim3A_965 = vector.broadcast %broadcast_in_dim3A_964 : i32 to vector<16xi32>
      tpu.vector_store_idx %arg11[%iota3A, %broadcast_in_dim3A_965], %gather3A_963 : memref<16x128xf32, #tpu.memory_space<vmem>>[vector<16xi32>, vector<16xi32>], vector<16xf32>,
      %broadcast_in_dim3A_966 = arith.constant 48 : i32
      %broadcast_in_dim3A_967 = vector.broadcast %broadcast_in_dim3A_966 : i32 to vector<16xi32>
      %gather3A_968 = tpu.vector_load_idx %arg10[%iota3A, %broadcast_in_dim3A_967] : memref<16x64xf32, #tpu.memory_space<vmem>>[vector<16xi32>, vector<16xi32>], vector<16xf32>,
      %broadcast_in_dim3A_969 = arith.constant 49 : i32
      %broadcast_in_dim3A_970 = vector.broadcast %broadcast_in_dim3A_969 : i32 to vector<16xi32>
      tpu.vector_store_idx %arg11[%iota3A, %broadcast_in_dim3A_970], %gather3A_968 : memref<16x128xf32, #tpu.memory_space<vmem>>[vector<16xi32>, vector<16xi32>], vector<16xf32>,
      %broadcast_in_dim3A_971 = arith.constant 49 : i32
      %broadcast_in_dim3A_972 = vector.broadcast %broadcast_in_dim3A_971 : i32 to vector<16xi32>
      %gather3A_973 = tpu.vector_load_idx %arg10[%iota3A, %broadcast_in_dim3A_972] : memref<16x64xf32, #tpu.memory_space<vmem>>[vector<16xi32>, vector<16xi32>], vector<16xf32>,
      %broadcast_in_dim3A_974 = arith.constant 50 : i32
      %broadcast_in_dim3A_975 = vector.broadcast %broadcast_in_dim3A_974 : i32 to vector<16xi32>
      tpu.vector_store_idx %arg11[%iota3A, %broadcast_in_dim3A_975], %gather3A_973 : memref<16x128xf32, #tpu.memory_space<vmem>>[vector<16xi32>, vector<16xi32>], vector<16xf32>,
      %broadcast_in_dim3A_976 = arith.constant 50 : i32
      %broadcast_in_dim3A_977 = vector.broadcast %broadcast_in_dim3A_976 : i32 to vector<16xi32>
      %gather3A_978 = tpu.vector_load_idx %arg10[%iota3A, %broadcast_in_dim3A_977] : memref<16x64xf32, #tpu.memory_space<vmem>>[vector<16xi32>, vector<16xi32>], vector<16xf32>,
      %broadcast_in_dim3A_979 = arith.constant 51 : i32
      %broadcast_in_dim3A_980 = vector.broadcast %broadcast_in_dim3A_979 : i32 to vector<16xi32>
      tpu.vector_store_idx %arg11[%iota3A, %broadcast_in_dim3A_980], %gather3A_978 : memref<16x128xf32, #tpu.memory_space<vmem>>[vector<16xi32>, vector<16xi32>], vector<16xf32>,
      %broadcast_in_dim3A_981 = arith.constant 51 : i32
      %broadcast_in_dim3A_982 = vector.broadcast %broadcast_in_dim3A_981 : i32 to vector<16xi32>
      %gather3A_983 = tpu.vector_load_idx %arg10[%iota3A, %broadcast_in_dim3A_982] : memref<16x64xf32, #tpu.memory_space<vmem>>[vector<16xi32>, vector<16xi32>], vector<16xf32>,
      %broadcast_in_dim3A_984 = arith.constant 52 : i32
      %broadcast_in_dim3A_985 = vector.broadcast %broadcast_in_dim3A_984 : i32 to vector<16xi32>
      tpu.vector_store_idx %arg11[%iota3A, %broadcast_in_dim3A_985], %gather3A_983 : memref<16x128xf32, #tpu.memory_space<vmem>>[vector<16xi32>, vector<16xi32>], vector<16xf32>,
      %broadcast_in_dim3A_986 = arith.constant 52 : i32
      %broadcast_in_dim3A_987 = vector.broadcast %broadcast_in_dim3A_986 : i32 to vector<16xi32>
      %gather3A_988 = tpu.vector_load_idx %arg10[%iota3A, %broadcast_in_dim3A_987] : memref<16x64xf32, #tpu.memory_space<vmem>>[vector<16xi32>, vector<16xi32>], vector<16xf32>,
      %broadcast_in_dim3A_989 = arith.constant 53 : i32
      %broadcast_in_dim3A_990 = vector.broadcast %broadcast_in_dim3A_989 : i32 to vector<16xi32>
      tpu.vector_store_idx %arg11[%iota3A, %broadcast_in_dim3A_990], %gather3A_988 : memref<16x128xf32, #tpu.memory_space<vmem>>[vector<16xi32>, vector<16xi32>], vector<16xf32>,
      %broadcast_in_dim3A_991 = arith.constant 53 : i32
      %broadcast_in_dim3A_992 = vector.broadcast %broadcast_in_dim3A_991 : i32 to vector<16xi32>
      %gather3A_993 = tpu.vector_load_idx %arg10[%iota3A, %broadcast_in_dim3A_992] : memref<16x64xf32, #tpu.memory_space<vmem>>[vector<16xi32>, vector<16xi32>], vector<16xf32>,
      %broadcast_in_dim3A_994 = arith.constant 54 : i32
      %broadcast_in_dim3A_995 = vector.broadcast %broadcast_in_dim3A_994 : i32 to vector<16xi32>
      tpu.vector_store_idx %arg11[%iota3A, %broadcast_in_dim3A_995], %gather3A_993 : memref<16x128xf32, #tpu.memory_space<vmem>>[vector<16xi32>, vector<16xi32>], vector<16xf32>,
      %broadcast_in_dim3A_996 = arith.constant 54 : i32
      %broadcast_in_dim3A_997 = vector.broadcast %broadcast_in_dim3A_996 : i32 to vector<16xi32>
      %gather3A_998 = tpu.vector_load_idx %arg10[%iota3A, %broadcast_in_dim3A_997] : memref<16x64xf32, #tpu.memory_space<vmem>>[vector<16xi32>, vector<16xi32>], vector<16xf32>,
      %broadcast_in_dim3A_999 = arith.constant 55 : i32
      %broadcast_in_dim3A_1000 = vector.broadcast %broadcast_in_dim3A_999 : i32 to vector<16xi32>
      tpu.vector_store_idx %arg11[%iota3A, %broadcast_in_dim3A_1000], %gather3A_998 : memref<16x128xf32, #tpu.memory_space<vmem>>[vector<16xi32>, vector<16xi32>], vector<16xf32>,
      %broadcast_in_dim3A_1001 = arith.constant 55 : i32
      %broadcast_in_dim3A_1002 = vector.broadcast %broadcast_in_dim3A_1001 : i32 to vector<16xi32>
      %gather3A_1003 = tpu.vector_load_idx %arg10[%iota3A, %broadcast_in_dim3A_1002] : memref<16x64xf32, #tpu.memory_space<vmem>>[vector<16xi32>, vector<16xi32>], vector<16xf32>,
      %broadcast_in_dim3A_1004 = arith.constant 56 : i32
      %broadcast_in_dim3A_1005 = vector.broadcast %broadcast_in_dim3A_1004 : i32 to vector<16xi32>
      tpu.vector_store_idx %arg11[%iota3A, %broadcast_in_dim3A_1005], %gather3A_1003 : memref<16x128xf32, #tpu.memory_space<vmem>>[vector<16xi32>, vector<16xi32>], vector<16xf32>,
      %broadcast_in_dim3A_1006 = arith.constant 56 : i32
      %broadcast_in_dim3A_1007 = vector.broadcast %broadcast_in_dim3A_1006 : i32 to vector<16xi32>
      %gather3A_1008 = tpu.vector_load_idx %arg10[%iota3A, %broadcast_in_dim3A_1007] : memref<16x64xf32, #tpu.memory_space<vmem>>[vector<16xi32>, vector<16xi32>], vector<16xf32>,
      %broadcast_in_dim3A_1009 = arith.constant 57 : i32
      %broadcast_in_dim3A_1010 = vector.broadcast %broadcast_in_dim3A_1009 : i32 to vector<16xi32>
      tpu.vector_store_idx %arg11[%iota3A, %broadcast_in_dim3A_1010], %gather3A_1008 : memref<16x128xf32, #tpu.memory_space<vmem>>[vector<16xi32>, vector<16xi32>], vector<16xf32>,
      %broadcast_in_dim3A_1011 = arith.constant 57 : i32
      %broadcast_in_dim3A_1012 = vector.broadcast %broadcast_in_dim3A_1011 : i32 to vector<16xi32>
      %gather3A_1013 = tpu.vector_load_idx %arg10[%iota3A, %broadcast_in_dim3A_1012] : memref<16x64xf32, #tpu.memory_space<vmem>>[vector<16xi32>, vector<16xi32>], vector<16xf32>,
      %broadcast_in_dim3A_1014 = arith.constant 58 : i32
      %broadcast_in_dim3A_1015 = vector.broadcast %broadcast_in_dim3A_1014 : i32 to vector<16xi32>
      tpu.vector_store_idx %arg11[%iota3A, %broadcast_in_dim3A_1015], %gather3A_1013 : memref<16x128xf32, #tpu.memory_space<vmem>>[vector<16xi32>, vector<16xi32>], vector<16xf32>,
      %broadcast_in_dim3A_1016 = arith.constant 58 : i32
      %broadcast_in_dim3A_1017 = vector.broadcast %broadcast_in_dim3A_1016 : i32 to vector<16xi32>
      %gather3A_1018 = tpu.vector_load_idx %arg10[%iota3A, %broadcast_in_dim3A_1017] : memref<16x64xf32, #tpu.memory_space<vmem>>[vector<16xi32>, vector<16xi32>], vector<16xf32>,
      %broadcast_in_dim3A_1019 = arith.constant 59 : i32
      %broadcast_in_dim3A_1020 = vector.broadcast %broadcast_in_dim3A_1019 : i32 to vector<16xi32>
      tpu.vector_store_idx %arg11[%iota3A, %broadcast_in_dim3A_1020], %gather3A_1018 : memref<16x128xf32, #tpu.memory_space<vmem>>[vector<16xi32>, vector<16xi32>], vector<16xf32>,
      %broadcast_in_dim3A_1021 = arith.constant 59 : i32
      %broadcast_in_dim3A_1022 = vector.broadcast %broadcast_in_dim3A_1021 : i32 to vector<16xi32>
      %gather3A_1023 = tpu.vector_load_idx %arg10[%iota3A, %broadcast_in_dim3A_1022] : memref<16x64xf32, #tpu.memory_space<vmem>>[vector<16xi32>, vector<16xi32>], vector<16xf32>,
      %broadcast_in_dim3A_1024 = arith.constant 60 : i32
      %broadcast_in_dim3A_1025 = vector.broadcast %broadcast_in_dim3A_1024 : i32 to vector<16xi32>
      tpu.vector_store_idx %arg11[%iota3A, %broadcast_in_dim3A_1025], %gather3A_1023 : memref<16x128xf32, #tpu.memory_space<vmem>>[vector<16xi32>, vector<16xi32>], vector<16xf32>,
      %broadcast_in_dim3A_1026 = arith.constant 60 : i32
      %broadcast_in_dim3A_1027 = vector.broadcast %broadcast_in_dim3A_1026 : i32 to vector<16xi32>
      %gather3A_1028 = tpu.vector_load_idx %arg10[%iota3A, %broadcast_in_dim3A_1027] : memref<16x64xf32, #tpu.memory_space<vmem>>[vector<16xi32>, vector<16xi32>], vector<16xf32>,
      %broadcast_in_dim3A_1029 = arith.constant 61 : i32
      %broadcast_in_dim3A_1030 = vector.broadcast %broadcast_in_dim3A_1029 : i32 to vector<16xi32>
      tpu.vector_store_idx %arg11[%iota3A, %broadcast_in_dim3A_1030], %gather3A_1028 : memref<16x128xf32, #tpu.memory_space<vmem>>[vector<16xi32>, vector<16xi32>], vector<16xf32>,
      %broadcast_in_dim3A_1031 = arith.constant 61 : i32
      %broadcast_in_dim3A_1032 = vector.broadcast %broadcast_in_dim3A_1031 : i32 to vector<16xi32>
      %gather3A_1033 = tpu.vector_load_idx %arg10[%iota3A, %broadcast_in_dim3A_1032] : memref<16x64xf32, #tpu.memory_space<vmem>>[vector<16xi32>, vector<16xi32>], vector<16xf32>,
      %broadcast_in_dim3A_1034 = arith.constant 62 : i32
      %broadcast_in_dim3A_1035 = vector.broadcast %broadcast_in_dim3A_1034 : i32 to vector<16xi32>
      tpu.vector_store_idx %arg11[%iota3A, %broadcast_in_dim3A_1035], %gather3A_1033 : memref<16x128xf32, #tpu.memory_space<vmem>>[vector<16xi32>, vector<16xi32>], vector<16xf32>,
      %broadcast_in_dim3A_1036 = arith.constant 62 : i32
      %broadcast_in_dim3A_1037 = vector.broadcast %broadcast_in_dim3A_1036 : i32 to vector<16xi32>
      %gather3A_1038 = tpu.vector_load_idx %arg10[%iota3A, %broadcast_in_dim3A_1037] : memref<16x64xf32, #tpu.memory_space<vmem>>[vector<16xi32>, vector<16xi32>], vector<16xf32>,
      %broadcast_in_dim3A_1039 = arith.constant 63 : i32
      %broadcast_in_dim3A_1040 = vector.broadcast %broadcast_in_dim3A_1039 : i32 to vector<16xi32>
      tpu.vector_store_idx %arg11[%iota3A, %broadcast_in_dim3A_1040], %gather3A_1038 : memref<16x128xf32, #tpu.memory_space<vmem>>[vector<16xi32>, vector<16xi32>], vector<16xf32>,
      %broadcast_in_dim3A_1041 = arith.constant 63 : i32
      %broadcast_in_dim3A_1042 = vector.broadcast %broadcast_in_dim3A_1041 : i32 to vector<16xi32>
      %gather3A_1043 = tpu.vector_load_idx %arg10[%iota3A, %broadcast_in_dim3A_1042] : memref<16x64xf32, #tpu.memory_space<vmem>>[vector<16xi32>, vector<16xi32>], vector<16xf32>,
      %broadcast_in_dim3A_1044 = arith.constant 64 : i32
      %broadcast_in_dim3A_1045 = vector.broadcast %broadcast_in_dim3A_1044 : i32 to vector<16xi32>
      tpu.vector_store_idx %arg11[%iota3A, %broadcast_in_dim3A_1045], %gather3A_1043 : memref<16x128xf32, #tpu.memory_space<vmem>>[vector<16xi32>, vector<16xi32>], vector<16xf32>,
      %broadcast_in_dim3A_1046 = arith.constant 65 : i32
      %broadcast_in_dim3A_1047 = vector.broadcast %broadcast_in_dim3A_1046 : i32 to vector<16xi32>
      tpu.vector_store_idx %arg11[%iota3A, %broadcast_in_dim3A_1047], %broadcast_in_dim3A_14 : memref<16x128xf32, #tpu.memory_space<vmem>>[vector<16xi32>, vector<16xi32>], vector<16xf32>,
      %broadcast_in_dim3A_1048 = arith.constant 66 : i32
      %broadcast_in_dim3A_1049 = vector.broadcast %broadcast_in_dim3A_1048 : i32 to vector<16xi32>
      tpu.vector_store_idx %arg11[%iota3A, %broadcast_in_dim3A_1049], %broadcast_in_dim3A_14 : memref<16x128xf32, #tpu.memory_space<vmem>>[vector<16xi32>, vector<16xi32>], vector<16xf32>,
      %broadcast_in_dim3A_1050 = arith.constant 67 : i32
      %broadcast_in_dim3A_1051 = vector.broadcast %broadcast_in_dim3A_1050 : i32 to vector<16xi32>
      tpu.vector_store_idx %arg11[%iota3A, %broadcast_in_dim3A_1051], %broadcast_in_dim3A_14 : memref<16x128xf32, #tpu.memory_space<vmem>>[vector<16xi32>, vector<16xi32>], vector<16xf32>,
      %broadcast_in_dim3A_1052 = arith.constant 68 : i32
      %broadcast_in_dim3A_1053 = vector.broadcast %broadcast_in_dim3A_1052 : i32 to vector<16xi32>
      tpu.vector_store_idx %arg11[%iota3A, %broadcast_in_dim3A_1053], %broadcast_in_dim3A_14 : memref<16x128xf32, #tpu.memory_space<vmem>>[vector<16xi32>, vector<16xi32>], vector<16xf32>,
      %broadcast_in_dim3A_1054 = arith.constant 69 : i32
      %broadcast_in_dim3A_1055 = vector.broadcast %broadcast_in_dim3A_1054 : i32 to vector<16xi32>
      tpu.vector_store_idx %arg11[%iota3A, %broadcast_in_dim3A_1055], %broadcast_in_dim3A_14 : memref<16x128xf32, #tpu.memory_space<vmem>>[vector<16xi32>, vector<16xi32>], vector<16xf32>,
      %broadcast_in_dim3A_1056 = arith.constant 70 : i32
      %broadcast_in_dim3A_1057 = vector.broadcast %broadcast_in_dim3A_1056 : i32 to vector<16xi32>
      tpu.vector_store_idx %arg11[%iota3A, %broadcast_in_dim3A_1057], %broadcast_in_dim3A_14 : memref<16x128xf32, #tpu.memory_space<vmem>>[vector<16xi32>, vector<16xi32>], vector<16xf32>,
      %broadcast_in_dim3A_1058 = arith.constant 71 : i32
      %broadcast_in_dim3A_1059 = vector.broadcast %broadcast_in_dim3A_1058 : i32 to vector<16xi32>
      tpu.vector_store_idx %arg11[%iota3A, %broadcast_in_dim3A_1059], %broadcast_in_dim3A_14 : memref<16x128xf32, #tpu.memory_space<vmem>>[vector<16xi32>, vector<16xi32>], vector<16xf32>,
      %broadcast_in_dim3A_1060 = arith.constant 72 : i32
      %broadcast_in_dim3A_1061 = vector.broadcast %broadcast_in_dim3A_1060 : i32 to vector<16xi32>
      tpu.vector_store_idx %arg11[%iota3A, %broadcast_in_dim3A_1061], %broadcast_in_dim3A_14 : memref<16x128xf32, #tpu.memory_space<vmem>>[vector<16xi32>, vector<16xi32>], vector<16xf32>,
      %broadcast_in_dim3A_1062 = arith.constant 73 : i32
      %broadcast_in_dim3A_1063 = vector.broadcast %broadcast_in_dim3A_1062 : i32 to vector<16xi32>
      tpu.vector_store_idx %arg11[%iota3A, %broadcast_in_dim3A_1063], %broadcast_in_dim3A_14 : memref<16x128xf32, #tpu.memory_space<vmem>>[vector<16xi32>, vector<16xi32>], vector<16xf32>,
      %broadcast_in_dim3A_1064 = arith.constant 74 : i32
      %broadcast_in_dim3A_1065 = vector.broadcast %broadcast_in_dim3A_1064 : i32 to vector<16xi32>
      tpu.vector_store_idx %arg11[%iota3A, %broadcast_in_dim3A_1065], %broadcast_in_dim3A_14 : memref<16x128xf32, #tpu.memory_space<vmem>>[vector<16xi32>, vector<16xi32>], vector<16xf32>,
      %broadcast_in_dim3A_1066 = arith.constant 75 : i32
      %broadcast_in_dim3A_1067 = vector.broadcast %broadcast_in_dim3A_1066 : i32 to vector<16xi32>
      tpu.vector_store_idx %arg11[%iota3A, %broadcast_in_dim3A_1067], %broadcast_in_dim3A_14 : memref<16x128xf32, #tpu.memory_space<vmem>>[vector<16xi32>, vector<16xi32>], vector<16xf32>,
      %broadcast_in_dim3A_1068 = arith.constant 76 : i32
      %broadcast_in_dim3A_1069 = vector.broadcast %broadcast_in_dim3A_1068 : i32 to vector<16xi32>
      tpu.vector_store_idx %arg11[%iota3A, %broadcast_in_dim3A_1069], %broadcast_in_dim3A_14 : memref<16x128xf32, #tpu.memory_space<vmem>>[vector<16xi32>, vector<16xi32>], vector<16xf32>,
      %broadcast_in_dim3A_1070 = arith.constant 77 : i32
      %broadcast_in_dim3A_1071 = vector.broadcast %broadcast_in_dim3A_1070 : i32 to vector<16xi32>
      tpu.vector_store_idx %arg11[%iota3A, %broadcast_in_dim3A_1071], %broadcast_in_dim3A_14 : memref<16x128xf32, #tpu.memory_space<vmem>>[vector<16xi32>, vector<16xi32>], vector<16xf32>,
      %broadcast_in_dim3A_1072 = arith.constant 78 : i32
      %broadcast_in_dim3A_1073 = vector.broadcast %broadcast_in_dim3A_1072 : i32 to vector<16xi32>
      tpu.vector_store_idx %arg11[%iota3A, %broadcast_in_dim3A_1073], %broadcast_in_dim3A_14 : memref<16x128xf32, #tpu.memory_space<vmem>>[vector<16xi32>, vector<16xi32>], vector<16xf32>,
      %broadcast_in_dim3A_1074 = arith.constant 79 : i32
      %broadcast_in_dim3A_1075 = vector.broadcast %broadcast_in_dim3A_1074 : i32 to vector<16xi32>
      tpu.vector_store_idx %arg11[%iota3A, %broadcast_in_dim3A_1075], %broadcast_in_dim3A_14 : memref<16x128xf32, #tpu.memory_space<vmem>>[vector<16xi32>, vector<16xi32>], vector<16xf32>,
      %broadcast_in_dim3A_1076 = arith.constant 80 : i32
      %broadcast_in_dim3A_1077 = vector.broadcast %broadcast_in_dim3A_1076 : i32 to vector<16xi32>
      tpu.vector_store_idx %arg11[%iota3A, %broadcast_in_dim3A_1077], %broadcast_in_dim3A_14 : memref<16x128xf32, #tpu.memory_space<vmem>>[vector<16xi32>, vector<16xi32>], vector<16xf32>,
      %broadcast_in_dim3A_1078 = arith.constant 81 : i32
      %broadcast_in_dim3A_1079 = vector.broadcast %broadcast_in_dim3A_1078 : i32 to vector<16xi32>
      tpu.vector_store_idx %arg11[%iota3A, %broadcast_in_dim3A_1079], %broadcast_in_dim3A_14 : memref<16x128xf32, #tpu.memory_space<vmem>>[vector<16xi32>, vector<16xi32>], vector<16xf32>,
      %broadcast_in_dim3A_1080 = arith.constant 82 : i32
      %broadcast_in_dim3A_1081 = vector.broadcast %broadcast_in_dim3A_1080 : i32 to vector<16xi32>
      tpu.vector_store_idx %arg11[%iota3A, %broadcast_in_dim3A_1081], %broadcast_in_dim3A_14 : memref<16x128xf32, #tpu.memory_space<vmem>>[vector<16xi32>, vector<16xi32>], vector<16xf32>,
      %broadcast_in_dim3A_1082 = arith.constant 83 : i32
      %broadcast_in_dim3A_1083 = vector.broadcast %broadcast_in_dim3A_1082 : i32 to vector<16xi32>
      tpu.vector_store_idx %arg11[%iota3A, %broadcast_in_dim3A_1083], %broadcast_in_dim3A_14 : memref<16x128xf32, #tpu.memory_space<vmem>>[vector<16xi32>, vector<16xi32>], vector<16xf32>,
      %broadcast_in_dim3A_1084 = arith.constant 84 : i32
      %broadcast_in_dim3A_1085 = vector.broadcast %broadcast_in_dim3A_1084 : i32 to vector<16xi32>
      tpu.vector_store_idx %arg11[%iota3A, %broadcast_in_dim3A_1085], %broadcast_in_dim3A_14 : memref<16x128xf32, #tpu.memory_space<vmem>>[vector<16xi32>, vector<16xi32>], vector<16xf32>,
      %broadcast_in_dim3A_1086 = arith.constant 85 : i32
      %broadcast_in_dim3A_1087 = vector.broadcast %broadcast_in_dim3A_1086 : i32 to vector<16xi32>
      tpu.vector_store_idx %arg11[%iota3A, %broadcast_in_dim3A_1087], %broadcast_in_dim3A_14 : memref<16x128xf32, #tpu.memory_space<vmem>>[vector<16xi32>, vector<16xi32>], vector<16xf32>,
      %broadcast_in_dim3A_1088 = arith.constant 86 : i32
      %broadcast_in_dim3A_1089 = vector.broadcast %broadcast_in_dim3A_1088 : i32 to vector<16xi32>
      tpu.vector_store_idx %arg11[%iota3A, %broadcast_in_dim3A_1089], %broadcast_in_dim3A_14 : memref<16x128xf32, #tpu.memory_space<vmem>>[vector<16xi32>, vector<16xi32>], vector<16xf32>,
      %broadcast_in_dim3A_1090 = arith.constant 87 : i32
      %broadcast_in_dim3A_1091 = vector.broadcast %broadcast_in_dim3A_1090 : i32 to vector<16xi32>
      tpu.vector_store_idx %arg11[%iota3A, %broadcast_in_dim3A_1091], %broadcast_in_dim3A_14 : memref<16x128xf32, #tpu.memory_space<vmem>>[vector<16xi32>, vector<16xi32>], vector<16xf32>,
      %broadcast_in_dim3A_1092 = arith.constant 88 : i32
      %broadcast_in_dim3A_1093 = vector.broadcast %broadcast_in_dim3A_1092 : i32 to vector<16xi32>
      tpu.vector_store_idx %arg11[%iota3A, %broadcast_in_dim3A_1093], %broadcast_in_dim3A_14 : memref<16x128xf32, #tpu.memory_space<vmem>>[vector<16xi32>, vector<16xi32>], vector<16xf32>,
      %broadcast_in_dim3A_1094 = arith.constant 89 : i32
      %broadcast_in_dim3A_1095 = vector.broadcast %broadcast_in_dim3A_1094 : i32 to vector<16xi32>
      tpu.vector_store_idx %arg11[%iota3A, %broadcast_in_dim3A_1095], %broadcast_in_dim3A_14 : memref<16x128xf32, #tpu.memory_space<vmem>>[vector<16xi32>, vector<16xi32>], vector<16xf32>,
      %broadcast_in_dim3A_1096 = arith.constant 90 : i32
      %broadcast_in_dim3A_1097 = vector.broadcast %broadcast_in_dim3A_1096 : i32 to vector<16xi32>
      tpu.vector_store_idx %arg11[%iota3A, %broadcast_in_dim3A_1097], %broadcast_in_dim3A_14 : memref<16x128xf32, #tpu.memory_space<vmem>>[vector<16xi32>, vector<16xi32>], vector<16xf32>,
      %broadcast_in_dim3A_1098 = arith.constant 91 : i32
      %broadcast_in_dim3A_1099 = vector.broadcast %broadcast_in_dim3A_1098 : i32 to vector<16xi32>
      tpu.vector_store_idx %arg11[%iota3A, %broadcast_in_dim3A_1099], %broadcast_in_dim3A_14 : memref<16x128xf32, #tpu.memory_space<vmem>>[vector<16xi32>, vector<16xi32>], vector<16xf32>,
      %broadcast_in_dim3A_1100 = arith.constant 92 : i32
      %broadcast_in_dim3A_1101 = vector.broadcast %broadcast_in_dim3A_1100 : i32 to vector<16xi32>
      tpu.vector_store_idx %arg11[%iota3A, %broadcast_in_dim3A_1101], %broadcast_in_dim3A_14 : memref<16x128xf32, #tpu.memory_space<vmem>>[vector<16xi32>, vector<16xi32>], vector<16xf32>,
      %broadcast_in_dim3A_1102 = arith.constant 93 : i32
      %broadcast_in_dim3A_1103 = vector.broadcast %broadcast_in_dim3A_1102 : i32 to vector<16xi32>
      tpu.vector_store_idx %arg11[%iota3A, %broadcast_in_dim3A_1103], %broadcast_in_dim3A_14 : memref<16x128xf32, #tpu.memory_space<vmem>>[vector<16xi32>, vector<16xi32>], vector<16xf32>,
      %broadcast_in_dim3A_1104 = arith.constant 94 : i32
      %broadcast_in_dim3A_1105 = vector.broadcast %broadcast_in_dim3A_1104 : i32 to vector<16xi32>
      tpu.vector_store_idx %arg11[%iota3A, %broadcast_in_dim3A_1105], %broadcast_in_dim3A_14 : memref<16x128xf32, #tpu.memory_space<vmem>>[vector<16xi32>, vector<16xi32>], vector<16xf32>,
      %broadcast_in_dim3A_1106 = arith.constant 95 : i32
      %broadcast_in_dim3A_1107 = vector.broadcast %broadcast_in_dim3A_1106 : i32 to vector<16xi32>
      tpu.vector_store_idx %arg11[%iota3A, %broadcast_in_dim3A_1107], %broadcast_in_dim3A_14 : memref<16x128xf32, #tpu.memory_space<vmem>>[vector<16xi32>, vector<16xi32>], vector<16xf32>,
      %broadcast_in_dim3A_1108 = arith.constant 96 : i32
      %broadcast_in_dim3A_1109 = vector.broadcast %broadcast_in_dim3A_1108 : i32 to vector<16xi32>
      tpu.vector_store_idx %arg11[%iota3A, %broadcast_in_dim3A_1109], %broadcast_in_dim3A_14 : memref<16x128xf32, #tpu.memory_space<vmem>>[vector<16xi32>, vector<16xi32>], vector<16xf32>,
      %broadcast_in_dim3A_1110 = arith.constant 97 : i32
      %broadcast_in_dim3A_1111 = vector.broadcast %broadcast_in_dim3A_1110 : i32 to vector<16xi32>
      tpu.vector_store_idx %arg11[%iota3A, %broadcast_in_dim3A_1111], %broadcast_in_dim3A_14 : memref<16x128xf32, #tpu.memory_space<vmem>>[vector<16xi32>, vector<16xi32>], vector<16xf32>,
      %broadcast_in_dim3A_1112 = arith.constant 98 : i32
      %broadcast_in_dim3A_1113 = vector.broadcast %broadcast_in_dim3A_1112 : i32 to vector<16xi32>
      tpu.vector_store_idx %arg11[%iota3A, %broadcast_in_dim3A_1113], %broadcast_in_dim3A_14 : memref<16x128xf32, #tpu.memory_space<vmem>>[vector<16xi32>, vector<16xi32>], vector<16xf32>,
      %broadcast_in_dim3A_1114 = arith.constant 99 : i32
      %broadcast_in_dim3A_1115 = vector.broadcast %broadcast_in_dim3A_1114 : i32 to vector<16xi32>
      tpu.vector_store_idx %arg11[%iota3A, %broadcast_in_dim3A_1115], %broadcast_in_dim3A_14 : memref<16x128xf32, #tpu.memory_space<vmem>>[vector<16xi32>, vector<16xi32>], vector<16xf32>,
      %broadcast_in_dim3A_1116 = arith.constant 100 : i32
      %broadcast_in_dim3A_1117 = vector.broadcast %broadcast_in_dim3A_1116 : i32 to vector<16xi32>
      tpu.vector_store_idx %arg11[%iota3A, %broadcast_in_dim3A_1117], %broadcast_in_dim3A_14 : memref<16x128xf32, #tpu.memory_space<vmem>>[vector<16xi32>, vector<16xi32>], vector<16xf32>,
      %broadcast_in_dim3A_1118 = arith.constant 101 : i32
      %broadcast_in_dim3A_1119 = vector.broadcast %broadcast_in_dim3A_1118 : i32 to vector<16xi32>
      tpu.vector_store_idx %arg11[%iota3A, %broadcast_in_dim3A_1119], %broadcast_in_dim3A_14 : memref<16x128xf32, #tpu.memory_space<vmem>>[vector<16xi32>, vector<16xi32>], vector<16xf32>,
      %broadcast_in_dim3A_1120 = arith.constant 102 : i32
      %broadcast_in_dim3A_1121 = vector.broadcast %broadcast_in_dim3A_1120 : i32 to vector<16xi32>
      tpu.vector_store_idx %arg11[%iota3A, %broadcast_in_dim3A_1121], %broadcast_in_dim3A_14 : memref<16x128xf32, #tpu.memory_space<vmem>>[vector<16xi32>, vector<16xi32>], vector<16xf32>,
      %broadcast_in_dim3A_1122 = arith.constant 103 : i32
      %broadcast_in_dim3A_1123 = vector.broadcast %broadcast_in_dim3A_1122 : i32 to vector<16xi32>
      tpu.vector_store_idx %arg11[%iota3A, %broadcast_in_dim3A_1123], %broadcast_in_dim3A_14 : memref<16x128xf32, #tpu.memory_space<vmem>>[vector<16xi32>, vector<16xi32>], vector<16xf32>,
      %broadcast_in_dim3A_1124 = arith.constant 104 : i32
      %broadcast_in_dim3A_1125 = vector.broadcast %broadcast_in_dim3A_1124 : i32 to vector<16xi32>
      tpu.vector_store_idx %arg11[%iota3A, %broadcast_in_dim3A_1125], %broadcast_in_dim3A_14 : memref<16x128xf32, #tpu.memory_space<vmem>>[vector<16xi32>, vector<16xi32>], vector<16xf32>,
      %broadcast_in_dim3A_1126 = arith.constant 105 : i32
      %broadcast_in_dim3A_1127 = vector.broadcast %broadcast_in_dim3A_1126 : i32 to vector<16xi32>
      tpu.vector_store_idx %arg11[%iota3A, %broadcast_in_dim3A_1127], %broadcast_in_dim3A_14 : memref<16x128xf32, #tpu.memory_space<vmem>>[vector<16xi32>, vector<16xi32>], vector<16xf32>,
      %broadcast_in_dim3A_1128 = arith.constant 106 : i32
      %broadcast_in_dim3A_1129 = vector.broadcast %broadcast_in_dim3A_1128 : i32 to vector<16xi32>
      tpu.vector_store_idx %arg11[%iota3A, %broadcast_in_dim3A_1129], %broadcast_in_dim3A_14 : memref<16x128xf32, #tpu.memory_space<vmem>>[vector<16xi32>, vector<16xi32>], vector<16xf32>,
      %broadcast_in_dim3A_1130 = arith.constant 107 : i32
      %broadcast_in_dim3A_1131 = vector.broadcast %broadcast_in_dim3A_1130 : i32 to vector<16xi32>
      tpu.vector_store_idx %arg11[%iota3A, %broadcast_in_dim3A_1131], %broadcast_in_dim3A_14 : memref<16x128xf32, #tpu.memory_space<vmem>>[vector<16xi32>, vector<16xi32>], vector<16xf32>,
      %broadcast_in_dim3A_1132 = arith.constant 108 : i32
      %broadcast_in_dim3A_1133 = vector.broadcast %broadcast_in_dim3A_1132 : i32 to vector<16xi32>
      tpu.vector_store_idx %arg11[%iota3A, %broadcast_in_dim3A_1133], %broadcast_in_dim3A_14 : memref<16x128xf32, #tpu.memory_space<vmem>>[vector<16xi32>, vector<16xi32>], vector<16xf32>,
      %broadcast_in_dim3A_1134 = arith.constant 109 : i32
      %broadcast_in_dim3A_1135 = vector.broadcast %broadcast_in_dim3A_1134 : i32 to vector<16xi32>
      tpu.vector_store_idx %arg11[%iota3A, %broadcast_in_dim3A_1135], %broadcast_in_dim3A_14 : memref<16x128xf32, #tpu.memory_space<vmem>>[vector<16xi32>, vector<16xi32>], vector<16xf32>,
      %broadcast_in_dim3A_1136 = arith.constant 110 : i32
      %broadcast_in_dim3A_1137 = vector.broadcast %broadcast_in_dim3A_1136 : i32 to vector<16xi32>
      tpu.vector_store_idx %arg11[%iota3A, %broadcast_in_dim3A_1137], %broadcast_in_dim3A_14 : memref<16x128xf32, #tpu.memory_space<vmem>>[vector<16xi32>, vector<16xi32>], vector<16xf32>,
      %broadcast_in_dim3A_1138 = arith.constant 111 : i32
      %broadcast_in_dim3A_1139 = vector.broadcast %broadcast_in_dim3A_1138 : i32 to vector<16xi32>
      tpu.vector_store_idx %arg11[%iota3A, %broadcast_in_dim3A_1139], %broadcast_in_dim3A_14 : memref<16x128xf32, #tpu.memory_space<vmem>>[vector<16xi32>, vector<16xi32>], vector<16xf32>,
      %broadcast_in_dim3A_1140 = arith.constant 112 : i32
      %broadcast_in_dim3A_1141 = vector.broadcast %broadcast_in_dim3A_1140 : i32 to vector<16xi32>
      tpu.vector_store_idx %arg11[%iota3A, %broadcast_in_dim3A_1141], %broadcast_in_dim3A_14 : memref<16x128xf32, #tpu.memory_space<vmem>>[vector<16xi32>, vector<16xi32>], vector<16xf32>,
      %broadcast_in_dim3A_1142 = arith.constant 113 : i32
      %broadcast_in_dim3A_1143 = vector.broadcast %broadcast_in_dim3A_1142 : i32 to vector<16xi32>
      tpu.vector_store_idx %arg11[%iota3A, %broadcast_in_dim3A_1143], %broadcast_in_dim3A_14 : memref<16x128xf32, #tpu.memory_space<vmem>>[vector<16xi32>, vector<16xi32>], vector<16xf32>,
      %broadcast_in_dim3A_1144 = arith.constant 114 : i32
      %broadcast_in_dim3A_1145 = vector.broadcast %broadcast_in_dim3A_1144 : i32 to vector<16xi32>
      tpu.vector_store_idx %arg11[%iota3A, %broadcast_in_dim3A_1145], %broadcast_in_dim3A_14 : memref<16x128xf32, #tpu.memory_space<vmem>>[vector<16xi32>, vector<16xi32>], vector<16xf32>,
      %broadcast_in_dim3A_1146 = arith.constant 115 : i32
      %broadcast_in_dim3A_1147 = vector.broadcast %broadcast_in_dim3A_1146 : i32 to vector<16xi32>
      tpu.vector_store_idx %arg11[%iota3A, %broadcast_in_dim3A_1147], %broadcast_in_dim3A_14 : memref<16x128xf32, #tpu.memory_space<vmem>>[vector<16xi32>, vector<16xi32>], vector<16xf32>,
      %broadcast_in_dim3A_1148 = arith.constant 116 : i32
      %broadcast_in_dim3A_1149 = vector.broadcast %broadcast_in_dim3A_1148 : i32 to vector<16xi32>
      tpu.vector_store_idx %arg11[%iota3A, %broadcast_in_dim3A_1149], %broadcast_in_dim3A_14 : memref<16x128xf32, #tpu.memory_space<vmem>>[vector<16xi32>, vector<16xi32>], vector<16xf32>,
      %broadcast_in_dim3A_1150 = arith.constant 117 : i32
      %broadcast_in_dim3A_1151 = vector.broadcast %broadcast_in_dim3A_1150 : i32 to vector<16xi32>
      tpu.vector_store_idx %arg11[%iota3A, %broadcast_in_dim3A_1151], %broadcast_in_dim3A_14 : memref<16x128xf32, #tpu.memory_space<vmem>>[vector<16xi32>, vector<16xi32>], vector<16xf32>,
      %broadcast_in_dim3A_1152 = arith.constant 118 : i32
      %broadcast_in_dim3A_1153 = vector.broadcast %broadcast_in_dim3A_1152 : i32 to vector<16xi32>
      tpu.vector_store_idx %arg11[%iota3A, %broadcast_in_dim3A_1153], %broadcast_in_dim3A_14 : memref<16x128xf32, #tpu.memory_space<vmem>>[vector<16xi32>, vector<16xi32>], vector<16xf32>,
      %broadcast_in_dim3A_1154 = arith.constant 119 : i32
      %broadcast_in_dim3A_1155 = vector.broadcast %broadcast_in_dim3A_1154 : i32 to vector<16xi32>
      tpu.vector_store_idx %arg11[%iota3A, %broadcast_in_dim3A_1155], %broadcast_in_dim3A_14 : memref<16x128xf32, #tpu.memory_space<vmem>>[vector<16xi32>, vector<16xi32>], vector<16xf32>,
      %broadcast_in_dim3A_1156 = arith.constant 120 : i32
      %broadcast_in_dim3A_1157 = vector.broadcast %broadcast_in_dim3A_1156 : i32 to vector<16xi32>
      tpu.vector_store_idx %arg11[%iota3A, %broadcast_in_dim3A_1157], %broadcast_in_dim3A_14 : memref<16x128xf32, #tpu.memory_space<vmem>>[vector<16xi32>, vector<16xi32>], vector<16xf32>,
      %broadcast_in_dim3A_1158 = arith.constant 121 : i32
      %broadcast_in_dim3A_1159 = vector.broadcast %broadcast_in_dim3A_1158 : i32 to vector<16xi32>
      tpu.vector_store_idx %arg11[%iota3A, %broadcast_in_dim3A_1159], %broadcast_in_dim3A_14 : memref<16x128xf32, #tpu.memory_space<vmem>>[vector<16xi32>, vector<16xi32>], vector<16xf32>,
      %broadcast_in_dim3A_1160 = arith.constant 122 : i32
      %broadcast_in_dim3A_1161 = vector.broadcast %broadcast_in_dim3A_1160 : i32 to vector<16xi32>
      tpu.vector_store_idx %arg11[%iota3A, %broadcast_in_dim3A_1161], %broadcast_in_dim3A_14 : memref<16x128xf32, #tpu.memory_space<vmem>>[vector<16xi32>, vector<16xi32>], vector<16xf32>,
      %broadcast_in_dim3A_1162 = arith.constant 123 : i32
      %broadcast_in_dim3A_1163 = vector.broadcast %broadcast_in_dim3A_1162 : i32 to vector<16xi32>
      tpu.vector_store_idx %arg11[%iota3A, %broadcast_in_dim3A_1163], %broadcast_in_dim3A_14 : memref<16x128xf32, #tpu.memory_space<vmem>>[vector<16xi32>, vector<16xi32>], vector<16xf32>,
      %broadcast_in_dim3A_1164 = arith.constant 124 : i32
      %broadcast_in_dim3A_1165 = vector.broadcast %broadcast_in_dim3A_1164 : i32 to vector<16xi32>
      tpu.vector_store_idx %arg11[%iota3A, %broadcast_in_dim3A_1165], %broadcast_in_dim3A_14 : memref<16x128xf32, #tpu.memory_space<vmem>>[vector<16xi32>, vector<16xi32>], vector<16xf32>,
      %broadcast_in_dim3A_1166 = arith.constant 125 : i32
      %broadcast_in_dim3A_1167 = vector.broadcast %broadcast_in_dim3A_1166 : i32 to vector<16xi32>
      tpu.vector_store_idx %arg11[%iota3A, %broadcast_in_dim3A_1167], %broadcast_in_dim3A_14 : memref<16x128xf32, #tpu.memory_space<vmem>>[vector<16xi32>, vector<16xi32>], vector<16xf32>,
      %broadcast_in_dim3A_1168 = arith.constant 126 : i32
      %broadcast_in_dim3A_1169 = vector.broadcast %broadcast_in_dim3A_1168 : i32 to vector<16xi32>
      tpu.vector_store_idx %arg11[%iota3A, %broadcast_in_dim3A_1169], %broadcast_in_dim3A_14 : memref<16x128xf32, #tpu.memory_space<vmem>>[vector<16xi32>, vector<16xi32>], vector<16xf32>,
      %broadcast_in_dim3A_1170 = arith.constant 127 : i32
      %broadcast_in_dim3A_1171 = vector.broadcast %broadcast_in_dim3A_1170 : i32 to vector<16xi32>
      tpu.vector_store_idx %arg11[%iota3A, %broadcast_in_dim3A_1171], %broadcast_in_dim3A_14 : memref<16x128xf32, #tpu.memory_space<vmem>>[vector<16xi32>, vector<16xi32>], vector<16xf32>,
      "tpu.region"() ({
        %run_scoped3A = tpu.sem_alloc : memref<!tpu.dma_semaphore, #tpu.memory_space<semaphore_mem>>
        tpu.enqueue_dma source(%arg11 : memref<16x128xf32, #tpu.memory_space<vmem>>) target(%arg5 : memref<16x128xf32, #tpu.memory_space<vmem_shared>>) target_semaphore(%run_scoped3A : memref<!tpu.dma_semaphore, #tpu.memory_space<semaphore_mem>>)
        tpu.wait_dma2 semaphore(%run_scoped3A : memref<!tpu.dma_semaphore, #tpu.memory_space<semaphore_mem>>) src(%arg11 : memref<16x128xf32, #tpu.memory_space<vmem>>) dst(%arg5 : memref<16x128xf32, #tpu.memory_space<vmem_shared>>)
        tpu.yield
      }) : () -> ()
    } else {
    }
    %add3A_17 = arith.constant 0 : i32
    %add3A_18 = vector.broadcast %add3A_17 : i32 to vector<16xi32>
    %add3A_19 = arith.addi %iota3A, %add3A_18 : vector<16xi32>
    tpu.vector_store_idx %arg9[%add3A_19, %broadcast_in_dim3A_6], %broadcast_in_dim3A_14 : memref<512x1xf32, #tpu.memory_space<vmem>>[vector<16xi32>, vector<16xi32>], vector<16xf32>,
    %add3A_20 = arith.constant 16 : i32
    %add3A_21 = vector.broadcast %add3A_20 : i32 to vector<16xi32>
    %add3A_22 = arith.addi %iota3A, %add3A_21 : vector<16xi32>
    tpu.vector_store_idx %arg9[%add3A_22, %broadcast_in_dim3A_6], %broadcast_in_dim3A_14 : memref<512x1xf32, #tpu.memory_space<vmem>>[vector<16xi32>, vector<16xi32>], vector<16xf32>,
    %add3A_23 = arith.constant 32 : i32
    %add3A_24 = vector.broadcast %add3A_23 : i32 to vector<16xi32>
    %add3A_25 = arith.addi %iota3A, %add3A_24 : vector<16xi32>
    tpu.vector_store_idx %arg9[%add3A_25, %broadcast_in_dim3A_6], %broadcast_in_dim3A_14 : memref<512x1xf32, #tpu.memory_space<vmem>>[vector<16xi32>, vector<16xi32>], vector<16xf32>,
    %add3A_26 = arith.constant 48 : i32
    %add3A_27 = vector.broadcast %add3A_26 : i32 to vector<16xi32>
    %add3A_28 = arith.addi %iota3A, %add3A_27 : vector<16xi32>
    tpu.vector_store_idx %arg9[%add3A_28, %broadcast_in_dim3A_6], %broadcast_in_dim3A_14 : memref<512x1xf32, #tpu.memory_space<vmem>>[vector<16xi32>, vector<16xi32>], vector<16xf32>,
    %add3A_29 = arith.constant 64 : i32
    %add3A_30 = vector.broadcast %add3A_29 : i32 to vector<16xi32>
    %add3A_31 = arith.addi %iota3A, %add3A_30 : vector<16xi32>
    tpu.vector_store_idx %arg9[%add3A_31, %broadcast_in_dim3A_6], %broadcast_in_dim3A_14 : memref<512x1xf32, #tpu.memory_space<vmem>>[vector<16xi32>, vector<16xi32>], vector<16xf32>,
    %add3A_32 = arith.constant 80 : i32
    %add3A_33 = vector.broadcast %add3A_32 : i32 to vector<16xi32>
    %add3A_34 = arith.addi %iota3A, %add3A_33 : vector<16xi32>
    tpu.vector_store_idx %arg9[%add3A_34, %broadcast_in_dim3A_6], %broadcast_in_dim3A_14 : memref<512x1xf32, #tpu.memory_space<vmem>>[vector<16xi32>, vector<16xi32>], vector<16xf32>,
    %add3A_35 = arith.constant 96 : i32
    %add3A_36 = vector.broadcast %add3A_35 : i32 to vector<16xi32>
    %add3A_37 = arith.addi %iota3A, %add3A_36 : vector<16xi32>
    tpu.vector_store_idx %arg9[%add3A_37, %broadcast_in_dim3A_6], %broadcast_in_dim3A_14 : memref<512x1xf32, #tpu.memory_space<vmem>>[vector<16xi32>, vector<16xi32>], vector<16xf32>,
    %add3A_38 = arith.constant 112 : i32
    %add3A_39 = vector.broadcast %add3A_38 : i32 to vector<16xi32>
    %add3A_40 = arith.addi %iota3A, %add3A_39 : vector<16xi32>
    tpu.vector_store_idx %arg9[%add3A_40, %broadcast_in_dim3A_6], %broadcast_in_dim3A_14 : memref<512x1xf32, #tpu.memory_space<vmem>>[vector<16xi32>, vector<16xi32>], vector<16xf32>,
    %add3A_41 = arith.constant 128 : i32
    %add3A_42 = vector.broadcast %add3A_41 : i32 to vector<16xi32>
    %add3A_43 = arith.addi %iota3A, %add3A_42 : vector<16xi32>
    tpu.vector_store_idx %arg9[%add3A_43, %broadcast_in_dim3A_6], %broadcast_in_dim3A_14 : memref<512x1xf32, #tpu.memory_space<vmem>>[vector<16xi32>, vector<16xi32>], vector<16xf32>,
    %add3A_44 = arith.constant 144 : i32
    %add3A_45 = vector.broadcast %add3A_44 : i32 to vector<16xi32>
    %add3A_46 = arith.addi %iota3A, %add3A_45 : vector<16xi32>
    tpu.vector_store_idx %arg9[%add3A_46, %broadcast_in_dim3A_6], %broadcast_in_dim3A_14 : memref<512x1xf32, #tpu.memory_space<vmem>>[vector<16xi32>, vector<16xi32>], vector<16xf32>,
    %add3A_47 = arith.constant 160 : i32
    %add3A_48 = vector.broadcast %add3A_47 : i32 to vector<16xi32>
    %add3A_49 = arith.addi %iota3A, %add3A_48 : vector<16xi32>
    tpu.vector_store_idx %arg9[%add3A_49, %broadcast_in_dim3A_6], %broadcast_in_dim3A_14 : memref<512x1xf32, #tpu.memory_space<vmem>>[vector<16xi32>, vector<16xi32>], vector<16xf32>,
    %add3A_50 = arith.constant 176 : i32
    %add3A_51 = vector.broadcast %add3A_50 : i32 to vector<16xi32>
    %add3A_52 = arith.addi %iota3A, %add3A_51 : vector<16xi32>
    tpu.vector_store_idx %arg9[%add3A_52, %broadcast_in_dim3A_6], %broadcast_in_dim3A_14 : memref<512x1xf32, #tpu.memory_space<vmem>>[vector<16xi32>, vector<16xi32>], vector<16xf32>,
    %add3A_53 = arith.constant 192 : i32
    %add3A_54 = vector.broadcast %add3A_53 : i32 to vector<16xi32>
    %add3A_55 = arith.addi %iota3A, %add3A_54 : vector<16xi32>
    tpu.vector_store_idx %arg9[%add3A_55, %broadcast_in_dim3A_6], %broadcast_in_dim3A_14 : memref<512x1xf32, #tpu.memory_space<vmem>>[vector<16xi32>, vector<16xi32>], vector<16xf32>,
    %add3A_56 = arith.constant 208 : i32
    %add3A_57 = vector.broadcast %add3A_56 : i32 to vector<16xi32>
    %add3A_58 = arith.addi %iota3A, %add3A_57 : vector<16xi32>
    tpu.vector_store_idx %arg9[%add3A_58, %broadcast_in_dim3A_6], %broadcast_in_dim3A_14 : memref<512x1xf32, #tpu.memory_space<vmem>>[vector<16xi32>, vector<16xi32>], vector<16xf32>,
    %add3A_59 = arith.constant 224 : i32
    %add3A_60 = vector.broadcast %add3A_59 : i32 to vector<16xi32>
    %add3A_61 = arith.addi %iota3A, %add3A_60 : vector<16xi32>
    tpu.vector_store_idx %arg9[%add3A_61, %broadcast_in_dim3A_6], %broadcast_in_dim3A_14 : memref<512x1xf32, #tpu.memory_space<vmem>>[vector<16xi32>, vector<16xi32>], vector<16xf32>,
    %add3A_62 = arith.constant 240 : i32
    %add3A_63 = vector.broadcast %add3A_62 : i32 to vector<16xi32>
    %add3A_64 = arith.addi %iota3A, %add3A_63 : vector<16xi32>
    tpu.vector_store_idx %arg9[%add3A_64, %broadcast_in_dim3A_6], %broadcast_in_dim3A_14 : memref<512x1xf32, #tpu.memory_space<vmem>>[vector<16xi32>, vector<16xi32>], vector<16xf32>,
    %add3A_65 = arith.constant 256 : i32
    %add3A_66 = vector.broadcast %add3A_65 : i32 to vector<16xi32>
    %add3A_67 = arith.addi %iota3A, %add3A_66 : vector<16xi32>
    tpu.vector_store_idx %arg9[%add3A_67, %broadcast_in_dim3A_6], %broadcast_in_dim3A_14 : memref<512x1xf32, #tpu.memory_space<vmem>>[vector<16xi32>, vector<16xi32>], vector<16xf32>,
    %add3A_68 = arith.constant 272 : i32
    %add3A_69 = vector.broadcast %add3A_68 : i32 to vector<16xi32>
    %add3A_70 = arith.addi %iota3A, %add3A_69 : vector<16xi32>
    tpu.vector_store_idx %arg9[%add3A_70, %broadcast_in_dim3A_6], %broadcast_in_dim3A_14 : memref<512x1xf32, #tpu.memory_space<vmem>>[vector<16xi32>, vector<16xi32>], vector<16xf32>,
    %add3A_71 = arith.constant 288 : i32
    %add3A_72 = vector.broadcast %add3A_71 : i32 to vector<16xi32>
    %add3A_73 = arith.addi %iota3A, %add3A_72 : vector<16xi32>
    tpu.vector_store_idx %arg9[%add3A_73, %broadcast_in_dim3A_6], %broadcast_in_dim3A_14 : memref<512x1xf32, #tpu.memory_space<vmem>>[vector<16xi32>, vector<16xi32>], vector<16xf32>,
    %add3A_74 = arith.constant 304 : i32
    %add3A_75 = vector.broadcast %add3A_74 : i32 to vector<16xi32>
    %add3A_76 = arith.addi %iota3A, %add3A_75 : vector<16xi32>
    tpu.vector_store_idx %arg9[%add3A_76, %broadcast_in_dim3A_6], %broadcast_in_dim3A_14 : memref<512x1xf32, #tpu.memory_space<vmem>>[vector<16xi32>, vector<16xi32>], vector<16xf32>,
    %add3A_77 = arith.constant 320 : i32
    %add3A_78 = vector.broadcast %add3A_77 : i32 to vector<16xi32>
    %add3A_79 = arith.addi %iota3A, %add3A_78 : vector<16xi32>
    tpu.vector_store_idx %arg9[%add3A_79, %broadcast_in_dim3A_6], %broadcast_in_dim3A_14 : memref<512x1xf32, #tpu.memory_space<vmem>>[vector<16xi32>, vector<16xi32>], vector<16xf32>,
    %add3A_80 = arith.constant 336 : i32
    %add3A_81 = vector.broadcast %add3A_80 : i32 to vector<16xi32>
    %add3A_82 = arith.addi %iota3A, %add3A_81 : vector<16xi32>
    tpu.vector_store_idx %arg9[%add3A_82, %broadcast_in_dim3A_6], %broadcast_in_dim3A_14 : memref<512x1xf32, #tpu.memory_space<vmem>>[vector<16xi32>, vector<16xi32>], vector<16xf32>,
    %add3A_83 = arith.constant 352 : i32
    %add3A_84 = vector.broadcast %add3A_83 : i32 to vector<16xi32>
    %add3A_85 = arith.addi %iota3A, %add3A_84 : vector<16xi32>
    tpu.vector_store_idx %arg9[%add3A_85, %broadcast_in_dim3A_6], %broadcast_in_dim3A_14 : memref<512x1xf32, #tpu.memory_space<vmem>>[vector<16xi32>, vector<16xi32>], vector<16xf32>,
    %add3A_86 = arith.constant 368 : i32
    %add3A_87 = vector.broadcast %add3A_86 : i32 to vector<16xi32>
    %add3A_88 = arith.addi %iota3A, %add3A_87 : vector<16xi32>
    tpu.vector_store_idx %arg9[%add3A_88, %broadcast_in_dim3A_6], %broadcast_in_dim3A_14 : memref<512x1xf32, #tpu.memory_space<vmem>>[vector<16xi32>, vector<16xi32>], vector<16xf32>,
    %add3A_89 = arith.constant 384 : i32
    %add3A_90 = vector.broadcast %add3A_89 : i32 to vector<16xi32>
    %add3A_91 = arith.addi %iota3A, %add3A_90 : vector<16xi32>
    tpu.vector_store_idx %arg9[%add3A_91, %broadcast_in_dim3A_6], %broadcast_in_dim3A_14 : memref<512x1xf32, #tpu.memory_space<vmem>>[vector<16xi32>, vector<16xi32>], vector<16xf32>,
    %add3A_92 = arith.constant 400 : i32
    %add3A_93 = vector.broadcast %add3A_92 : i32 to vector<16xi32>
    %add3A_94 = arith.addi %iota3A, %add3A_93 : vector<16xi32>
    tpu.vector_store_idx %arg9[%add3A_94, %broadcast_in_dim3A_6], %broadcast_in_dim3A_14 : memref<512x1xf32, #tpu.memory_space<vmem>>[vector<16xi32>, vector<16xi32>], vector<16xf32>,
    %add3A_95 = arith.constant 416 : i32
    %add3A_96 = vector.broadcast %add3A_95 : i32 to vector<16xi32>
    %add3A_97 = arith.addi %iota3A, %add3A_96 : vector<16xi32>
    tpu.vector_store_idx %arg9[%add3A_97, %broadcast_in_dim3A_6], %broadcast_in_dim3A_14 : memref<512x1xf32, #tpu.memory_space<vmem>>[vector<16xi32>, vector<16xi32>], vector<16xf32>,
    %add3A_98 = arith.constant 432 : i32
    %add3A_99 = vector.broadcast %add3A_98 : i32 to vector<16xi32>
    %add3A_100 = arith.addi %iota3A, %add3A_99 : vector<16xi32>
    tpu.vector_store_idx %arg9[%add3A_100, %broadcast_in_dim3A_6], %broadcast_in_dim3A_14 : memref<512x1xf32, #tpu.memory_space<vmem>>[vector<16xi32>, vector<16xi32>], vector<16xf32>,
    %add3A_101 = arith.constant 448 : i32
    %add3A_102 = vector.broadcast %add3A_101 : i32 to vector<16xi32>
    %add3A_103 = arith.addi %iota3A, %add3A_102 : vector<16xi32>
    tpu.vector_store_idx %arg9[%add3A_103, %broadcast_in_dim3A_6], %broadcast_in_dim3A_14 : memref<512x1xf32, #tpu.memory_space<vmem>>[vector<16xi32>, vector<16xi32>], vector<16xf32>,
    %add3A_104 = arith.constant 464 : i32
    %add3A_105 = vector.broadcast %add3A_104 : i32 to vector<16xi32>
    %add3A_106 = arith.addi %iota3A, %add3A_105 : vector<16xi32>
    tpu.vector_store_idx %arg9[%add3A_106, %broadcast_in_dim3A_6], %broadcast_in_dim3A_14 : memref<512x1xf32, #tpu.memory_space<vmem>>[vector<16xi32>, vector<16xi32>], vector<16xf32>,
    %add3A_107 = arith.constant 480 : i32
    %add3A_108 = vector.broadcast %add3A_107 : i32 to vector<16xi32>
    %add3A_109 = arith.addi %iota3A, %add3A_108 : vector<16xi32>
    tpu.vector_store_idx %arg9[%add3A_109, %broadcast_in_dim3A_6], %broadcast_in_dim3A_14 : memref<512x1xf32, #tpu.memory_space<vmem>>[vector<16xi32>, vector<16xi32>], vector<16xf32>,
    %add3A_110 = arith.constant 496 : i32
    %add3A_111 = vector.broadcast %add3A_110 : i32 to vector<16xi32>
    %add3A_112 = arith.addi %iota3A, %add3A_111 : vector<16xi32>
    tpu.vector_store_idx %arg9[%add3A_112, %broadcast_in_dim3A_6], %broadcast_in_dim3A_14 : memref<512x1xf32, #tpu.memory_space<vmem>>[vector<16xi32>, vector<16xi32>], vector<16xf32>,
    %dma_start3A_113 = arith.constant 128 : i32
    %dma_start3A_114 = tpu.memref_slice %arg4[%mul3A_2, %dma_start3A_113] : memref<16384x129xf32, #tpu.memory_space<hbm>> -> memref<512x1xf32, #tpu.memory_space<hbm>>
    %dma_start3A_115 = arith.constant 128 : i32
    %dma_start3A_116 = tpu.memref_slice %arg4[%mul3A_2, %dma_start3A_115] : memref<16384x129xf32, #tpu.memory_space<hbm>> -> memref<512x1xf32, #tpu.memory_space<hbm>>
    tpu.enqueue_dma source(%arg9 : memref<512x1xf32, #tpu.memory_space<vmem>>) target(%dma_start3A_116 : memref<512x1xf32, #tpu.memory_space<hbm>>) target_semaphore(%arg16 : memref<!tpu.dma_semaphore, #tpu.memory_space<semaphore_mem>>)
    %barrier3A = arith.constant 0 : index
    tpu.barrier barrier_id(%barrier3A)
    %dma_wait3A = arith.constant 0 : i32
    %dma_wait3A_117 = tpu.memref_slice %arg2[%mul3A_2, %dma_wait3A] : memref<16384x130xf32, #tpu.memory_space<hbm>> -> memref<512x2xf32, #tpu.memory_space<hbm>>
    %dma_wait3A_118 = arith.constant 0 : i32
    %dma_wait3A_119 = tpu.memref_slice %arg2[%mul3A_2, %dma_wait3A_118] : memref<16384x130xf32, #tpu.memory_space<hbm>> -> memref<512x2xf32, #tpu.memory_space<hbm>>
    tpu.wait_dma2 semaphore(%arg12 : memref<!tpu.dma_semaphore, #tpu.memory_space<semaphore_mem>>) src(%dma_wait3A_119 : memref<512x2xf32, #tpu.memory_space<hbm>>) dst(%arg6 : memref<512x2xf32, #tpu.memory_space<vmem>>)
    %add3A_120 = arith.constant 0 : i32
    %add3A_121 = vector.broadcast %add3A_120 : i32 to vector<16xi32>
    %add3A_122 = arith.addi %iota3A, %add3A_121 : vector<16xi32>
    %gather3A = tpu.vector_load_idx %arg6[%add3A_122, %broadcast_in_dim3A_8] : memref<512x2xf32, #tpu.memory_space<vmem>>[vector<16xi32>, vector<16xi32>], vector<16xf32>,
    %convert_element_type3A_123 = arith.fptosi %gather3A : vector<16xf32> to vector<16xi32>
    %max3A = arith.maxsi %convert_element_type3A_123, %broadcast_in_dim3A_10 : vector<16xi32>
    %min3A = arith.minsi %max3A, %broadcast_in_dim3A_12 : vector<16xi32>
    %swap3A = arith.constant 0 : i32
    %swap3A_124 = arith.index_cast %swap3A : i32 to index
    %swap3A_125 = arith.constant 0 : index
    %swap3A_126 = tpu.vector_load %arg7[%swap3A_124, %swap3A_125] {strides = array<i32>} : memref<4x128xi32, #tpu.memory_space<vmem>>, vector<16xi32>,
    tpu.vector_store %arg7[%swap3A_124, %swap3A_125], %min3A {strides = array<i32>} : memref<4x128xi32, #tpu.memory_space<vmem>>, vector<16xi32>,
    %add3A_127 = arith.constant 16 : i32
    %add3A_128 = vector.broadcast %add3A_127 : i32 to vector<16xi32>
    %add3A_129 = arith.addi %iota3A, %add3A_128 : vector<16xi32>
    %gather3A_130 = tpu.vector_load_idx %arg6[%add3A_129, %broadcast_in_dim3A_8] : memref<512x2xf32, #tpu.memory_space<vmem>>[vector<16xi32>, vector<16xi32>], vector<16xf32>,
    %convert_element_type3A_131 = arith.fptosi %gather3A_130 : vector<16xf32> to vector<16xi32>
    %max3A_132 = arith.maxsi %convert_element_type3A_131, %broadcast_in_dim3A_10 : vector<16xi32>
    %min3A_133 = arith.minsi %max3A_132, %broadcast_in_dim3A_12 : vector<16xi32>
    %swap3A_134 = arith.constant 0 : i32
    %swap3A_135 = arith.index_cast %swap3A_134 : i32 to index
    %swap3A_136 = arith.constant 16 : index
    %swap3A_137 = tpu.vector_load %arg7[%swap3A_135, %swap3A_136] {strides = array<i32>} : memref<4x128xi32, #tpu.memory_space<vmem>>, vector<16xi32>,
    tpu.vector_store %arg7[%swap3A_135, %swap3A_136], %min3A_133 {strides = array<i32>} : memref<4x128xi32, #tpu.memory_space<vmem>>, vector<16xi32>,
    %add3A_138 = arith.constant 32 : i32
    %add3A_139 = vector.broadcast %add3A_138 : i32 to vector<16xi32>
    %add3A_140 = arith.addi %iota3A, %add3A_139 : vector<16xi32>
    %gather3A_141 = tpu.vector_load_idx %arg6[%add3A_140, %broadcast_in_dim3A_8] : memref<512x2xf32, #tpu.memory_space<vmem>>[vector<16xi32>, vector<16xi32>], vector<16xf32>,
    %convert_element_type3A_142 = arith.fptosi %gather3A_141 : vector<16xf32> to vector<16xi32>
    %max3A_143 = arith.maxsi %convert_element_type3A_142, %broadcast_in_dim3A_10 : vector<16xi32>
    %min3A_144 = arith.minsi %max3A_143, %broadcast_in_dim3A_12 : vector<16xi32>
    %swap3A_145 = arith.constant 0 : i32
    %swap3A_146 = arith.index_cast %swap3A_145 : i32 to index
    %swap3A_147 = arith.constant 32 : index
    %swap3A_148 = tpu.vector_load %arg7[%swap3A_146, %swap3A_147] {strides = array<i32>} : memref<4x128xi32, #tpu.memory_space<vmem>>, vector<16xi32>,
    tpu.vector_store %arg7[%swap3A_146, %swap3A_147], %min3A_144 {strides = array<i32>} : memref<4x128xi32, #tpu.memory_space<vmem>>, vector<16xi32>,
    %add3A_149 = arith.constant 48 : i32
    %add3A_150 = vector.broadcast %add3A_149 : i32 to vector<16xi32>
    %add3A_151 = arith.addi %iota3A, %add3A_150 : vector<16xi32>
    %gather3A_152 = tpu.vector_load_idx %arg6[%add3A_151, %broadcast_in_dim3A_8] : memref<512x2xf32, #tpu.memory_space<vmem>>[vector<16xi32>, vector<16xi32>], vector<16xf32>,
    %convert_element_type3A_153 = arith.fptosi %gather3A_152 : vector<16xf32> to vector<16xi32>
    %max3A_154 = arith.maxsi %convert_element_type3A_153, %broadcast_in_dim3A_10 : vector<16xi32>
    %min3A_155 = arith.minsi %max3A_154, %broadcast_in_dim3A_12 : vector<16xi32>
    %swap3A_156 = arith.constant 0 : i32
    %swap3A_157 = arith.index_cast %swap3A_156 : i32 to index
    %swap3A_158 = arith.constant 48 : index
    %swap3A_159 = tpu.vector_load %arg7[%swap3A_157, %swap3A_158] {strides = array<i32>} : memref<4x128xi32, #tpu.memory_space<vmem>>, vector<16xi32>,
    tpu.vector_store %arg7[%swap3A_157, %swap3A_158], %min3A_155 {strides = array<i32>} : memref<4x128xi32, #tpu.memory_space<vmem>>, vector<16xi32>,
    %add3A_160 = arith.constant 64 : i32
    %add3A_161 = vector.broadcast %add3A_160 : i32 to vector<16xi32>
    %add3A_162 = arith.addi %iota3A, %add3A_161 : vector<16xi32>
    %gather3A_163 = tpu.vector_load_idx %arg6[%add3A_162, %broadcast_in_dim3A_8] : memref<512x2xf32, #tpu.memory_space<vmem>>[vector<16xi32>, vector<16xi32>], vector<16xf32>,
    %convert_element_type3A_164 = arith.fptosi %gather3A_163 : vector<16xf32> to vector<16xi32>
    %max3A_165 = arith.maxsi %convert_element_type3A_164, %broadcast_in_dim3A_10 : vector<16xi32>
    %min3A_166 = arith.minsi %max3A_165, %broadcast_in_dim3A_12 : vector<16xi32>
    %swap3A_167 = arith.constant 0 : i32
    %swap3A_168 = arith.index_cast %swap3A_167 : i32 to index
    %swap3A_169 = arith.constant 64 : index
    %swap3A_170 = tpu.vector_load %arg7[%swap3A_168, %swap3A_169] {strides = array<i32>} : memref<4x128xi32, #tpu.memory_space<vmem>>, vector<16xi32>,
    tpu.vector_store %arg7[%swap3A_168, %swap3A_169], %min3A_166 {strides = array<i32>} : memref<4x128xi32, #tpu.memory_space<vmem>>, vector<16xi32>,
    %add3A_171 = arith.constant 80 : i32
    %add3A_172 = vector.broadcast %add3A_171 : i32 to vector<16xi32>
    %add3A_173 = arith.addi %iota3A, %add3A_172 : vector<16xi32>
    %gather3A_174 = tpu.vector_load_idx %arg6[%add3A_173, %broadcast_in_dim3A_8] : memref<512x2xf32, #tpu.memory_space<vmem>>[vector<16xi32>, vector<16xi32>], vector<16xf32>,
    %convert_element_type3A_175 = arith.fptosi %gather3A_174 : vector<16xf32> to vector<16xi32>
    %max3A_176 = arith.maxsi %convert_element_type3A_175, %broadcast_in_dim3A_10 : vector<16xi32>
    %min3A_177 = arith.minsi %max3A_176, %broadcast_in_dim3A_12 : vector<16xi32>
    %swap3A_178 = arith.constant 0 : i32
    %swap3A_179 = arith.index_cast %swap3A_178 : i32 to index
    %swap3A_180 = arith.constant 80 : index
    %swap3A_181 = tpu.vector_load %arg7[%swap3A_179, %swap3A_180] {strides = array<i32>} : memref<4x128xi32, #tpu.memory_space<vmem>>, vector<16xi32>,
    tpu.vector_store %arg7[%swap3A_179, %swap3A_180], %min3A_177 {strides = array<i32>} : memref<4x128xi32, #tpu.memory_space<vmem>>, vector<16xi32>,
    %add3A_182 = arith.constant 96 : i32
    %add3A_183 = vector.broadcast %add3A_182 : i32 to vector<16xi32>
    %add3A_184 = arith.addi %iota3A, %add3A_183 : vector<16xi32>
    %gather3A_185 = tpu.vector_load_idx %arg6[%add3A_184, %broadcast_in_dim3A_8] : memref<512x2xf32, #tpu.memory_space<vmem>>[vector<16xi32>, vector<16xi32>], vector<16xf32>,
    %convert_element_type3A_186 = arith.fptosi %gather3A_185 : vector<16xf32> to vector<16xi32>
    %max3A_187 = arith.maxsi %convert_element_type3A_186, %broadcast_in_dim3A_10 : vector<16xi32>
    %min3A_188 = arith.minsi %max3A_187, %broadcast_in_dim3A_12 : vector<16xi32>
    %swap3A_189 = arith.constant 0 : i32
    %swap3A_190 = arith.index_cast %swap3A_189 : i32 to index
    %swap3A_191 = arith.constant 96 : index
    %swap3A_192 = tpu.vector_load %arg7[%swap3A_190, %swap3A_191] {strides = array<i32>} : memref<4x128xi32, #tpu.memory_space<vmem>>, vector<16xi32>,
    tpu.vector_store %arg7[%swap3A_190, %swap3A_191], %min3A_188 {strides = array<i32>} : memref<4x128xi32, #tpu.memory_space<vmem>>, vector<16xi32>,
    %add3A_193 = arith.constant 112 : i32
    %add3A_194 = vector.broadcast %add3A_193 : i32 to vector<16xi32>
    %add3A_195 = arith.addi %iota3A, %add3A_194 : vector<16xi32>
    %gather3A_196 = tpu.vector_load_idx %arg6[%add3A_195, %broadcast_in_dim3A_8] : memref<512x2xf32, #tpu.memory_space<vmem>>[vector<16xi32>, vector<16xi32>], vector<16xf32>,
    %convert_element_type3A_197 = arith.fptosi %gather3A_196 : vector<16xf32> to vector<16xi32>
    %max3A_198 = arith.maxsi %convert_element_type3A_197, %broadcast_in_dim3A_10 : vector<16xi32>
    %min3A_199 = arith.minsi %max3A_198, %broadcast_in_dim3A_12 : vector<16xi32>
    %swap3A_200 = arith.constant 0 : i32
    %swap3A_201 = arith.index_cast %swap3A_200 : i32 to index
    %swap3A_202 = arith.constant 112 : index
    %swap3A_203 = tpu.vector_load %arg7[%swap3A_201, %swap3A_202] {strides = array<i32>} : memref<4x128xi32, #tpu.memory_space<vmem>>, vector<16xi32>,
    tpu.vector_store %arg7[%swap3A_201, %swap3A_202], %min3A_199 {strides = array<i32>} : memref<4x128xi32, #tpu.memory_space<vmem>>, vector<16xi32>,
    %add3A_204 = arith.constant 128 : i32
    %add3A_205 = vector.broadcast %add3A_204 : i32 to vector<16xi32>
    %add3A_206 = arith.addi %iota3A, %add3A_205 : vector<16xi32>
    %gather3A_207 = tpu.vector_load_idx %arg6[%add3A_206, %broadcast_in_dim3A_8] : memref<512x2xf32, #tpu.memory_space<vmem>>[vector<16xi32>, vector<16xi32>], vector<16xf32>,
    %convert_element_type3A_208 = arith.fptosi %gather3A_207 : vector<16xf32> to vector<16xi32>
    %max3A_209 = arith.maxsi %convert_element_type3A_208, %broadcast_in_dim3A_10 : vector<16xi32>
    %min3A_210 = arith.minsi %max3A_209, %broadcast_in_dim3A_12 : vector<16xi32>
    %swap3A_211 = arith.constant 1 : i32
    %swap3A_212 = arith.index_cast %swap3A_211 : i32 to index
    %swap3A_213 = arith.constant 0 : index
    %swap3A_214 = tpu.vector_load %arg7[%swap3A_212, %swap3A_213] {strides = array<i32>} : memref<4x128xi32, #tpu.memory_space<vmem>>, vector<16xi32>,
    tpu.vector_store %arg7[%swap3A_212, %swap3A_213], %min3A_210 {strides = array<i32>} : memref<4x128xi32, #tpu.memory_space<vmem>>, vector<16xi32>,
    %add3A_215 = arith.constant 144 : i32
    %add3A_216 = vector.broadcast %add3A_215 : i32 to vector<16xi32>
    %add3A_217 = arith.addi %iota3A, %add3A_216 : vector<16xi32>
    %gather3A_218 = tpu.vector_load_idx %arg6[%add3A_217, %broadcast_in_dim3A_8] : memref<512x2xf32, #tpu.memory_space<vmem>>[vector<16xi32>, vector<16xi32>], vector<16xf32>,
    %convert_element_type3A_219 = arith.fptosi %gather3A_218 : vector<16xf32> to vector<16xi32>
    %max3A_220 = arith.maxsi %convert_element_type3A_219, %broadcast_in_dim3A_10 : vector<16xi32>
    %min3A_221 = arith.minsi %max3A_220, %broadcast_in_dim3A_12 : vector<16xi32>
    %swap3A_222 = arith.constant 1 : i32
    %swap3A_223 = arith.index_cast %swap3A_222 : i32 to index
    %swap3A_224 = arith.constant 16 : index
    %swap3A_225 = tpu.vector_load %arg7[%swap3A_223, %swap3A_224] {strides = array<i32>} : memref<4x128xi32, #tpu.memory_space<vmem>>, vector<16xi32>,
    tpu.vector_store %arg7[%swap3A_223, %swap3A_224], %min3A_221 {strides = array<i32>} : memref<4x128xi32, #tpu.memory_space<vmem>>, vector<16xi32>,
    %add3A_226 = arith.constant 160 : i32
    %add3A_227 = vector.broadcast %add3A_226 : i32 to vector<16xi32>
    %add3A_228 = arith.addi %iota3A, %add3A_227 : vector<16xi32>
    %gather3A_229 = tpu.vector_load_idx %arg6[%add3A_228, %broadcast_in_dim3A_8] : memref<512x2xf32, #tpu.memory_space<vmem>>[vector<16xi32>, vector<16xi32>], vector<16xf32>,
    %convert_element_type3A_230 = arith.fptosi %gather3A_229 : vector<16xf32> to vector<16xi32>
    %max3A_231 = arith.maxsi %convert_element_type3A_230, %broadcast_in_dim3A_10 : vector<16xi32>
    %min3A_232 = arith.minsi %max3A_231, %broadcast_in_dim3A_12 : vector<16xi32>
    %swap3A_233 = arith.constant 1 : i32
    %swap3A_234 = arith.index_cast %swap3A_233 : i32 to index
    %swap3A_235 = arith.constant 32 : index
    %swap3A_236 = tpu.vector_load %arg7[%swap3A_234, %swap3A_235] {strides = array<i32>} : memref<4x128xi32, #tpu.memory_space<vmem>>, vector<16xi32>,
    tpu.vector_store %arg7[%swap3A_234, %swap3A_235], %min3A_232 {strides = array<i32>} : memref<4x128xi32, #tpu.memory_space<vmem>>, vector<16xi32>,
    %add3A_237 = arith.constant 176 : i32
    %add3A_238 = vector.broadcast %add3A_237 : i32 to vector<16xi32>
    %add3A_239 = arith.addi %iota3A, %add3A_238 : vector<16xi32>
    %gather3A_240 = tpu.vector_load_idx %arg6[%add3A_239, %broadcast_in_dim3A_8] : memref<512x2xf32, #tpu.memory_space<vmem>>[vector<16xi32>, vector<16xi32>], vector<16xf32>,
    %convert_element_type3A_241 = arith.fptosi %gather3A_240 : vector<16xf32> to vector<16xi32>
    %max3A_242 = arith.maxsi %convert_element_type3A_241, %broadcast_in_dim3A_10 : vector<16xi32>
    %min3A_243 = arith.minsi %max3A_242, %broadcast_in_dim3A_12 : vector<16xi32>
    %swap3A_244 = arith.constant 1 : i32
    %swap3A_245 = arith.index_cast %swap3A_244 : i32 to index
    %swap3A_246 = arith.constant 48 : index
    %swap3A_247 = tpu.vector_load %arg7[%swap3A_245, %swap3A_246] {strides = array<i32>} : memref<4x128xi32, #tpu.memory_space<vmem>>, vector<16xi32>,
    tpu.vector_store %arg7[%swap3A_245, %swap3A_246], %min3A_243 {strides = array<i32>} : memref<4x128xi32, #tpu.memory_space<vmem>>, vector<16xi32>,
    %add3A_248 = arith.constant 192 : i32
    %add3A_249 = vector.broadcast %add3A_248 : i32 to vector<16xi32>
    %add3A_250 = arith.addi %iota3A, %add3A_249 : vector<16xi32>
    %gather3A_251 = tpu.vector_load_idx %arg6[%add3A_250, %broadcast_in_dim3A_8] : memref<512x2xf32, #tpu.memory_space<vmem>>[vector<16xi32>, vector<16xi32>], vector<16xf32>,
    %convert_element_type3A_252 = arith.fptosi %gather3A_251 : vector<16xf32> to vector<16xi32>
    %max3A_253 = arith.maxsi %convert_element_type3A_252, %broadcast_in_dim3A_10 : vector<16xi32>
    %min3A_254 = arith.minsi %max3A_253, %broadcast_in_dim3A_12 : vector<16xi32>
    %swap3A_255 = arith.constant 1 : i32
    %swap3A_256 = arith.index_cast %swap3A_255 : i32 to index
    %swap3A_257 = arith.constant 64 : index
    %swap3A_258 = tpu.vector_load %arg7[%swap3A_256, %swap3A_257] {strides = array<i32>} : memref<4x128xi32, #tpu.memory_space<vmem>>, vector<16xi32>,
    tpu.vector_store %arg7[%swap3A_256, %swap3A_257], %min3A_254 {strides = array<i32>} : memref<4x128xi32, #tpu.memory_space<vmem>>, vector<16xi32>,
    %add3A_259 = arith.constant 208 : i32
    %add3A_260 = vector.broadcast %add3A_259 : i32 to vector<16xi32>
    %add3A_261 = arith.addi %iota3A, %add3A_260 : vector<16xi32>
    %gather3A_262 = tpu.vector_load_idx %arg6[%add3A_261, %broadcast_in_dim3A_8] : memref<512x2xf32, #tpu.memory_space<vmem>>[vector<16xi32>, vector<16xi32>], vector<16xf32>,
    %convert_element_type3A_263 = arith.fptosi %gather3A_262 : vector<16xf32> to vector<16xi32>
    %max3A_264 = arith.maxsi %convert_element_type3A_263, %broadcast_in_dim3A_10 : vector<16xi32>
    %min3A_265 = arith.minsi %max3A_264, %broadcast_in_dim3A_12 : vector<16xi32>
    %swap3A_266 = arith.constant 1 : i32
    %swap3A_267 = arith.index_cast %swap3A_266 : i32 to index
    %swap3A_268 = arith.constant 80 : index
    %swap3A_269 = tpu.vector_load %arg7[%swap3A_267, %swap3A_268] {strides = array<i32>} : memref<4x128xi32, #tpu.memory_space<vmem>>, vector<16xi32>,
    tpu.vector_store %arg7[%swap3A_267, %swap3A_268], %min3A_265 {strides = array<i32>} : memref<4x128xi32, #tpu.memory_space<vmem>>, vector<16xi32>,
    %add3A_270 = arith.constant 224 : i32
    %add3A_271 = vector.broadcast %add3A_270 : i32 to vector<16xi32>
    %add3A_272 = arith.addi %iota3A, %add3A_271 : vector<16xi32>
    %gather3A_273 = tpu.vector_load_idx %arg6[%add3A_272, %broadcast_in_dim3A_8] : memref<512x2xf32, #tpu.memory_space<vmem>>[vector<16xi32>, vector<16xi32>], vector<16xf32>,
    %convert_element_type3A_274 = arith.fptosi %gather3A_273 : vector<16xf32> to vector<16xi32>
    %max3A_275 = arith.maxsi %convert_element_type3A_274, %broadcast_in_dim3A_10 : vector<16xi32>
    %min3A_276 = arith.minsi %max3A_275, %broadcast_in_dim3A_12 : vector<16xi32>
    %swap3A_277 = arith.constant 1 : i32
    %swap3A_278 = arith.index_cast %swap3A_277 : i32 to index
    %swap3A_279 = arith.constant 96 : index
    %swap3A_280 = tpu.vector_load %arg7[%swap3A_278, %swap3A_279] {strides = array<i32>} : memref<4x128xi32, #tpu.memory_space<vmem>>, vector<16xi32>,
    tpu.vector_store %arg7[%swap3A_278, %swap3A_279], %min3A_276 {strides = array<i32>} : memref<4x128xi32, #tpu.memory_space<vmem>>, vector<16xi32>,
    %add3A_281 = arith.constant 240 : i32
    %add3A_282 = vector.broadcast %add3A_281 : i32 to vector<16xi32>
    %add3A_283 = arith.addi %iota3A, %add3A_282 : vector<16xi32>
    %gather3A_284 = tpu.vector_load_idx %arg6[%add3A_283, %broadcast_in_dim3A_8] : memref<512x2xf32, #tpu.memory_space<vmem>>[vector<16xi32>, vector<16xi32>], vector<16xf32>,
    %convert_element_type3A_285 = arith.fptosi %gather3A_284 : vector<16xf32> to vector<16xi32>
    %max3A_286 = arith.maxsi %convert_element_type3A_285, %broadcast_in_dim3A_10 : vector<16xi32>
    %min3A_287 = arith.minsi %max3A_286, %broadcast_in_dim3A_12 : vector<16xi32>
    %swap3A_288 = arith.constant 1 : i32
    %swap3A_289 = arith.index_cast %swap3A_288 : i32 to index
    %swap3A_290 = arith.constant 112 : index
    %swap3A_291 = tpu.vector_load %arg7[%swap3A_289, %swap3A_290] {strides = array<i32>} : memref<4x128xi32, #tpu.memory_space<vmem>>, vector<16xi32>,
    tpu.vector_store %arg7[%swap3A_289, %swap3A_290], %min3A_287 {strides = array<i32>} : memref<4x128xi32, #tpu.memory_space<vmem>>, vector<16xi32>,
    %add3A_292 = arith.constant 256 : i32
    %add3A_293 = vector.broadcast %add3A_292 : i32 to vector<16xi32>
    %add3A_294 = arith.addi %iota3A, %add3A_293 : vector<16xi32>
    %gather3A_295 = tpu.vector_load_idx %arg6[%add3A_294, %broadcast_in_dim3A_8] : memref<512x2xf32, #tpu.memory_space<vmem>>[vector<16xi32>, vector<16xi32>], vector<16xf32>,
    %convert_element_type3A_296 = arith.fptosi %gather3A_295 : vector<16xf32> to vector<16xi32>
    %max3A_297 = arith.maxsi %convert_element_type3A_296, %broadcast_in_dim3A_10 : vector<16xi32>
    %min3A_298 = arith.minsi %max3A_297, %broadcast_in_dim3A_12 : vector<16xi32>
    %swap3A_299 = arith.constant 2 : i32
    %swap3A_300 = arith.index_cast %swap3A_299 : i32 to index
    %swap3A_301 = arith.constant 0 : index
    %swap3A_302 = tpu.vector_load %arg7[%swap3A_300, %swap3A_301] {strides = array<i32>} : memref<4x128xi32, #tpu.memory_space<vmem>>, vector<16xi32>,
    tpu.vector_store %arg7[%swap3A_300, %swap3A_301], %min3A_298 {strides = array<i32>} : memref<4x128xi32, #tpu.memory_space<vmem>>, vector<16xi32>,
    %add3A_303 = arith.constant 272 : i32
    %add3A_304 = vector.broadcast %add3A_303 : i32 to vector<16xi32>
    %add3A_305 = arith.addi %iota3A, %add3A_304 : vector<16xi32>
    %gather3A_306 = tpu.vector_load_idx %arg6[%add3A_305, %broadcast_in_dim3A_8] : memref<512x2xf32, #tpu.memory_space<vmem>>[vector<16xi32>, vector<16xi32>], vector<16xf32>,
    %convert_element_type3A_307 = arith.fptosi %gather3A_306 : vector<16xf32> to vector<16xi32>
    %max3A_308 = arith.maxsi %convert_element_type3A_307, %broadcast_in_dim3A_10 : vector<16xi32>
    %min3A_309 = arith.minsi %max3A_308, %broadcast_in_dim3A_12 : vector<16xi32>
    %swap3A_310 = arith.constant 2 : i32
    %swap3A_311 = arith.index_cast %swap3A_310 : i32 to index
    %swap3A_312 = arith.constant 16 : index
    %swap3A_313 = tpu.vector_load %arg7[%swap3A_311, %swap3A_312] {strides = array<i32>} : memref<4x128xi32, #tpu.memory_space<vmem>>, vector<16xi32>,
    tpu.vector_store %arg7[%swap3A_311, %swap3A_312], %min3A_309 {strides = array<i32>} : memref<4x128xi32, #tpu.memory_space<vmem>>, vector<16xi32>,
    %add3A_314 = arith.constant 288 : i32
    %add3A_315 = vector.broadcast %add3A_314 : i32 to vector<16xi32>
    %add3A_316 = arith.addi %iota3A, %add3A_315 : vector<16xi32>
    %gather3A_317 = tpu.vector_load_idx %arg6[%add3A_316, %broadcast_in_dim3A_8] : memref<512x2xf32, #tpu.memory_space<vmem>>[vector<16xi32>, vector<16xi32>], vector<16xf32>,
    %convert_element_type3A_318 = arith.fptosi %gather3A_317 : vector<16xf32> to vector<16xi32>
    %max3A_319 = arith.maxsi %convert_element_type3A_318, %broadcast_in_dim3A_10 : vector<16xi32>
    %min3A_320 = arith.minsi %max3A_319, %broadcast_in_dim3A_12 : vector<16xi32>
    %swap3A_321 = arith.constant 2 : i32
    %swap3A_322 = arith.index_cast %swap3A_321 : i32 to index
    %swap3A_323 = arith.constant 32 : index
    %swap3A_324 = tpu.vector_load %arg7[%swap3A_322, %swap3A_323] {strides = array<i32>} : memref<4x128xi32, #tpu.memory_space<vmem>>, vector<16xi32>,
    tpu.vector_store %arg7[%swap3A_322, %swap3A_323], %min3A_320 {strides = array<i32>} : memref<4x128xi32, #tpu.memory_space<vmem>>, vector<16xi32>,
    %add3A_325 = arith.constant 304 : i32
    %add3A_326 = vector.broadcast %add3A_325 : i32 to vector<16xi32>
    %add3A_327 = arith.addi %iota3A, %add3A_326 : vector<16xi32>
    %gather3A_328 = tpu.vector_load_idx %arg6[%add3A_327, %broadcast_in_dim3A_8] : memref<512x2xf32, #tpu.memory_space<vmem>>[vector<16xi32>, vector<16xi32>], vector<16xf32>,
    %convert_element_type3A_329 = arith.fptosi %gather3A_328 : vector<16xf32> to vector<16xi32>
    %max3A_330 = arith.maxsi %convert_element_type3A_329, %broadcast_in_dim3A_10 : vector<16xi32>
    %min3A_331 = arith.minsi %max3A_330, %broadcast_in_dim3A_12 : vector<16xi32>
    %swap3A_332 = arith.constant 2 : i32
    %swap3A_333 = arith.index_cast %swap3A_332 : i32 to index
    %swap3A_334 = arith.constant 48 : index
    %swap3A_335 = tpu.vector_load %arg7[%swap3A_333, %swap3A_334] {strides = array<i32>} : memref<4x128xi32, #tpu.memory_space<vmem>>, vector<16xi32>,
    tpu.vector_store %arg7[%swap3A_333, %swap3A_334], %min3A_331 {strides = array<i32>} : memref<4x128xi32, #tpu.memory_space<vmem>>, vector<16xi32>,
    %add3A_336 = arith.constant 320 : i32
    %add3A_337 = vector.broadcast %add3A_336 : i32 to vector<16xi32>
    %add3A_338 = arith.addi %iota3A, %add3A_337 : vector<16xi32>
    %gather3A_339 = tpu.vector_load_idx %arg6[%add3A_338, %broadcast_in_dim3A_8] : memref<512x2xf32, #tpu.memory_space<vmem>>[vector<16xi32>, vector<16xi32>], vector<16xf32>,
    %convert_element_type3A_340 = arith.fptosi %gather3A_339 : vector<16xf32> to vector<16xi32>
    %max3A_341 = arith.maxsi %convert_element_type3A_340, %broadcast_in_dim3A_10 : vector<16xi32>
    %min3A_342 = arith.minsi %max3A_341, %broadcast_in_dim3A_12 : vector<16xi32>
    %swap3A_343 = arith.constant 2 : i32
    %swap3A_344 = arith.index_cast %swap3A_343 : i32 to index
    %swap3A_345 = arith.constant 64 : index
    %swap3A_346 = tpu.vector_load %arg7[%swap3A_344, %swap3A_345] {strides = array<i32>} : memref<4x128xi32, #tpu.memory_space<vmem>>, vector<16xi32>,
    tpu.vector_store %arg7[%swap3A_344, %swap3A_345], %min3A_342 {strides = array<i32>} : memref<4x128xi32, #tpu.memory_space<vmem>>, vector<16xi32>,
    %add3A_347 = arith.constant 336 : i32
    %add3A_348 = vector.broadcast %add3A_347 : i32 to vector<16xi32>
    %add3A_349 = arith.addi %iota3A, %add3A_348 : vector<16xi32>
    %gather3A_350 = tpu.vector_load_idx %arg6[%add3A_349, %broadcast_in_dim3A_8] : memref<512x2xf32, #tpu.memory_space<vmem>>[vector<16xi32>, vector<16xi32>], vector<16xf32>,
    %convert_element_type3A_351 = arith.fptosi %gather3A_350 : vector<16xf32> to vector<16xi32>
    %max3A_352 = arith.maxsi %convert_element_type3A_351, %broadcast_in_dim3A_10 : vector<16xi32>
    %min3A_353 = arith.minsi %max3A_352, %broadcast_in_dim3A_12 : vector<16xi32>
    %swap3A_354 = arith.constant 2 : i32
    %swap3A_355 = arith.index_cast %swap3A_354 : i32 to index
    %swap3A_356 = arith.constant 80 : index
    %swap3A_357 = tpu.vector_load %arg7[%swap3A_355, %swap3A_356] {strides = array<i32>} : memref<4x128xi32, #tpu.memory_space<vmem>>, vector<16xi32>,
    tpu.vector_store %arg7[%swap3A_355, %swap3A_356], %min3A_353 {strides = array<i32>} : memref<4x128xi32, #tpu.memory_space<vmem>>, vector<16xi32>,
    %add3A_358 = arith.constant 352 : i32
    %add3A_359 = vector.broadcast %add3A_358 : i32 to vector<16xi32>
    %add3A_360 = arith.addi %iota3A, %add3A_359 : vector<16xi32>
    %gather3A_361 = tpu.vector_load_idx %arg6[%add3A_360, %broadcast_in_dim3A_8] : memref<512x2xf32, #tpu.memory_space<vmem>>[vector<16xi32>, vector<16xi32>], vector<16xf32>,
    %convert_element_type3A_362 = arith.fptosi %gather3A_361 : vector<16xf32> to vector<16xi32>
    %max3A_363 = arith.maxsi %convert_element_type3A_362, %broadcast_in_dim3A_10 : vector<16xi32>
    %min3A_364 = arith.minsi %max3A_363, %broadcast_in_dim3A_12 : vector<16xi32>
    %swap3A_365 = arith.constant 2 : i32
    %swap3A_366 = arith.index_cast %swap3A_365 : i32 to index
    %swap3A_367 = arith.constant 96 : index
    %swap3A_368 = tpu.vector_load %arg7[%swap3A_366, %swap3A_367] {strides = array<i32>} : memref<4x128xi32, #tpu.memory_space<vmem>>, vector<16xi32>,
    tpu.vector_store %arg7[%swap3A_366, %swap3A_367], %min3A_364 {strides = array<i32>} : memref<4x128xi32, #tpu.memory_space<vmem>>, vector<16xi32>,
    %add3A_369 = arith.constant 368 : i32
    %add3A_370 = vector.broadcast %add3A_369 : i32 to vector<16xi32>
    %add3A_371 = arith.addi %iota3A, %add3A_370 : vector<16xi32>
    %gather3A_372 = tpu.vector_load_idx %arg6[%add3A_371, %broadcast_in_dim3A_8] : memref<512x2xf32, #tpu.memory_space<vmem>>[vector<16xi32>, vector<16xi32>], vector<16xf32>,
    %convert_element_type3A_373 = arith.fptosi %gather3A_372 : vector<16xf32> to vector<16xi32>
    %max3A_374 = arith.maxsi %convert_element_type3A_373, %broadcast_in_dim3A_10 : vector<16xi32>
    %min3A_375 = arith.minsi %max3A_374, %broadcast_in_dim3A_12 : vector<16xi32>
    %swap3A_376 = arith.constant 2 : i32
    %swap3A_377 = arith.index_cast %swap3A_376 : i32 to index
    %swap3A_378 = arith.constant 112 : index
    %swap3A_379 = tpu.vector_load %arg7[%swap3A_377, %swap3A_378] {strides = array<i32>} : memref<4x128xi32, #tpu.memory_space<vmem>>, vector<16xi32>,
    tpu.vector_store %arg7[%swap3A_377, %swap3A_378], %min3A_375 {strides = array<i32>} : memref<4x128xi32, #tpu.memory_space<vmem>>, vector<16xi32>,
    %add3A_380 = arith.constant 384 : i32
    %add3A_381 = vector.broadcast %add3A_380 : i32 to vector<16xi32>
    %add3A_382 = arith.addi %iota3A, %add3A_381 : vector<16xi32>
    %gather3A_383 = tpu.vector_load_idx %arg6[%add3A_382, %broadcast_in_dim3A_8] : memref<512x2xf32, #tpu.memory_space<vmem>>[vector<16xi32>, vector<16xi32>], vector<16xf32>,
    %convert_element_type3A_384 = arith.fptosi %gather3A_383 : vector<16xf32> to vector<16xi32>
    %max3A_385 = arith.maxsi %convert_element_type3A_384, %broadcast_in_dim3A_10 : vector<16xi32>
    %min3A_386 = arith.minsi %max3A_385, %broadcast_in_dim3A_12 : vector<16xi32>
    %swap3A_387 = arith.constant 3 : i32
    %swap3A_388 = arith.index_cast %swap3A_387 : i32 to index
    %swap3A_389 = arith.constant 0 : index
    %swap3A_390 = tpu.vector_load %arg7[%swap3A_388, %swap3A_389] {strides = array<i32>} : memref<4x128xi32, #tpu.memory_space<vmem>>, vector<16xi32>,
    tpu.vector_store %arg7[%swap3A_388, %swap3A_389], %min3A_386 {strides = array<i32>} : memref<4x128xi32, #tpu.memory_space<vmem>>, vector<16xi32>,
    %add3A_391 = arith.constant 400 : i32
    %add3A_392 = vector.broadcast %add3A_391 : i32 to vector<16xi32>
    %add3A_393 = arith.addi %iota3A, %add3A_392 : vector<16xi32>
    %gather3A_394 = tpu.vector_load_idx %arg6[%add3A_393, %broadcast_in_dim3A_8] : memref<512x2xf32, #tpu.memory_space<vmem>>[vector<16xi32>, vector<16xi32>], vector<16xf32>,
    %convert_element_type3A_395 = arith.fptosi %gather3A_394 : vector<16xf32> to vector<16xi32>
    %max3A_396 = arith.maxsi %convert_element_type3A_395, %broadcast_in_dim3A_10 : vector<16xi32>
    %min3A_397 = arith.minsi %max3A_396, %broadcast_in_dim3A_12 : vector<16xi32>
    %swap3A_398 = arith.constant 3 : i32
    %swap3A_399 = arith.index_cast %swap3A_398 : i32 to index
    %swap3A_400 = arith.constant 16 : index
    %swap3A_401 = tpu.vector_load %arg7[%swap3A_399, %swap3A_400] {strides = array<i32>} : memref<4x128xi32, #tpu.memory_space<vmem>>, vector<16xi32>,
    tpu.vector_store %arg7[%swap3A_399, %swap3A_400], %min3A_397 {strides = array<i32>} : memref<4x128xi32, #tpu.memory_space<vmem>>, vector<16xi32>,
    %add3A_402 = arith.constant 416 : i32
    %add3A_403 = vector.broadcast %add3A_402 : i32 to vector<16xi32>
    %add3A_404 = arith.addi %iota3A, %add3A_403 : vector<16xi32>
    %gather3A_405 = tpu.vector_load_idx %arg6[%add3A_404, %broadcast_in_dim3A_8] : memref<512x2xf32, #tpu.memory_space<vmem>>[vector<16xi32>, vector<16xi32>], vector<16xf32>,
    %convert_element_type3A_406 = arith.fptosi %gather3A_405 : vector<16xf32> to vector<16xi32>
    %max3A_407 = arith.maxsi %convert_element_type3A_406, %broadcast_in_dim3A_10 : vector<16xi32>
    %min3A_408 = arith.minsi %max3A_407, %broadcast_in_dim3A_12 : vector<16xi32>
    %swap3A_409 = arith.constant 3 : i32
    %swap3A_410 = arith.index_cast %swap3A_409 : i32 to index
    %swap3A_411 = arith.constant 32 : index
    %swap3A_412 = tpu.vector_load %arg7[%swap3A_410, %swap3A_411] {strides = array<i32>} : memref<4x128xi32, #tpu.memory_space<vmem>>, vector<16xi32>,
    tpu.vector_store %arg7[%swap3A_410, %swap3A_411], %min3A_408 {strides = array<i32>} : memref<4x128xi32, #tpu.memory_space<vmem>>, vector<16xi32>,
    %add3A_413 = arith.constant 432 : i32
    %add3A_414 = vector.broadcast %add3A_413 : i32 to vector<16xi32>
    %add3A_415 = arith.addi %iota3A, %add3A_414 : vector<16xi32>
    %gather3A_416 = tpu.vector_load_idx %arg6[%add3A_415, %broadcast_in_dim3A_8] : memref<512x2xf32, #tpu.memory_space<vmem>>[vector<16xi32>, vector<16xi32>], vector<16xf32>,
    %convert_element_type3A_417 = arith.fptosi %gather3A_416 : vector<16xf32> to vector<16xi32>
    %max3A_418 = arith.maxsi %convert_element_type3A_417, %broadcast_in_dim3A_10 : vector<16xi32>
    %min3A_419 = arith.minsi %max3A_418, %broadcast_in_dim3A_12 : vector<16xi32>
    %swap3A_420 = arith.constant 3 : i32
    %swap3A_421 = arith.index_cast %swap3A_420 : i32 to index
    %swap3A_422 = arith.constant 48 : index
    %swap3A_423 = tpu.vector_load %arg7[%swap3A_421, %swap3A_422] {strides = array<i32>} : memref<4x128xi32, #tpu.memory_space<vmem>>, vector<16xi32>,
    tpu.vector_store %arg7[%swap3A_421, %swap3A_422], %min3A_419 {strides = array<i32>} : memref<4x128xi32, #tpu.memory_space<vmem>>, vector<16xi32>,
    %add3A_424 = arith.constant 448 : i32
    %add3A_425 = vector.broadcast %add3A_424 : i32 to vector<16xi32>
    %add3A_426 = arith.addi %iota3A, %add3A_425 : vector<16xi32>
    %gather3A_427 = tpu.vector_load_idx %arg6[%add3A_426, %broadcast_in_dim3A_8] : memref<512x2xf32, #tpu.memory_space<vmem>>[vector<16xi32>, vector<16xi32>], vector<16xf32>,
    %convert_element_type3A_428 = arith.fptosi %gather3A_427 : vector<16xf32> to vector<16xi32>
    %max3A_429 = arith.maxsi %convert_element_type3A_428, %broadcast_in_dim3A_10 : vector<16xi32>
    %min3A_430 = arith.minsi %max3A_429, %broadcast_in_dim3A_12 : vector<16xi32>
    %swap3A_431 = arith.constant 3 : i32
    %swap3A_432 = arith.index_cast %swap3A_431 : i32 to index
    %swap3A_433 = arith.constant 64 : index
    %swap3A_434 = tpu.vector_load %arg7[%swap3A_432, %swap3A_433] {strides = array<i32>} : memref<4x128xi32, #tpu.memory_space<vmem>>, vector<16xi32>,
    tpu.vector_store %arg7[%swap3A_432, %swap3A_433], %min3A_430 {strides = array<i32>} : memref<4x128xi32, #tpu.memory_space<vmem>>, vector<16xi32>,
    %add3A_435 = arith.constant 464 : i32
    %add3A_436 = vector.broadcast %add3A_435 : i32 to vector<16xi32>
    %add3A_437 = arith.addi %iota3A, %add3A_436 : vector<16xi32>
    %gather3A_438 = tpu.vector_load_idx %arg6[%add3A_437, %broadcast_in_dim3A_8] : memref<512x2xf32, #tpu.memory_space<vmem>>[vector<16xi32>, vector<16xi32>], vector<16xf32>,
    %convert_element_type3A_439 = arith.fptosi %gather3A_438 : vector<16xf32> to vector<16xi32>
    %max3A_440 = arith.maxsi %convert_element_type3A_439, %broadcast_in_dim3A_10 : vector<16xi32>
    %min3A_441 = arith.minsi %max3A_440, %broadcast_in_dim3A_12 : vector<16xi32>
    %swap3A_442 = arith.constant 3 : i32
    %swap3A_443 = arith.index_cast %swap3A_442 : i32 to index
    %swap3A_444 = arith.constant 80 : index
    %swap3A_445 = tpu.vector_load %arg7[%swap3A_443, %swap3A_444] {strides = array<i32>} : memref<4x128xi32, #tpu.memory_space<vmem>>, vector<16xi32>,
    tpu.vector_store %arg7[%swap3A_443, %swap3A_444], %min3A_441 {strides = array<i32>} : memref<4x128xi32, #tpu.memory_space<vmem>>, vector<16xi32>,
    %add3A_446 = arith.constant 480 : i32
    %add3A_447 = vector.broadcast %add3A_446 : i32 to vector<16xi32>
    %add3A_448 = arith.addi %iota3A, %add3A_447 : vector<16xi32>
    %gather3A_449 = tpu.vector_load_idx %arg6[%add3A_448, %broadcast_in_dim3A_8] : memref<512x2xf32, #tpu.memory_space<vmem>>[vector<16xi32>, vector<16xi32>], vector<16xf32>,
    %convert_element_type3A_450 = arith.fptosi %gather3A_449 : vector<16xf32> to vector<16xi32>
    %max3A_451 = arith.maxsi %convert_element_type3A_450, %broadcast_in_dim3A_10 : vector<16xi32>
    %min3A_452 = arith.minsi %max3A_451, %broadcast_in_dim3A_12 : vector<16xi32>
    %swap3A_453 = arith.constant 3 : i32
    %swap3A_454 = arith.index_cast %swap3A_453 : i32 to index
    %swap3A_455 = arith.constant 96 : index
    %swap3A_456 = tpu.vector_load %arg7[%swap3A_454, %swap3A_455] {strides = array<i32>} : memref<4x128xi32, #tpu.memory_space<vmem>>, vector<16xi32>,
    tpu.vector_store %arg7[%swap3A_454, %swap3A_455], %min3A_452 {strides = array<i32>} : memref<4x128xi32, #tpu.memory_space<vmem>>, vector<16xi32>,
    %add3A_457 = arith.constant 496 : i32
    %add3A_458 = vector.broadcast %add3A_457 : i32 to vector<16xi32>
    %add3A_459 = arith.addi %iota3A, %add3A_458 : vector<16xi32>
    %gather3A_460 = tpu.vector_load_idx %arg6[%add3A_459, %broadcast_in_dim3A_8] : memref<512x2xf32, #tpu.memory_space<vmem>>[vector<16xi32>, vector<16xi32>], vector<16xf32>,
    %convert_element_type3A_461 = arith.fptosi %gather3A_460 : vector<16xf32> to vector<16xi32>
    %max3A_462 = arith.maxsi %convert_element_type3A_461, %broadcast_in_dim3A_10 : vector<16xi32>
    %min3A_463 = arith.minsi %max3A_462, %broadcast_in_dim3A_12 : vector<16xi32>
    %swap3A_464 = arith.constant 3 : i32
    %swap3A_465 = arith.index_cast %swap3A_464 : i32 to index
    %swap3A_466 = arith.constant 112 : index
    %swap3A_467 = tpu.vector_load %arg7[%swap3A_465, %swap3A_466] {strides = array<i32>} : memref<4x128xi32, #tpu.memory_space<vmem>>, vector<16xi32>,
    tpu.vector_store %arg7[%swap3A_465, %swap3A_466], %min3A_463 {strides = array<i32>} : memref<4x128xi32, #tpu.memory_space<vmem>>, vector<16xi32>,
    %dma_start3A_468 = arith.constant 0 : i32
    %dma_start3A_469 = arith.constant 0 : i32
    %dma_start3A_470 = arith.constant 0 : i32
    %dma_start3A_471 = tpu.memref_slice %arg8[%dma_start3A_469, %dma_start3A_470] : memref<512x128xf32, #tpu.memory_space<vmem>> -> memref<128x128xf32, #tpu.memory_space<vmem>>
    %dma_start3A_472 = arith.constant 0 : i32
    %dma_start3A_473 = tpu.memref_slice %arg7[%dma_start3A_468, %dma_start3A_472] : memref<4x128xi32, #tpu.memory_space<vmem>> -> memref<1x128xi32, #tpu.memory_space<vmem>>
    %dma_start3A_474 = tpu.memref_squeeze %dma_start3A_473 : memref<1x128xi32, #tpu.memory_space<vmem>> -> memref<128xi32, #tpu.memory_space<vmem>>
    %dma_start3A_475 = arith.constant 0 : i32
    %dma_start3A_476 = arith.constant 0 : i32
    %dma_start3A_477 = tpu.memref_slice %arg5[%dma_start3A_475, %dma_start3A_476] : memref<16x128xf32, #tpu.memory_space<vmem_shared>> -> memref<16x128xf32, #tpu.memory_space<vmem_shared>>
    tpu.enqueue_indirect_dma source(%dma_start3A_477 : memref<16x128xf32, #tpu.memory_space<vmem_shared>>) target(%dma_start3A_471 : memref<128x128xf32, #tpu.memory_space<vmem>>) offsets(%dma_start3A_474 : memref<128xi32, #tpu.memory_space<vmem>>) semaphore(%arg13 : memref<!tpu.dma_semaphore, #tpu.memory_space<semaphore_mem>>)
    %dma_start3A_478 = arith.constant 1 : i32
    %dma_start3A_479 = arith.constant 128 : i32
    %dma_start3A_480 = arith.constant 0 : i32
    %dma_start3A_481 = tpu.memref_slice %arg8[%dma_start3A_479, %dma_start3A_480] : memref<512x128xf32, #tpu.memory_space<vmem>> -> memref<128x128xf32, #tpu.memory_space<vmem>>
    %dma_start3A_482 = arith.constant 0 : i32
    %dma_start3A_483 = tpu.memref_slice %arg7[%dma_start3A_478, %dma_start3A_482] : memref<4x128xi32, #tpu.memory_space<vmem>> -> memref<1x128xi32, #tpu.memory_space<vmem>>
    %dma_start3A_484 = tpu.memref_squeeze %dma_start3A_483 : memref<1x128xi32, #tpu.memory_space<vmem>> -> memref<128xi32, #tpu.memory_space<vmem>>
    %dma_start3A_485 = arith.constant 0 : i32
    %dma_start3A_486 = arith.constant 0 : i32
    %dma_start3A_487 = tpu.memref_slice %arg5[%dma_start3A_485, %dma_start3A_486] : memref<16x128xf32, #tpu.memory_space<vmem_shared>> -> memref<16x128xf32, #tpu.memory_space<vmem_shared>>
    tpu.enqueue_indirect_dma source(%dma_start3A_487 : memref<16x128xf32, #tpu.memory_space<vmem_shared>>) target(%dma_start3A_481 : memref<128x128xf32, #tpu.memory_space<vmem>>) offsets(%dma_start3A_484 : memref<128xi32, #tpu.memory_space<vmem>>) semaphore(%arg13 : memref<!tpu.dma_semaphore, #tpu.memory_space<semaphore_mem>>)
    %dma_start3A_488 = arith.constant 2 : i32
    %dma_start3A_489 = arith.constant 256 : i32
    %dma_start3A_490 = arith.constant 0 : i32
    %dma_start3A_491 = tpu.memref_slice %arg8[%dma_start3A_489, %dma_start3A_490] : memref<512x128xf32, #tpu.memory_space<vmem>> -> memref<128x128xf32, #tpu.memory_space<vmem>>
    %dma_start3A_492 = arith.constant 0 : i32
    %dma_start3A_493 = tpu.memref_slice %arg7[%dma_start3A_488, %dma_start3A_492] : memref<4x128xi32, #tpu.memory_space<vmem>> -> memref<1x128xi32, #tpu.memory_space<vmem>>
    %dma_start3A_494 = tpu.memref_squeeze %dma_start3A_493 : memref<1x128xi32, #tpu.memory_space<vmem>> -> memref<128xi32, #tpu.memory_space<vmem>>
    %dma_start3A_495 = arith.constant 0 : i32
    %dma_start3A_496 = arith.constant 0 : i32
    %dma_start3A_497 = tpu.memref_slice %arg5[%dma_start3A_495, %dma_start3A_496] : memref<16x128xf32, #tpu.memory_space<vmem_shared>> -> memref<16x128xf32, #tpu.memory_space<vmem_shared>>
    tpu.enqueue_indirect_dma source(%dma_start3A_497 : memref<16x128xf32, #tpu.memory_space<vmem_shared>>) target(%dma_start3A_491 : memref<128x128xf32, #tpu.memory_space<vmem>>) offsets(%dma_start3A_494 : memref<128xi32, #tpu.memory_space<vmem>>) semaphore(%arg14 : memref<!tpu.dma_semaphore, #tpu.memory_space<semaphore_mem>>)
    %dma_start3A_498 = arith.constant 3 : i32
    %dma_start3A_499 = arith.constant 384 : i32
    %dma_start3A_500 = arith.constant 0 : i32
    %dma_start3A_501 = tpu.memref_slice %arg8[%dma_start3A_499, %dma_start3A_500] : memref<512x128xf32, #tpu.memory_space<vmem>> -> memref<128x128xf32, #tpu.memory_space<vmem>>
    %dma_start3A_502 = arith.constant 0 : i32
    %dma_start3A_503 = tpu.memref_slice %arg7[%dma_start3A_498, %dma_start3A_502] : memref<4x128xi32, #tpu.memory_space<vmem>> -> memref<1x128xi32, #tpu.memory_space<vmem>>
    %dma_start3A_504 = tpu.memref_squeeze %dma_start3A_503 : memref<1x128xi32, #tpu.memory_space<vmem>> -> memref<128xi32, #tpu.memory_space<vmem>>
    %dma_start3A_505 = arith.constant 0 : i32
    %dma_start3A_506 = arith.constant 0 : i32
    %dma_start3A_507 = tpu.memref_slice %arg5[%dma_start3A_505, %dma_start3A_506] : memref<16x128xf32, #tpu.memory_space<vmem_shared>> -> memref<16x128xf32, #tpu.memory_space<vmem_shared>>
    tpu.enqueue_indirect_dma source(%dma_start3A_507 : memref<16x128xf32, #tpu.memory_space<vmem_shared>>) target(%dma_start3A_501 : memref<128x128xf32, #tpu.memory_space<vmem>>) offsets(%dma_start3A_504 : memref<128xi32, #tpu.memory_space<vmem>>) semaphore(%arg14 : memref<!tpu.dma_semaphore, #tpu.memory_space<semaphore_mem>>)
    %dma_wait3A_508 = arith.constant 0 : i32
    %dma_wait3A_509 = arith.constant 0 : i32
    %dma_wait3A_510 = arith.constant 0 : i32
    %dma_wait3A_511 = tpu.memref_slice %arg8[%dma_wait3A_509, %dma_wait3A_510] : memref<512x128xf32, #tpu.memory_space<vmem>> -> memref<128x128xf32, #tpu.memory_space<vmem>>
    %dma_wait3A_512 = arith.constant 0 : i32
    %dma_wait3A_513 = tpu.memref_slice %arg7[%dma_wait3A_508, %dma_wait3A_512] : memref<4x128xi32, #tpu.memory_space<vmem>> -> memref<1x128xi32, #tpu.memory_space<vmem>>
    %dma_wait3A_514 = tpu.memref_squeeze %dma_wait3A_513 : memref<1x128xi32, #tpu.memory_space<vmem>> -> memref<128xi32, #tpu.memory_space<vmem>>
    %dma_wait3A_515 = arith.constant 0 : i32
    %dma_wait3A_516 = arith.constant 0 : i32
    %dma_wait3A_517 = tpu.memref_slice %arg5[%dma_wait3A_515, %dma_wait3A_516] : memref<16x128xf32, #tpu.memory_space<vmem_shared>> -> memref<16x128xf32, #tpu.memory_space<vmem_shared>>
    tpu.wait_indirect_dma semaphore(%arg13 : memref<!tpu.dma_semaphore, #tpu.memory_space<semaphore_mem>>) src(%dma_wait3A_517 : memref<16x128xf32, #tpu.memory_space<vmem_shared>>) dst(%dma_wait3A_511 : memref<128x128xf32, #tpu.memory_space<vmem>>)
    %dma_wait3A_518 = arith.constant 1 : i32
    %dma_wait3A_519 = arith.constant 128 : i32
    %dma_wait3A_520 = arith.constant 0 : i32
    %dma_wait3A_521 = tpu.memref_slice %arg8[%dma_wait3A_519, %dma_wait3A_520] : memref<512x128xf32, #tpu.memory_space<vmem>> -> memref<128x128xf32, #tpu.memory_space<vmem>>
    %dma_wait3A_522 = arith.constant 0 : i32
    %dma_wait3A_523 = tpu.memref_slice %arg7[%dma_wait3A_518, %dma_wait3A_522] : memref<4x128xi32, #tpu.memory_space<vmem>> -> memref<1x128xi32, #tpu.memory_space<vmem>>
    %dma_wait3A_524 = tpu.memref_squeeze %dma_wait3A_523 : memref<1x128xi32, #tpu.memory_space<vmem>> -> memref<128xi32, #tpu.memory_space<vmem>>
    %dma_wait3A_525 = arith.constant 0 : i32
    %dma_wait3A_526 = arith.constant 0 : i32
    %dma_wait3A_527 = tpu.memref_slice %arg5[%dma_wait3A_525, %dma_wait3A_526] : memref<16x128xf32, #tpu.memory_space<vmem_shared>> -> memref<16x128xf32, #tpu.memory_space<vmem_shared>>
    tpu.wait_indirect_dma semaphore(%arg13 : memref<!tpu.dma_semaphore, #tpu.memory_space<semaphore_mem>>) src(%dma_wait3A_527 : memref<16x128xf32, #tpu.memory_space<vmem_shared>>) dst(%dma_wait3A_521 : memref<128x128xf32, #tpu.memory_space<vmem>>)
    %add3A_528 = arith.constant 0 : i32
    %add3A_529 = vector.broadcast %add3A_528 : i32 to vector<16xi32>
    %add3A_530 = arith.addi %iota3A, %add3A_529 : vector<16xi32>
    %gather3A_531 = tpu.vector_load_idx %arg6[%add3A_530, %broadcast_in_dim3A_6] : memref<512x2xf32, #tpu.memory_space<vmem>>[vector<16xi32>, vector<16xi32>], vector<16xf32>,
    tpu.vector_store_idx %arg8[%add3A_530, %broadcast_in_dim3A_6], %gather3A_531 : memref<512x128xf32, #tpu.memory_space<vmem>>[vector<16xi32>, vector<16xi32>], vector<16xf32>,
    %add3A_532 = arith.constant 16 : i32
    %add3A_533 = vector.broadcast %add3A_532 : i32 to vector<16xi32>
    %add3A_534 = arith.addi %iota3A, %add3A_533 : vector<16xi32>
    %gather3A_535 = tpu.vector_load_idx %arg6[%add3A_534, %broadcast_in_dim3A_6] : memref<512x2xf32, #tpu.memory_space<vmem>>[vector<16xi32>, vector<16xi32>], vector<16xf32>,
    tpu.vector_store_idx %arg8[%add3A_534, %broadcast_in_dim3A_6], %gather3A_535 : memref<512x128xf32, #tpu.memory_space<vmem>>[vector<16xi32>, vector<16xi32>], vector<16xf32>,
    %add3A_536 = arith.constant 32 : i32
    %add3A_537 = vector.broadcast %add3A_536 : i32 to vector<16xi32>
    %add3A_538 = arith.addi %iota3A, %add3A_537 : vector<16xi32>
    %gather3A_539 = tpu.vector_load_idx %arg6[%add3A_538, %broadcast_in_dim3A_6] : memref<512x2xf32, #tpu.memory_space<vmem>>[vector<16xi32>, vector<16xi32>], vector<16xf32>,
    tpu.vector_store_idx %arg8[%add3A_538, %broadcast_in_dim3A_6], %gather3A_539 : memref<512x128xf32, #tpu.memory_space<vmem>>[vector<16xi32>, vector<16xi32>], vector<16xf32>,
    %add3A_540 = arith.constant 48 : i32
    %add3A_541 = vector.broadcast %add3A_540 : i32 to vector<16xi32>
    %add3A_542 = arith.addi %iota3A, %add3A_541 : vector<16xi32>
    %gather3A_543 = tpu.vector_load_idx %arg6[%add3A_542, %broadcast_in_dim3A_6] : memref<512x2xf32, #tpu.memory_space<vmem>>[vector<16xi32>, vector<16xi32>], vector<16xf32>,
    tpu.vector_store_idx %arg8[%add3A_542, %broadcast_in_dim3A_6], %gather3A_543 : memref<512x128xf32, #tpu.memory_space<vmem>>[vector<16xi32>, vector<16xi32>], vector<16xf32>,
    %add3A_544 = arith.constant 64 : i32
    %add3A_545 = vector.broadcast %add3A_544 : i32 to vector<16xi32>
    %add3A_546 = arith.addi %iota3A, %add3A_545 : vector<16xi32>
    %gather3A_547 = tpu.vector_load_idx %arg6[%add3A_546, %broadcast_in_dim3A_6] : memref<512x2xf32, #tpu.memory_space<vmem>>[vector<16xi32>, vector<16xi32>], vector<16xf32>,
    tpu.vector_store_idx %arg8[%add3A_546, %broadcast_in_dim3A_6], %gather3A_547 : memref<512x128xf32, #tpu.memory_space<vmem>>[vector<16xi32>, vector<16xi32>], vector<16xf32>,
    %add3A_548 = arith.constant 80 : i32
    %add3A_549 = vector.broadcast %add3A_548 : i32 to vector<16xi32>
    %add3A_550 = arith.addi %iota3A, %add3A_549 : vector<16xi32>
    %gather3A_551 = tpu.vector_load_idx %arg6[%add3A_550, %broadcast_in_dim3A_6] : memref<512x2xf32, #tpu.memory_space<vmem>>[vector<16xi32>, vector<16xi32>], vector<16xf32>,
    tpu.vector_store_idx %arg8[%add3A_550, %broadcast_in_dim3A_6], %gather3A_551 : memref<512x128xf32, #tpu.memory_space<vmem>>[vector<16xi32>, vector<16xi32>], vector<16xf32>,
    %add3A_552 = arith.constant 96 : i32
    %add3A_553 = vector.broadcast %add3A_552 : i32 to vector<16xi32>
    %add3A_554 = arith.addi %iota3A, %add3A_553 : vector<16xi32>
    %gather3A_555 = tpu.vector_load_idx %arg6[%add3A_554, %broadcast_in_dim3A_6] : memref<512x2xf32, #tpu.memory_space<vmem>>[vector<16xi32>, vector<16xi32>], vector<16xf32>,
    tpu.vector_store_idx %arg8[%add3A_554, %broadcast_in_dim3A_6], %gather3A_555 : memref<512x128xf32, #tpu.memory_space<vmem>>[vector<16xi32>, vector<16xi32>], vector<16xf32>,
    %add3A_556 = arith.constant 112 : i32
    %add3A_557 = vector.broadcast %add3A_556 : i32 to vector<16xi32>
    %add3A_558 = arith.addi %iota3A, %add3A_557 : vector<16xi32>
    %gather3A_559 = tpu.vector_load_idx %arg6[%add3A_558, %broadcast_in_dim3A_6] : memref<512x2xf32, #tpu.memory_space<vmem>>[vector<16xi32>, vector<16xi32>], vector<16xf32>,
    tpu.vector_store_idx %arg8[%add3A_558, %broadcast_in_dim3A_6], %gather3A_559 : memref<512x128xf32, #tpu.memory_space<vmem>>[vector<16xi32>, vector<16xi32>], vector<16xf32>,
    %add3A_560 = arith.constant 128 : i32
    %add3A_561 = vector.broadcast %add3A_560 : i32 to vector<16xi32>
    %add3A_562 = arith.addi %iota3A, %add3A_561 : vector<16xi32>
    %gather3A_563 = tpu.vector_load_idx %arg6[%add3A_562, %broadcast_in_dim3A_6] : memref<512x2xf32, #tpu.memory_space<vmem>>[vector<16xi32>, vector<16xi32>], vector<16xf32>,
    tpu.vector_store_idx %arg8[%add3A_562, %broadcast_in_dim3A_6], %gather3A_563 : memref<512x128xf32, #tpu.memory_space<vmem>>[vector<16xi32>, vector<16xi32>], vector<16xf32>,
    %add3A_564 = arith.constant 144 : i32
    %add3A_565 = vector.broadcast %add3A_564 : i32 to vector<16xi32>
    %add3A_566 = arith.addi %iota3A, %add3A_565 : vector<16xi32>
    %gather3A_567 = tpu.vector_load_idx %arg6[%add3A_566, %broadcast_in_dim3A_6] : memref<512x2xf32, #tpu.memory_space<vmem>>[vector<16xi32>, vector<16xi32>], vector<16xf32>,
    tpu.vector_store_idx %arg8[%add3A_566, %broadcast_in_dim3A_6], %gather3A_567 : memref<512x128xf32, #tpu.memory_space<vmem>>[vector<16xi32>, vector<16xi32>], vector<16xf32>,
    %add3A_568 = arith.constant 160 : i32
    %add3A_569 = vector.broadcast %add3A_568 : i32 to vector<16xi32>
    %add3A_570 = arith.addi %iota3A, %add3A_569 : vector<16xi32>
    %gather3A_571 = tpu.vector_load_idx %arg6[%add3A_570, %broadcast_in_dim3A_6] : memref<512x2xf32, #tpu.memory_space<vmem>>[vector<16xi32>, vector<16xi32>], vector<16xf32>,
    tpu.vector_store_idx %arg8[%add3A_570, %broadcast_in_dim3A_6], %gather3A_571 : memref<512x128xf32, #tpu.memory_space<vmem>>[vector<16xi32>, vector<16xi32>], vector<16xf32>,
    %add3A_572 = arith.constant 176 : i32
    %add3A_573 = vector.broadcast %add3A_572 : i32 to vector<16xi32>
    %add3A_574 = arith.addi %iota3A, %add3A_573 : vector<16xi32>
    %gather3A_575 = tpu.vector_load_idx %arg6[%add3A_574, %broadcast_in_dim3A_6] : memref<512x2xf32, #tpu.memory_space<vmem>>[vector<16xi32>, vector<16xi32>], vector<16xf32>,
    tpu.vector_store_idx %arg8[%add3A_574, %broadcast_in_dim3A_6], %gather3A_575 : memref<512x128xf32, #tpu.memory_space<vmem>>[vector<16xi32>, vector<16xi32>], vector<16xf32>,
    %add3A_576 = arith.constant 192 : i32
    %add3A_577 = vector.broadcast %add3A_576 : i32 to vector<16xi32>
    %add3A_578 = arith.addi %iota3A, %add3A_577 : vector<16xi32>
    %gather3A_579 = tpu.vector_load_idx %arg6[%add3A_578, %broadcast_in_dim3A_6] : memref<512x2xf32, #tpu.memory_space<vmem>>[vector<16xi32>, vector<16xi32>], vector<16xf32>,
    tpu.vector_store_idx %arg8[%add3A_578, %broadcast_in_dim3A_6], %gather3A_579 : memref<512x128xf32, #tpu.memory_space<vmem>>[vector<16xi32>, vector<16xi32>], vector<16xf32>,
    %add3A_580 = arith.constant 208 : i32
    %add3A_581 = vector.broadcast %add3A_580 : i32 to vector<16xi32>
    %add3A_582 = arith.addi %iota3A, %add3A_581 : vector<16xi32>
    %gather3A_583 = tpu.vector_load_idx %arg6[%add3A_582, %broadcast_in_dim3A_6] : memref<512x2xf32, #tpu.memory_space<vmem>>[vector<16xi32>, vector<16xi32>], vector<16xf32>,
    tpu.vector_store_idx %arg8[%add3A_582, %broadcast_in_dim3A_6], %gather3A_583 : memref<512x128xf32, #tpu.memory_space<vmem>>[vector<16xi32>, vector<16xi32>], vector<16xf32>,
    %add3A_584 = arith.constant 224 : i32
    %add3A_585 = vector.broadcast %add3A_584 : i32 to vector<16xi32>
    %add3A_586 = arith.addi %iota3A, %add3A_585 : vector<16xi32>
    %gather3A_587 = tpu.vector_load_idx %arg6[%add3A_586, %broadcast_in_dim3A_6] : memref<512x2xf32, #tpu.memory_space<vmem>>[vector<16xi32>, vector<16xi32>], vector<16xf32>,
    tpu.vector_store_idx %arg8[%add3A_586, %broadcast_in_dim3A_6], %gather3A_587 : memref<512x128xf32, #tpu.memory_space<vmem>>[vector<16xi32>, vector<16xi32>], vector<16xf32>,
    %add3A_588 = arith.constant 240 : i32
    %add3A_589 = vector.broadcast %add3A_588 : i32 to vector<16xi32>
    %add3A_590 = arith.addi %iota3A, %add3A_589 : vector<16xi32>
    %gather3A_591 = tpu.vector_load_idx %arg6[%add3A_590, %broadcast_in_dim3A_6] : memref<512x2xf32, #tpu.memory_space<vmem>>[vector<16xi32>, vector<16xi32>], vector<16xf32>,
    tpu.vector_store_idx %arg8[%add3A_590, %broadcast_in_dim3A_6], %gather3A_591 : memref<512x128xf32, #tpu.memory_space<vmem>>[vector<16xi32>, vector<16xi32>], vector<16xf32>,
    %add3A_592 = arith.constant 0 : i32
    %add3A_593 = arith.addi %mul3A_2, %add3A_592 : i32
    %dma_start3A_594 = arith.constant 0 : i32
    %dma_start3A_595 = arith.constant 0 : i32
    %dma_start3A_596 = tpu.memref_slice %arg8[%dma_start3A_594, %dma_start3A_595] : memref<512x128xf32, #tpu.memory_space<vmem>> -> memref<256x128xf32, #tpu.memory_space<vmem>>
    %dma_start3A_597 = arith.constant 0 : i32
    %dma_start3A_598 = tpu.memref_slice %arg4[%add3A_593, %dma_start3A_597] : memref<16384x129xf32, #tpu.memory_space<hbm>> -> memref<256x128xf32, #tpu.memory_space<hbm>>
    %dma_start3A_599 = arith.constant 0 : i32
    %dma_start3A_600 = tpu.memref_slice %arg4[%add3A_593, %dma_start3A_599] : memref<16384x129xf32, #tpu.memory_space<hbm>> -> memref<256x128xf32, #tpu.memory_space<hbm>>
    %dma_start3A_601 = arith.constant 0 : i32
    %dma_start3A_602 = arith.constant 0 : i32
    %dma_start3A_603 = tpu.memref_slice %arg8[%dma_start3A_601, %dma_start3A_602] : memref<512x128xf32, #tpu.memory_space<vmem>> -> memref<256x128xf32, #tpu.memory_space<vmem>>
    tpu.enqueue_dma source(%dma_start3A_603 : memref<256x128xf32, #tpu.memory_space<vmem>>) target(%dma_start3A_600 : memref<256x128xf32, #tpu.memory_space<hbm>>) target_semaphore(%arg15 : memref<!tpu.dma_semaphore, #tpu.memory_space<semaphore_mem>>)
    %dma_wait3A_604 = arith.constant 2 : i32
    %dma_wait3A_605 = arith.constant 256 : i32
    %dma_wait3A_606 = arith.constant 0 : i32
    %dma_wait3A_607 = tpu.memref_slice %arg8[%dma_wait3A_605, %dma_wait3A_606] : memref<512x128xf32, #tpu.memory_space<vmem>> -> memref<128x128xf32, #tpu.memory_space<vmem>>
    %dma_wait3A_608 = arith.constant 0 : i32
    %dma_wait3A_609 = tpu.memref_slice %arg7[%dma_wait3A_604, %dma_wait3A_608] : memref<4x128xi32, #tpu.memory_space<vmem>> -> memref<1x128xi32, #tpu.memory_space<vmem>>
    %dma_wait3A_610 = tpu.memref_squeeze %dma_wait3A_609 : memref<1x128xi32, #tpu.memory_space<vmem>> -> memref<128xi32, #tpu.memory_space<vmem>>
    %dma_wait3A_611 = arith.constant 0 : i32
    %dma_wait3A_612 = arith.constant 0 : i32
    %dma_wait3A_613 = tpu.memref_slice %arg5[%dma_wait3A_611, %dma_wait3A_612] : memref<16x128xf32, #tpu.memory_space<vmem_shared>> -> memref<16x128xf32, #tpu.memory_space<vmem_shared>>
    tpu.wait_indirect_dma semaphore(%arg14 : memref<!tpu.dma_semaphore, #tpu.memory_space<semaphore_mem>>) src(%dma_wait3A_613 : memref<16x128xf32, #tpu.memory_space<vmem_shared>>) dst(%dma_wait3A_607 : memref<128x128xf32, #tpu.memory_space<vmem>>)
    %dma_wait3A_614 = arith.constant 3 : i32
    %dma_wait3A_615 = arith.constant 384 : i32
    %dma_wait3A_616 = arith.constant 0 : i32
    %dma_wait3A_617 = tpu.memref_slice %arg8[%dma_wait3A_615, %dma_wait3A_616] : memref<512x128xf32, #tpu.memory_space<vmem>> -> memref<128x128xf32, #tpu.memory_space<vmem>>
    %dma_wait3A_618 = arith.constant 0 : i32
    %dma_wait3A_619 = tpu.memref_slice %arg7[%dma_wait3A_614, %dma_wait3A_618] : memref<4x128xi32, #tpu.memory_space<vmem>> -> memref<1x128xi32, #tpu.memory_space<vmem>>
    %dma_wait3A_620 = tpu.memref_squeeze %dma_wait3A_619 : memref<1x128xi32, #tpu.memory_space<vmem>> -> memref<128xi32, #tpu.memory_space<vmem>>
    %dma_wait3A_621 = arith.constant 0 : i32
    %dma_wait3A_622 = arith.constant 0 : i32
    %dma_wait3A_623 = tpu.memref_slice %arg5[%dma_wait3A_621, %dma_wait3A_622] : memref<16x128xf32, #tpu.memory_space<vmem_shared>> -> memref<16x128xf32, #tpu.memory_space<vmem_shared>>
    tpu.wait_indirect_dma semaphore(%arg14 : memref<!tpu.dma_semaphore, #tpu.memory_space<semaphore_mem>>) src(%dma_wait3A_623 : memref<16x128xf32, #tpu.memory_space<vmem_shared>>) dst(%dma_wait3A_617 : memref<128x128xf32, #tpu.memory_space<vmem>>)
    %add3A_624 = arith.constant 256 : i32
    %add3A_625 = vector.broadcast %add3A_624 : i32 to vector<16xi32>
    %add3A_626 = arith.addi %iota3A, %add3A_625 : vector<16xi32>
    %gather3A_627 = tpu.vector_load_idx %arg6[%add3A_626, %broadcast_in_dim3A_6] : memref<512x2xf32, #tpu.memory_space<vmem>>[vector<16xi32>, vector<16xi32>], vector<16xf32>,
    tpu.vector_store_idx %arg8[%add3A_626, %broadcast_in_dim3A_6], %gather3A_627 : memref<512x128xf32, #tpu.memory_space<vmem>>[vector<16xi32>, vector<16xi32>], vector<16xf32>,
    %add3A_628 = arith.constant 272 : i32
    %add3A_629 = vector.broadcast %add3A_628 : i32 to vector<16xi32>
    %add3A_630 = arith.addi %iota3A, %add3A_629 : vector<16xi32>
    %gather3A_631 = tpu.vector_load_idx %arg6[%add3A_630, %broadcast_in_dim3A_6] : memref<512x2xf32, #tpu.memory_space<vmem>>[vector<16xi32>, vector<16xi32>], vector<16xf32>,
    tpu.vector_store_idx %arg8[%add3A_630, %broadcast_in_dim3A_6], %gather3A_631 : memref<512x128xf32, #tpu.memory_space<vmem>>[vector<16xi32>, vector<16xi32>], vector<16xf32>,
    %add3A_632 = arith.constant 288 : i32
    %add3A_633 = vector.broadcast %add3A_632 : i32 to vector<16xi32>
    %add3A_634 = arith.addi %iota3A, %add3A_633 : vector<16xi32>
    %gather3A_635 = tpu.vector_load_idx %arg6[%add3A_634, %broadcast_in_dim3A_6] : memref<512x2xf32, #tpu.memory_space<vmem>>[vector<16xi32>, vector<16xi32>], vector<16xf32>,
    tpu.vector_store_idx %arg8[%add3A_634, %broadcast_in_dim3A_6], %gather3A_635 : memref<512x128xf32, #tpu.memory_space<vmem>>[vector<16xi32>, vector<16xi32>], vector<16xf32>,
    %add3A_636 = arith.constant 304 : i32
    %add3A_637 = vector.broadcast %add3A_636 : i32 to vector<16xi32>
    %add3A_638 = arith.addi %iota3A, %add3A_637 : vector<16xi32>
    %gather3A_639 = tpu.vector_load_idx %arg6[%add3A_638, %broadcast_in_dim3A_6] : memref<512x2xf32, #tpu.memory_space<vmem>>[vector<16xi32>, vector<16xi32>], vector<16xf32>,
    tpu.vector_store_idx %arg8[%add3A_638, %broadcast_in_dim3A_6], %gather3A_639 : memref<512x128xf32, #tpu.memory_space<vmem>>[vector<16xi32>, vector<16xi32>], vector<16xf32>,
    %add3A_640 = arith.constant 320 : i32
    %add3A_641 = vector.broadcast %add3A_640 : i32 to vector<16xi32>
    %add3A_642 = arith.addi %iota3A, %add3A_641 : vector<16xi32>
    %gather3A_643 = tpu.vector_load_idx %arg6[%add3A_642, %broadcast_in_dim3A_6] : memref<512x2xf32, #tpu.memory_space<vmem>>[vector<16xi32>, vector<16xi32>], vector<16xf32>,
    tpu.vector_store_idx %arg8[%add3A_642, %broadcast_in_dim3A_6], %gather3A_643 : memref<512x128xf32, #tpu.memory_space<vmem>>[vector<16xi32>, vector<16xi32>], vector<16xf32>,
    %add3A_644 = arith.constant 336 : i32
    %add3A_645 = vector.broadcast %add3A_644 : i32 to vector<16xi32>
    %add3A_646 = arith.addi %iota3A, %add3A_645 : vector<16xi32>
    %gather3A_647 = tpu.vector_load_idx %arg6[%add3A_646, %broadcast_in_dim3A_6] : memref<512x2xf32, #tpu.memory_space<vmem>>[vector<16xi32>, vector<16xi32>], vector<16xf32>,
    tpu.vector_store_idx %arg8[%add3A_646, %broadcast_in_dim3A_6], %gather3A_647 : memref<512x128xf32, #tpu.memory_space<vmem>>[vector<16xi32>, vector<16xi32>], vector<16xf32>,
    %add3A_648 = arith.constant 352 : i32
    %add3A_649 = vector.broadcast %add3A_648 : i32 to vector<16xi32>
    %add3A_650 = arith.addi %iota3A, %add3A_649 : vector<16xi32>
    %gather3A_651 = tpu.vector_load_idx %arg6[%add3A_650, %broadcast_in_dim3A_6] : memref<512x2xf32, #tpu.memory_space<vmem>>[vector<16xi32>, vector<16xi32>], vector<16xf32>,
    tpu.vector_store_idx %arg8[%add3A_650, %broadcast_in_dim3A_6], %gather3A_651 : memref<512x128xf32, #tpu.memory_space<vmem>>[vector<16xi32>, vector<16xi32>], vector<16xf32>,
    %add3A_652 = arith.constant 368 : i32
    %add3A_653 = vector.broadcast %add3A_652 : i32 to vector<16xi32>
    %add3A_654 = arith.addi %iota3A, %add3A_653 : vector<16xi32>
    %gather3A_655 = tpu.vector_load_idx %arg6[%add3A_654, %broadcast_in_dim3A_6] : memref<512x2xf32, #tpu.memory_space<vmem>>[vector<16xi32>, vector<16xi32>], vector<16xf32>,
    tpu.vector_store_idx %arg8[%add3A_654, %broadcast_in_dim3A_6], %gather3A_655 : memref<512x128xf32, #tpu.memory_space<vmem>>[vector<16xi32>, vector<16xi32>], vector<16xf32>,
    %add3A_656 = arith.constant 384 : i32
    %add3A_657 = vector.broadcast %add3A_656 : i32 to vector<16xi32>
    %add3A_658 = arith.addi %iota3A, %add3A_657 : vector<16xi32>
    %gather3A_659 = tpu.vector_load_idx %arg6[%add3A_658, %broadcast_in_dim3A_6] : memref<512x2xf32, #tpu.memory_space<vmem>>[vector<16xi32>, vector<16xi32>], vector<16xf32>,
    tpu.vector_store_idx %arg8[%add3A_658, %broadcast_in_dim3A_6], %gather3A_659 : memref<512x128xf32, #tpu.memory_space<vmem>>[vector<16xi32>, vector<16xi32>], vector<16xf32>,
    %add3A_660 = arith.constant 400 : i32
    %add3A_661 = vector.broadcast %add3A_660 : i32 to vector<16xi32>
    %add3A_662 = arith.addi %iota3A, %add3A_661 : vector<16xi32>
    %gather3A_663 = tpu.vector_load_idx %arg6[%add3A_662, %broadcast_in_dim3A_6] : memref<512x2xf32, #tpu.memory_space<vmem>>[vector<16xi32>, vector<16xi32>], vector<16xf32>,
    tpu.vector_store_idx %arg8[%add3A_662, %broadcast_in_dim3A_6], %gather3A_663 : memref<512x128xf32, #tpu.memory_space<vmem>>[vector<16xi32>, vector<16xi32>], vector<16xf32>,
    %add3A_664 = arith.constant 416 : i32
    %add3A_665 = vector.broadcast %add3A_664 : i32 to vector<16xi32>
    %add3A_666 = arith.addi %iota3A, %add3A_665 : vector<16xi32>
    %gather3A_667 = tpu.vector_load_idx %arg6[%add3A_666, %broadcast_in_dim3A_6] : memref<512x2xf32, #tpu.memory_space<vmem>>[vector<16xi32>, vector<16xi32>], vector<16xf32>,
    tpu.vector_store_idx %arg8[%add3A_666, %broadcast_in_dim3A_6], %gather3A_667 : memref<512x128xf32, #tpu.memory_space<vmem>>[vector<16xi32>, vector<16xi32>], vector<16xf32>,
    %add3A_668 = arith.constant 432 : i32
    %add3A_669 = vector.broadcast %add3A_668 : i32 to vector<16xi32>
    %add3A_670 = arith.addi %iota3A, %add3A_669 : vector<16xi32>
    %gather3A_671 = tpu.vector_load_idx %arg6[%add3A_670, %broadcast_in_dim3A_6] : memref<512x2xf32, #tpu.memory_space<vmem>>[vector<16xi32>, vector<16xi32>], vector<16xf32>,
    tpu.vector_store_idx %arg8[%add3A_670, %broadcast_in_dim3A_6], %gather3A_671 : memref<512x128xf32, #tpu.memory_space<vmem>>[vector<16xi32>, vector<16xi32>], vector<16xf32>,
    %add3A_672 = arith.constant 448 : i32
    %add3A_673 = vector.broadcast %add3A_672 : i32 to vector<16xi32>
    %add3A_674 = arith.addi %iota3A, %add3A_673 : vector<16xi32>
    %gather3A_675 = tpu.vector_load_idx %arg6[%add3A_674, %broadcast_in_dim3A_6] : memref<512x2xf32, #tpu.memory_space<vmem>>[vector<16xi32>, vector<16xi32>], vector<16xf32>,
    tpu.vector_store_idx %arg8[%add3A_674, %broadcast_in_dim3A_6], %gather3A_675 : memref<512x128xf32, #tpu.memory_space<vmem>>[vector<16xi32>, vector<16xi32>], vector<16xf32>,
    %add3A_676 = arith.constant 464 : i32
    %add3A_677 = vector.broadcast %add3A_676 : i32 to vector<16xi32>
    %add3A_678 = arith.addi %iota3A, %add3A_677 : vector<16xi32>
    %gather3A_679 = tpu.vector_load_idx %arg6[%add3A_678, %broadcast_in_dim3A_6] : memref<512x2xf32, #tpu.memory_space<vmem>>[vector<16xi32>, vector<16xi32>], vector<16xf32>,
    tpu.vector_store_idx %arg8[%add3A_678, %broadcast_in_dim3A_6], %gather3A_679 : memref<512x128xf32, #tpu.memory_space<vmem>>[vector<16xi32>, vector<16xi32>], vector<16xf32>,
    %add3A_680 = arith.constant 480 : i32
    %add3A_681 = vector.broadcast %add3A_680 : i32 to vector<16xi32>
    %add3A_682 = arith.addi %iota3A, %add3A_681 : vector<16xi32>
    %gather3A_683 = tpu.vector_load_idx %arg6[%add3A_682, %broadcast_in_dim3A_6] : memref<512x2xf32, #tpu.memory_space<vmem>>[vector<16xi32>, vector<16xi32>], vector<16xf32>,
    tpu.vector_store_idx %arg8[%add3A_682, %broadcast_in_dim3A_6], %gather3A_683 : memref<512x128xf32, #tpu.memory_space<vmem>>[vector<16xi32>, vector<16xi32>], vector<16xf32>,
    %add3A_684 = arith.constant 496 : i32
    %add3A_685 = vector.broadcast %add3A_684 : i32 to vector<16xi32>
    %add3A_686 = arith.addi %iota3A, %add3A_685 : vector<16xi32>
    %gather3A_687 = tpu.vector_load_idx %arg6[%add3A_686, %broadcast_in_dim3A_6] : memref<512x2xf32, #tpu.memory_space<vmem>>[vector<16xi32>, vector<16xi32>], vector<16xf32>,
    tpu.vector_store_idx %arg8[%add3A_686, %broadcast_in_dim3A_6], %gather3A_687 : memref<512x128xf32, #tpu.memory_space<vmem>>[vector<16xi32>, vector<16xi32>], vector<16xf32>,
    %add3A_688 = arith.constant 256 : i32
    %add3A_689 = arith.addi %mul3A_2, %add3A_688 : i32
    %dma_start3A_690 = arith.constant 256 : i32
    %dma_start3A_691 = arith.constant 0 : i32
    %dma_start3A_692 = tpu.memref_slice %arg8[%dma_start3A_690, %dma_start3A_691] : memref<512x128xf32, #tpu.memory_space<vmem>> -> memref<256x128xf32, #tpu.memory_space<vmem>>
    %dma_start3A_693 = arith.constant 0 : i32
    %dma_start3A_694 = tpu.memref_slice %arg4[%add3A_689, %dma_start3A_693] : memref<16384x129xf32, #tpu.memory_space<hbm>> -> memref<256x128xf32, #tpu.memory_space<hbm>>
    %dma_start3A_695 = arith.constant 0 : i32
    %dma_start3A_696 = tpu.memref_slice %arg4[%add3A_689, %dma_start3A_695] : memref<16384x129xf32, #tpu.memory_space<hbm>> -> memref<256x128xf32, #tpu.memory_space<hbm>>
    %dma_start3A_697 = arith.constant 256 : i32
    %dma_start3A_698 = arith.constant 0 : i32
    %dma_start3A_699 = tpu.memref_slice %arg8[%dma_start3A_697, %dma_start3A_698] : memref<512x128xf32, #tpu.memory_space<vmem>> -> memref<256x128xf32, #tpu.memory_space<vmem>>
    tpu.enqueue_dma source(%dma_start3A_699 : memref<256x128xf32, #tpu.memory_space<vmem>>) target(%dma_start3A_696 : memref<256x128xf32, #tpu.memory_space<hbm>>) target_semaphore(%arg15 : memref<!tpu.dma_semaphore, #tpu.memory_space<semaphore_mem>>)
    %dma_wait3A_700 = arith.constant 0 : i32
    %dma_wait3A_701 = arith.constant 0 : i32
    %dma_wait3A_702 = tpu.memref_slice %arg8[%dma_wait3A_700, %dma_wait3A_701] : memref<512x128xf32, #tpu.memory_space<vmem>> -> memref<256x128xf32, #tpu.memory_space<vmem>>
    %dma_wait3A_703 = arith.constant 0 : i32
    %dma_wait3A_704 = tpu.memref_slice %arg4[%add3A_593, %dma_wait3A_703] : memref<16384x129xf32, #tpu.memory_space<hbm>> -> memref<256x128xf32, #tpu.memory_space<hbm>>
    %dma_wait3A_705 = arith.constant 0 : i32
    %dma_wait3A_706 = tpu.memref_slice %arg4[%add3A_593, %dma_wait3A_705] : memref<16384x129xf32, #tpu.memory_space<hbm>> -> memref<256x128xf32, #tpu.memory_space<hbm>>
    %dma_wait3A_707 = arith.constant 0 : i32
    %dma_wait3A_708 = arith.constant 0 : i32
    %dma_wait3A_709 = tpu.memref_slice %arg8[%dma_wait3A_707, %dma_wait3A_708] : memref<512x128xf32, #tpu.memory_space<vmem>> -> memref<256x128xf32, #tpu.memory_space<vmem>>
    tpu.wait_dma2 semaphore(%arg15 : memref<!tpu.dma_semaphore, #tpu.memory_space<semaphore_mem>>) src(%dma_wait3A_709 : memref<256x128xf32, #tpu.memory_space<vmem>>) dst(%dma_wait3A_706 : memref<256x128xf32, #tpu.memory_space<hbm>>)
    %dma_wait3A_710 = arith.constant 256 : i32
    %dma_wait3A_711 = arith.constant 0 : i32
    %dma_wait3A_712 = tpu.memref_slice %arg8[%dma_wait3A_710, %dma_wait3A_711] : memref<512x128xf32, #tpu.memory_space<vmem>> -> memref<256x128xf32, #tpu.memory_space<vmem>>
    %dma_wait3A_713 = arith.constant 0 : i32
    %dma_wait3A_714 = tpu.memref_slice %arg4[%add3A_689, %dma_wait3A_713] : memref<16384x129xf32, #tpu.memory_space<hbm>> -> memref<256x128xf32, #tpu.memory_space<hbm>>
    %dma_wait3A_715 = arith.constant 0 : i32
    %dma_wait3A_716 = tpu.memref_slice %arg4[%add3A_689, %dma_wait3A_715] : memref<16384x129xf32, #tpu.memory_space<hbm>> -> memref<256x128xf32, #tpu.memory_space<hbm>>
    %dma_wait3A_717 = arith.constant 256 : i32
    %dma_wait3A_718 = arith.constant 0 : i32
    %dma_wait3A_719 = tpu.memref_slice %arg8[%dma_wait3A_717, %dma_wait3A_718] : memref<512x128xf32, #tpu.memory_space<vmem>> -> memref<256x128xf32, #tpu.memory_space<vmem>>
    tpu.wait_dma2 semaphore(%arg15 : memref<!tpu.dma_semaphore, #tpu.memory_space<semaphore_mem>>) src(%dma_wait3A_719 : memref<256x128xf32, #tpu.memory_space<vmem>>) dst(%dma_wait3A_716 : memref<256x128xf32, #tpu.memory_space<hbm>>)
    %dma_wait3A_720 = arith.constant 128 : i32
    %dma_wait3A_721 = tpu.memref_slice %arg4[%mul3A_2, %dma_wait3A_720] : memref<16384x129xf32, #tpu.memory_space<hbm>> -> memref<512x1xf32, #tpu.memory_space<hbm>>
    %dma_wait3A_722 = arith.constant 128 : i32
    %dma_wait3A_723 = tpu.memref_slice %arg4[%mul3A_2, %dma_wait3A_722] : memref<16384x129xf32, #tpu.memory_space<hbm>> -> memref<512x1xf32, #tpu.memory_space<hbm>>
    tpu.wait_dma2 semaphore(%arg16 : memref<!tpu.dma_semaphore, #tpu.memory_space<semaphore_mem>>) src(%arg9 : memref<512x1xf32, #tpu.memory_space<vmem>>) dst(%dma_wait3A_723 : memref<512x1xf32, #tpu.memory_space<hbm>>)
    return
  }
}

</mosaic_0001>

<sc_bundles>
// kernel: _sc_embed.3.cloned.1.call-start
scs
__scs_entry_jumppad:
0x0: {  	(pc) =	sbr.rel $0x88, $3  }
0x1: {  	(tag) =	ssettag $0x0;
	lr =	simm.s32 $0x1  }
0x2: {  	[smem:$0x3F9F] =	sst lr;
	_ =	strace $0xD0000000  }
0x3: {  	_ = 	snop  }
0x4: {  	_ = 	snop  }
0x5: {  	_ = 	snop  }
0x6: {  	_ = 	snop  }
0x7: {  	_ = 	snop  }
__scs_overlays_trampoline_lowered:
0x8: {  	[smem:$0x3FAE] =	sst s0  }
0x9: {  	[smem:$0x3FAF] =	sst s1  }
0xa: {  	[smem:$0x3FB0] =	sst s2  }
0xb: {  	[smem:$0x3FB1] =	sst s3  }
0xc: {  	[smem:$0x3FB2] =	sst s4  }
0xd: {  	[smem:$0x3FB3] =	sst s5  }
0xe: {  	[smem:$0x3FB4] =	sst s6  }
0xf: {  	[smem:$0x3FB5] =	sst s7  }
0x10: {  	[smem:$0x3FB6] =	sst s8  }
0x11: {  	[smem:$0x3FB7] =	sst s9;
	s0 =	simm.s32 @!p0 $0x0  }
0x12: {  	s1 =	sld [smem:$0x3F9D];
	s0 =	simm.s32 @p0 $0x1  }
0x13: {  	[smem:$0x3FB8] =	sst s0;
	s0 =	simm.s32 @!p1 $0x0  }
0x14: {  	s2 =	sld [smem:$0x3F9C];
	s0 =	simm.s32 @p1 $0x1  }
0x15: {  	[smem:$0x3FB9] =	sst s0;
	s0 =	simm.s32 @!p2 $0x0  }
0x16: {  	s3 =	sld [smem:$0x3FDB];
	s0 =	simm.s32 @p2 $0x1  }
0x17: {  	s4 =	simm.s32 $0x1BF5;
	[smem:$0x3FBB] =	sst s0  }
0x18: {  	s0 =	sld [smem:$0x3F9E];
	_ =	swait.ge [sflag:s4], $0x0  }
0x19: {  	s7 =	sld [smem:$0x3F9F]  }
0x1a: {  	s8 =	sadd.s32 $0xFFFFE003, lr  }
0x1b: {  	s9 =	sadd.s32 $0xFFFFFEF7, lr;
	s5 =	simm.s32 $0xFFFFFFFF;
	p2 =	slt.u32 s8, $0xFFFFF086  }
0x1c: {  	p1 =	slt.u32 s9, $0xF7A;
	s5 =	simm.s32 @!p2 $0x0  }
0x1d: {  	s5 =	simm.s32 @p1 $0x1;
	p0 =	seq.s32 s7, s2  }
0x1e: {  	s7 =	smul.u32 @!p0 $0xF7A, s2;
	p2 =	seq.s32 @!p0 s5, $0x0  }
0x1f: {  	s9 =	smul.u32 $0xF7A, s1;
	s8 =	simm.s32 @!p0 $0x1BF5;
	p2 =	por !p2, p0  }
0x20: {  	[sflag:s8] =	ssyncset.s32 @!p0 $0xFFFFF086;
	s6 =	sadd.s32 @!p0 s3, s7;
	s7 =	simm.s32 @!p0 $0x108  }
0x21: {  	s3 =	sadd.s32 s3, s9;
	s6 =	sadd.s32 @!p0 $0x88, s6;
	s7 =	simm.s32 @p2 $0x1082  }
0x22: {  	[simem:s7], [sflag:s8] =	dma.local @!p0 [hbm:s6], $0xF7A  }
0x23: {  	s9 =	sor.u32 $0xD0000000, s2;
	s6 =	simm.s32 $0x108;
	_ =	swait.ge @!p0 [sflag:s8], $0x0  }
0x24: {  	s3 =	sadd.s32 $0x88, s3;
	s6 =	simm.s32 @!p1 $0x1082;
	[sflag:s4] =	ssyncset.s32 $0xFFFFF086  }
0x25: {  	[simem:s6], [sflag:s4] =	dma.local [hbm:s3], $0xF7A  }
0x26: {  	[smem:$0x3F9F] =	sst s1;
	(tag) =	ssettag s2;
	_ =	strace s9  }
0x27: {  	s1 =	sld [smem:$0x3FAF]  }
0x28: {  	s2 =	sld [smem:$0x3FB0]  }
0x29: {  	s4 =	sld [smem:$0x3FB2]  }
0x2a: {  	p0 =	seq.s32 s5, $0x0;
	s5 =	sld [smem:$0x3FB3]  }
0x2b: {  	s6 =	sld [smem:$0x3FB4]  }
0x2c: {  	s7 =	sld [smem:$0x3FB5]  }
0x2d: {  	s3 =	simm.s32 $0x108;
	s8 =	sld [smem:$0x3FB6]  }
0x2e: {  	s3 =	simm.s32 @!p0 $0x1082;
	s9 =	sld [smem:$0x3FB7]  }
0x2f: {  	lr =	sadd.s32 s0, s3;
	s0 =	sld [smem:$0x3FAE]  }
0x30: {  	s3 =	sld [smem:$0x3FB1]  }
0x31: {  	[smem:$0x3FBA] =	sst s10  }
0x32: {  	s10 =	sld [smem:$0x3FB8];
	_ =	sdelay $0x3  }
0x33: {  	p0 =	seq.s32 s10, $0x1;
	s10 =	sld [smem:$0x3FBA];
	_ =	sdelay $0x3  }
0x34: {  	[smem:$0x3FBA] =	sst s10  }
0x35: {  	s10 =	sld [smem:$0x3FB9];
	_ =	sdelay $0x3  }
0x36: {  	p1 =	seq.s32 s10, $0x1;
	s10 =	sld [smem:$0x3FBA];
	_ =	sdelay $0x3  }
0x37: {  	[smem:$0x3FBA] =	sst s10  }
0x38: {  	s10 =	sld [smem:$0x3FBB]  }
0x39: {  	_ = 	snop;
	(pc) =	sbr.ind lr, $3  }
0x3a: {  	_ = 	snop  }
0x3b: {  	_ = 	snop  }
0x3c: {  	p2 =	seq.s32 s10, $0x1;
	s10 =	sld [smem:$0x3FBA]  }
0x3d: {  	_ =	shalt  }
0x3e: {  	_ =	shalt  }
0x3f: {  	_ =	shalt  }
0x40: {  	_ =	shalt  }
0x41: {  	_ =	shalt  }
0x42: {  	_ =	shalt  }
0x43: {  	_ =	shalt  }
0x44: {  	_ =	shalt  }
0x45: {  	_ =	shalt  }
0x46: {  	_ =	shalt  }
0x47: {  	_ =	shalt  }
0x48: {  	_ =	shalt  }
0x49: {  	_ =	shalt  }
0x4a: {  	_ =	shalt  }
0x4b: {  	_ =	shalt  }
0x4c: {  	_ =	shalt  }
0x4d: {  	_ =	shalt  }
0x4e: {  	_ =	shalt  }
0x4f: {  	_ =	shalt  }
0x50: {  	_ =	shalt  }
0x51: {  	_ =	shalt  }
0x52: {  	_ =	shalt  }
0x53: {  	_ =	shalt  }
0x54: {  	_ =	shalt  }
0x55: {  	_ =	shalt  }
0x56: {  	_ =	shalt  }
0x57: {  	_ =	shalt  }
0x58: {  	_ =	shalt  }
0x59: {  	_ =	shalt  }
0x5a: {  	_ =	shalt  }
0x5b: {  	_ =	shalt  }
0x5c: {  	_ =	shalt  }
0x5d: {  	_ =	shalt  }
0x5e: {  	_ =	shalt  }
0x5f: {  	_ =	shalt  }
0x60: {  	_ =	shalt  }
0x61: {  	_ =	shalt  }
0x62: {  	_ =	shalt  }
0x63: {  	_ =	shalt  }
0x64: {  	_ =	shalt  }
0x65: {  	_ =	shalt  }
0x66: {  	_ =	shalt  }
0x67: {  	_ =	shalt  }
0x68: {  	_ =	shalt  }
0x69: {  	_ =	shalt  }
0x6a: {  	_ =	shalt  }
0x6b: {  	_ =	shalt  }
0x6c: {  	_ =	shalt  }
0x6d: {  	_ =	shalt  }
0x6e: {  	_ =	shalt  }
0x6f: {  	_ =	shalt  }
0x70: {  	_ =	shalt  }
0x71: {  	_ =	shalt  }
0x72: {  	_ =	shalt  }
0x73: {  	_ =	shalt  }
0x74: {  	_ =	shalt  }
0x75: {  	_ =	shalt  }
0x76: {  	_ =	shalt  }
0x77: {  	_ =	shalt  }
0x78: {  	_ =	shalt  }
0x79: {  	_ =	shalt  }
0x7a: {  	_ =	shalt  }
0x7b: {  	_ =	shalt  }
0x7c: {  	_ =	shalt  }
0x7d: {  	_ =	shalt  }
0x7e: {  	_ =	shalt  }
0x7f: {  	_ =	shalt  }
0x80: {  	_ =	shalt  }
0x81: {  	_ =	shalt  }
0x82: {  	_ =	shalt  }
0x83: {  	_ =	shalt  }
0x84: {  	_ =	shalt  }
0x85: {  	_ =	shalt  }
0x86: {  	_ =	shalt  }
0x87: {  	_ =	shalt  }
.Lfunc_end0:
.L_simem_size_0:
called_computation_lowered:
.L_overlay_start_0:
0x88: {  	s2 =	sld [smem:$0x3FD9]  }
0x89: {  	s3 =	sld [smem:$0x3FFE];
	_ =	sdelay $0x1  }
0x8a: {  	s1 =	srdreg.scid  }
0x8b: {  	s0 =	sand.u32 $0x1, s1  }
0x8c: {  	s17 =	sshll.u32 s0, $0xA;
	s2 =	sadd.s32 s3, s2  }
0x8d: {  	s2 =	sadd.s32 s2, s17  }
0x8e: {  	[smem:$0x3FC6] =	sst s2  }
0x8f: {  	_ = 	snop  }
0x90: {  	s2 =	sld [smem:$0x3FD0];
	(tm) =	ssettm $0x1  }
0x91: {  	s18 =	sld [smem:$0x3FFB];
	_ =	sdelay $0x3  }
0x92: {  	_ =	strace s18  }
0x93: {  	s3 =	sld [smem:$0x3FFC];
	_ =	sdelay $0x3  }
0x94: {  	_ =	strace s3  }
0x95: {  	s3 =	sld [smem:$0x3FFD];
	_ =	sdelay $0x3  }
0x96: {  	_ =	strace s3  }
0x97: {  	_ =	strace $0x8FFFFFFF  }
0x98: {  	s19 =	sld [smem:$0x3FDB];
	_ =	sdelay $0x1  }
0x99: {  	s4 =	simm.s32 $_scs_section_size  }
0x9a: {  	s5 =	simm.s32 $_size__tile_overlayer_lowered;
	s6 =	simm.s32 $_tile_overlayer_lowered  }
0x9b: {  	s22 =	simm.s32 $0x1BFF;
	s21 =	sshll.u32 s6, $0x1;
	s3 =	sadd.s32 s4, s19  }
0x9c: {  	s7 =	simm.s32 $0x0;
	s20 =	sshll.u32 s5, $0x1;
	s5 =	sadd.s32 s21, s3  }
0x9d: {  	[timem:s7], [sflag:s22] =	dma.local [hbm:s5], s20  }
0x9e: {  	_ =	swait.ge [sflag:s22], s20  }
0x9f: {  	s4 =	ssub.s32 $0x0, s20;
	[sflag:s22] =	ssyncset.done $0x0  }
0xa0: {  	[sflag:s22] =	ssyncadd.s32 s4;
	_ =	sdelay $0x1  }
0xa1: {  	s23 =	simm.s32 $0x1B8B  }
0xa2: {  	_ =	swait.ge [sflag:s23], $0x1  }
0xa3: {  	[sflag:s23] =	ssyncset.done $0x0  }
0xa4: {  	s25 =	simm.s32 $0x1B8E;
	s24 =	sld [smem:$0x3FFE];
	[sflag:s23] =	ssyncadd.s32 $0xFFFFFFFF  }
0xa5: {  	s26 =	simm.s32 $execute0_lowered;
	[smem:$0x3FD2] =	sst s25  }
0xa6: {  	s5 =	sshll.u32 s26, $0x1;
	_ =	strace $0x80000046;
	[dreg:$0x1] =	wrdreg $0xFFFFFFFF  }
0xa7: {  	s28 =	simm.s32 $_size_execute0_lowered;
	s3 =	sadd.s32 s3, s5;
	[dreg:$0x0] =	wrdreg $0x0  }
0xa8: {  	s5 =	sshll.u32 s28, $0x1;
	[dreg:$0x2] =	wrdreg s3  }
0xa9: {  	[dreg:$0x3] =	wrdreg s5  }
0xaa: {  	[dreg:$0x4] =	wrdreg $0xC0  }
0xab: {  	_ =	task [dreg:s7], $0x5FFFF  }
0xac: {  	[dreg:$0x1] =	wrdreg $0xFFFFFFFF  }
0xad: {  	[dreg:$0x0] =	wrdreg $0x60  }
0xae: {  	[dreg:$0x2] =	wrdreg s2  }
0xaf: {  	[dreg:$0x3] =	wrdreg s24  }
0xb0: {  	[dreg:$0x4] =	wrdreg $0x0  }
0xb1: {  	[dreg:$0x5] =	wrdreg $0x9  }
0xb2: {  	_ =	task.clear_ibuf [dreg:s7], $0x6FFFF;
	_ =	strace $0x90000046  }
0xb3: {  	s29 =	simm.s32 $0x9;
	_ =	strace $0x80000048  }
0xb4: {  	_ =	swait.ge [sflag:s29], $0x1  }
0xb5: {  	[sflag:s29] =	ssyncadd.s32 $0xFFFFFFFF  }
0xb6: {  	_ =	strace $0x90000048  }
0xb7: {  	_ =	sfence  }
0xb8: {  	s30 =	sld [smem:$0x0];
	_ =	sdelay $0x2  }
0xb9: {  	s31 =	sshll.u32 s1, $0xD;
	s1 =	sshrl.u32 s1, $0x2  }
0xba: {  	s3 =	sand.u32 $0x4000, s31;
	s1 =	sadd.s32 s1, s30  }
0xbb: {  	s0 =	sor.u32 s3, s0;
	s1 =	sshll.u32 s1, $0x11  }
0xbc: {  	s0 =	sor.u32 s1, s0  }
0xbd: {  	s0 =	sadd.s32 $0x8F2B, s0  }
0xbe: {  	[sflag:s0] =	ssyncadd.remote.s32 $0x1  }
0xbf: {  	_ =	sfence.sel $0xFFFF  }
0xc0: {  	[dreg:$0x0] =	wrdreg $0xFFFFFFFF;
	(pc) =	sbr.abs _section_cstart, $3  }
0xc1: {  	[dreg:$0x1] =	wrdreg $0xFFFFFFFF  }
0xc2: {  	_ =	task.clear_ibuf [dreg:s7], $0x2FFFF;
	_ =	strace $0x9FFFFFFF  }
0xc3: {  	(tm) =	ssettm $0x7FFFFFFF  }
tec
execute0_lowered:
.L_overlay_start_1:
0x0: {  	(tag) =	ssettag $0x1  }
0x1: {  	v0 =	vlaneseq.u32  }
0x2: {  	v1 =	vmul.u32 $0x80, v0  }
0x3: {  	v2 =	vmul.u32 $0x40, v0  }
0x4: {  	v4 =	vor.u32 $0x1, v1  }
0x5: {  	[tilespmem:$0x1FDE0] =	vst v4;
	v4 =	vor.u32 $0x1, v2  }
0x6: {  	[tilespmem:$0x1FDF0] =	vst v4;
	v4 =	vor.u32 $0x2, v1  }
0x7: {  	[tilespmem:$0x1FE00] =	vst v4;
	v4 =	vor.u32 $0x2, v2  }
0x8: {  	[tilespmem:$0x1FE10] =	vst v4;
	v4 =	vor.u32 $0x3, v1  }
0x9: {  	[tilespmem:$0x1FE20] =	vst v4;
	v4 =	vor.u32 $0x3, v2  }
0xa: {  	[tilespmem:$0x1FE30] =	vst v4;
	v4 =	vor.u32 $0x4, v1  }
0xb: {  	[tilespmem:$0x1FE40] =	vst v4;
	v4 =	vor.u32 $0x4, v2  }
0xc: {  	[tilespmem:$0x1FE50] =	vst v4;
	v4 =	vor.u32 $0x5, v1  }
0xd: {  	[tilespmem:$0x1FE60] =	vst v4;
	v4 =	vor.u32 $0x5, v2  }
0xe: {  	[tilespmem:$0x1FE70] =	vst v4;
	v4 =	vor.u32 $0x6, v1  }
0xf: {  	[tilespmem:$0x1FE80] =	vst v4;
	v4 =	vor.u32 $0x6, v2  }
0x10: {  	[tilespmem:$0x1FE90] =	vst v4;
	v4 =	vor.u32 $0x7, v1  }
0x11: {  	[tilespmem:$0x1FEA0] =	vst v4;
	v4 =	vor.u32 $0x7, v2  }
0x12: {  	[tilespmem:$0x1FEB0] =	vst v4;
	v4 =	vor.u32 $0x8, v1  }
0x13: {  	[tilespmem:$0x1FEC0] =	vst v4;
	v4 =	vor.u32 $0x8, v2  }
0x14: {  	[tilespmem:$0x1FED0] =	vst v4;
	v4 =	vor.u32 $0x9, v1  }
0x15: {  	[tilespmem:$0x1FEE0] =	vst v4;
	v4 =	vor.u32 $0x9, v2  }
0x16: {  	s1 =	rddreg [dreg:$0x0];
	[tilespmem:$0x1FEF0] =	vst v4;
	v4 =	vor.u32 $0xA, v1  }
0x17: {  	s3 =	rddreg [dreg:$0x1];
	s2 =	srdreg.scid;
	[tilespmem:$0x1FF00] =	vst v4;
	v4 =	vor.u32 $0xA, v2  }
0x18: {  	s0 =	rddreg [dreg:$0x2];
	s11 =	simm.s32 $0x12680;
	s12 =	simm.s32 $0x11280;
	[tilespmem:$0x1FF10] =	vst v4;
	v4 =	vor.u32 $0xB, v1  }
0x19: {  	s14 =	simm.s32 $0x88;
	s17 =	simm.s32 $0x1080;
	s18 =	simm.s32 $0x1280;
	[tilespmem:$0x1FF20] =	vst v4;
	v4 =	vor.u32 $0xB, v2  }
0x1a: {  	v3 =	vimm.f32 $0.0e+00;
	s19 =	simm.s32 $0x1100;
	s20 =	simm.s32 $0x5280;
	s21 =	simm.s32 $0x1180;
	v38 =	vor.u32 $0x12, v1;
	[tilespmem:$0x1FF30] =	vst v4;
	v4 =	vor.u32 $0xC, v1  }
0x1b: {  	s22 =	simm.s32 $0x9280;
	s4 =	sand.u32 $0x1, s2;
	s2 =	simm.s32 $0x0;
	v39 =	vor.u32 $0x12, v2;
	v40 =	vor.u32 $0x13, v1;
	[tilespmem:$0x1FF40] =	vst v4;
	v4 =	vor.u32 $0xC, v2  }
0x1c: {  	s9 =	stileid.u32;
	s23 =	simm.s32 $0x1200;
	[smem:$0x7FF] =	sst s2;
	v41 =	vor.u32 $0x13, v2;
	v42 =	vor.u32 $0x14, v1;
	[tilespmem:$0x1FF50] =	vst v4;
	v4 =	vor.u32 $0xD, v1  }
0x1d: {  	s15 =	simm.s32 $0x1;
	s16 =	simm.s32 $0x80;
	v43 =	vor.u32 $0x14, v2;
	v44 =	vor.u32 $0x15, v1;
	_ =	strace $0x80000047;
	[tilespmem:$0x1FF60] =	vst v4;
	v4 =	vor.u32 $0xD, v2  }
0x1e: {  	s24 =	simm.s32 $0xD280;
	s25 =	simm.s32 $0x2;
	s28 =	simm.s32 $0x4;
	v45 =	vor.u32 $0x15, v2;
	v46 =	vor.u32 $0x16, v1;
	[tilespmem:$0x1FF70] =	vst v4;
	v4 =	vor.u32 $0xE, v1  }
0x1f: {  	s29 =	simm.s32 $0x5;
	s30 =	simm.s32 $0x0;
	s5 =	sshll.u32 s9, $0x1;
	v47 =	vor.u32 $0x16, v2;
	v48 =	vor.u32 $0x17, v1;
	[tilespmem:$0x1FF80] =	vst v4;
	v4 =	vor.u32 $0xE, v2  }
0x20: {  	s7 =	sadd.s32 $0x800, s3;
	s3 =	sadd.s32 $0x600, s3;
	s5 =	sor.u32 s4, s5;
	v49 =	vor.u32 $0x17, v2;
	v50 =	vor.u32 $0x18, v1;
	[tilespmem:$0x1FF90] =	vst v4;
	v4 =	vor.u32 $0xF, v1  }
0x21: {  	p0 =	sne.s32 s9, $0x0;
	s4 =	ssub.s32 $0x2, s4;
	s6 =	smul.u32 $0x11000, s5;
	v51 =	vor.u32 $0x18, v2;
	v52 =	vor.u32 $0x19, v1;
	[tilespmem:$0x1FFA0] =	vst v4;
	v4 =	vor.u32 $0xF, v2  }
.Ltmp0:
0x22: {  	s9 =	simm.s32 $0x12280;
	s8 =	sshrl.u32 s4, $0x1;
	v53 =	vor.u32 $0x19, v2;
	v54 =	vor.u32 $0x1A, v1;
	[tilespmem:$0x1FFB0] =	vst v4;
	v4 =	vor.u32 $0x10, v1;
	(pc) =	sbr.rel .LBB2_1-.Ltmp0, $4  }
0x23: {  	s10 =	smul.u32 $0x2200, s5;
	v55 =	vor.u32 $0x1A, v2;
	v56 =	vor.u32 $0x1B, v1;
	s26 =	ssub.s32 s4, s8;
	s6 =	sshrl.u32 s6, $0x3;
	[tilespmem:$0x1FFC0] =	vst v4;
	v4 =	vor.u32 $0x10, v2  }
0x24: {  	v57 =	vor.u32 $0x1B, v2;
	v58 =	vor.u32 $0x1C, v1;
	s8 =	smax.u32 s26, $0x1;
	s26 =	simm.s32 $0x3;
	s31 =	sadd.s32 s7, s6;
	[tilespmem:$0x1FFD0] =	vst v4;
	v4 =	vor.u32 $0x11, v1  }
0x25: {  	v59 =	vor.u32 $0x1C, v2;
	v60 =	vor.u32 $0x1D, v1;
	s4 =	sadd.s32 s1, s6;
	s6 =	sadd.s32 s7, s10;
	s10 =	simm.s32 $0x6;
	[tilespmem:$0x1FFE0] =	vst v4;
	v4 =	vor.u32 $0x11, v2  }
0x26: {  	v61 =	vor.u32 $0x1D, v2;
	v62 =	vor.u32 $0x1E, v1;
	v63 =	vor.u32 $0x1E, v2;
	s5 =	sadd.s32 $0x10, s31;
	s7 =	sadd.s32 $0x1100, s31;
	[dreg:$0x4] =	wrdreg s3;
	[tilespmem:$0x1FFF0] =	vst v4  }
.LBB2_5:
0x27: {  	v35 =	vmul.u32 $0x8, v0;
	_ =	sdelay $0x1  }
0x28: {  	v34 =	vor.u32 $0x80, v35  }
0x29: {  	v33 =	vor.u32 $0x100, v35  }
0x2a: {  	v32 =	vor.u32 $0x180, v35  }
0x2b: {  	v31 =	vor.u32 $0x200, v35  }
0x2c: {  	v30 =	vor.u32 $0x280, v35;
	[tilespmem:v35+s12+$0x0] =	vst.idx.msk $0xffff, v3  }
0x2d: {  	v29 =	vor.u32 $0x300, v35;
	[tilespmem:v34+s12+$0x0] =	vst.idx.msk $0xffff, v3  }
0x2e: {  	v28 =	vor.u32 $0x380, v35;
	[tilespmem:v33+s12+$0x0] =	vst.idx.msk $0xffff, v3  }
0x2f: {  	v27 =	vor.u32 $0x400, v35;
	[tilespmem:v32+s12+$0x0] =	vst.idx.msk $0xffff, v3  }
0x30: {  	v26 =	vor.u32 $0x480, v35;
	[tilespmem:v31+s12+$0x0] =	vst.idx.msk $0xffff, v3  }
0x31: {  	v25 =	vor.u32 $0x500, v35;
	[tilespmem:v30+s12+$0x0] =	vst.idx.msk $0xffff, v3  }
0x32: {  	v24 =	vor.u32 $0x580, v35;
	[tilespmem:v29+s12+$0x0] =	vst.idx.msk $0xffff, v3  }
0x33: {  	v23 =	vor.u32 $0x600, v35;
	[tilespmem:v28+s12+$0x0] =	vst.idx.msk $0xffff, v3  }
0x34: {  	v22 =	vor.u32 $0x680, v35;
	[tilespmem:v27+s12+$0x0] =	vst.idx.msk $0xffff, v3  }
0x35: {  	v21 =	vor.u32 $0x700, v35;
	[tilespmem:v26+s12+$0x0] =	vst.idx.msk $0xffff, v3  }
0x36: {  	v20 =	vor.u32 $0x780, v35;
	[tilespmem:v25+s12+$0x0] =	vst.idx.msk $0xffff, v3  }
0x37: {  	v19 =	vor.u32 $0x800, v35;
	[tilespmem:v24+s12+$0x0] =	vst.idx.msk $0xffff, v3  }
0x38: {  	v18 =	vor.u32 $0x880, v35;
	[tilespmem:v23+s12+$0x0] =	vst.idx.msk $0xffff, v3  }
0x39: {  	v17 =	vor.u32 $0x900, v35;
	[tilespmem:v22+s12+$0x0] =	vst.idx.msk $0xffff, v3  }
0x3a: {  	v16 =	vor.u32 $0x980, v35;
	[tilespmem:v21+s12+$0x0] =	vst.idx.msk $0xffff, v3  }
0x3b: {  	v15 =	vor.u32 $0xA00, v35;
	[tilespmem:v20+s12+$0x0] =	vst.idx.msk $0xffff, v3  }
0x3c: {  	v14 =	vor.u32 $0xA80, v35;
	[tilespmem:v19+s12+$0x0] =	vst.idx.msk $0xffff, v3  }
0x3d: {  	v13 =	vor.u32 $0xB00, v35;
	[tilespmem:v18+s12+$0x0] =	vst.idx.msk $0xffff, v3  }
0x3e: {  	v12 =	vor.u32 $0xB80, v35;
	[tilespmem:v17+s12+$0x0] =	vst.idx.msk $0xffff, v3  }
0x3f: {  	v11 =	vor.u32 $0xC00, v35;
	[tilespmem:v16+s12+$0x0] =	vst.idx.msk $0xffff, v3  }
0x40: {  	v10 =	vor.u32 $0xC80, v35;
	[tilespmem:v15+s12+$0x0] =	vst.idx.msk $0xffff, v3  }
0x41: {  	v9 =	vor.u32 $0xD00, v35;
	[tilespmem:v14+s12+$0x0] =	vst.idx.msk $0xffff, v3  }
0x42: {  	v8 =	vor.u32 $0xD80, v35;
	[tilespmem:v13+s12+$0x0] =	vst.idx.msk $0xffff, v3  }
0x43: {  	v7 =	vor.u32 $0xE00, v35;
	[tilespmem:v12+s12+$0x0] =	vst.idx.msk $0xffff, v3  }
0x44: {  	v6 =	vor.u32 $0xE80, v35;
	[tilespmem:v11+s12+$0x0] =	vst.idx.msk $0xffff, v3  }
0x45: {  	v5 =	vor.u32 $0xF00, v35;
	[tilespmem:v10+s12+$0x0] =	vst.idx.msk $0xffff, v3  }
0x46: {  	v4 =	vor.u32 $0xF80, v35;
	[tilespmem:v9+s12+$0x0] =	vst.idx.msk $0xffff, v3  }
0x47: {  	[tilespmem:v8+s12+$0x0] =	vst.idx.msk $0xffff, v3  }
0x48: {  	[tilespmem:v7+s12+$0x0] =	vst.idx.msk $0xffff, v3  }
0x49: {  	[tilespmem:v6+s12+$0x0] =	vst.idx.msk $0xffff, v3  }
0x4a: {  	[tilespmem:v5+s12+$0x0] =	vst.idx.msk $0xffff, v3  }
0x4b: {  	s1 =	simm.s32 $0x8;
	[tilespmem:v4+s12+$0x0] =	vst.idx.msk $0xffff, v3  }
0x4c: {  	v36 =	vor.u32 $0x1, v35;
	[hbm4b:s5+s1] =	stream.strided.scatter [tilespmem:s12], [sflag:$0x5], $0x1000, s14, s1, $0x38;
	[tilespmem:$0x12E80] =	vst v63  }
0x4d: {  	[bflag:$0x0] =	sbarrier.arrive $0xFFFF  }
0x4e: {  	_ =	swait.ge [sflag:s15], $0x400  }
0x4f: {  	[sflag:s15] =	ssyncset.done $0x0  }
0x50: {  	[sflag:s15] =	ssyncadd.s32 $0xFFFFFC00  }
0x51: {  	v36 =	vld.idx.msk [tilespmem:v36+s16+$0x0], $0xffff;
	_ =	sdelay $0x4  }
0x52: {  	v36 =	vtrunc.f32 v36  }
0x53: {  	v36 =	vcvt.f32.s32 v36  }
0x54: {  	v37 =	vor.u32 $0x81, v35  }
0x55: {  	vm0 =	vgt.s32 v36, $0x0  }
0x56: {  	v36 =	vnsel vm0, $0x0, v36  }
0x57: {  	v36 =	vmin.u32 v36, $0xF  }
0x58: {  	[tilespmem:$0x1080] =	vst v36  }
0x59: {  	v36 =	vld.idx.msk [tilespmem:v37+s16+$0x0], $0xffff;
	_ =	sdelay $0x4  }
0x5a: {  	v36 =	vtrunc.f32 v36  }
0x5b: {  	v36 =	vcvt.f32.s32 v36  }
0x5c: {  	v37 =	vor.u32 $0x101, v35  }
0x5d: {  	vm9 =	vgt.s32 v36, $0x0  }
0x5e: {  	v36 =	vnsel vm9, $0x0, v36  }
0x5f: {  	v36 =	vmin.u32 v36, $0xF  }
0x60: {  	[tilespmem:$0x1090] =	vst v36  }
0x61: {  	v36 =	vld.idx.msk [tilespmem:v37+s16+$0x0], $0xffff;
	_ =	sdelay $0x4  }
0x62: {  	v36 =	vtrunc.f32 v36  }
0x63: {  	v36 =	vcvt.f32.s32 v36  }
0x64: {  	v37 =	vor.u32 $0x181, v35  }
0x65: {  	vm10 =	vgt.s32 v36, $0x0  }
0x66: {  	v36 =	vnsel vm10, $0x0, v36  }
0x67: {  	v36 =	vmin.u32 v36, $0xF  }
0x68: {  	[tilespmem:$0x10A0] =	vst v36  }
0x69: {  	v36 =	vld.idx.msk [tilespmem:v37+s16+$0x0], $0xffff;
	_ =	sdelay $0x4  }
0x6a: {  	v36 =	vtrunc.f32 v36  }
0x6b: {  	v36 =	vcvt.f32.s32 v36  }
0x6c: {  	v37 =	vor.u32 $0x201, v35  }
0x6d: {  	vm11 =	vgt.s32 v36, $0x0  }
0x6e: {  	v36 =	vnsel vm11, $0x0, v36  }
0x6f: {  	v36 =	vmin.u32 v36, $0xF  }
0x70: {  	[tilespmem:$0x10B0] =	vst v36  }
0x71: {  	v36 =	vld.idx.msk [tilespmem:v37+s16+$0x0], $0xffff;
	_ =	sdelay $0x4  }
0x72: {  	v36 =	vtrunc.f32 v36  }
0x73: {  	v36 =	vcvt.f32.s32 v36  }
0x74: {  	v37 =	vor.u32 $0x281, v35  }
0x75: {  	vm12 =	vgt.s32 v36, $0x0  }
0x76: {  	v36 =	vnsel vm12, $0x0, v36  }
0x77: {  	v36 =	vmin.u32 v36, $0xF  }
0x78: {  	[tilespmem:$0x10C0] =	vst v36  }
0x79: {  	v36 =	vld.idx.msk [tilespmem:v37+s16+$0x0], $0xffff;
	_ =	sdelay $0x4  }
0x7a: {  	v36 =	vtrunc.f32 v36  }
0x7b: {  	v36 =	vcvt.f32.s32 v36  }
0x7c: {  	v37 =	vor.u32 $0x301, v35  }
0x7d: {  	vm13 =	vgt.s32 v36, $0x0  }
0x7e: {  	v36 =	vnsel vm13, $0x0, v36  }
0x7f: {  	v36 =	vmin.u32 v36, $0xF  }
0x80: {  	[tilespmem:$0x10D0] =	vst v36  }
0x81: {  	v36 =	vld.idx.msk [tilespmem:v37+s16+$0x0], $0xffff;
	_ =	sdelay $0x4  }
0x82: {  	v36 =	vtrunc.f32 v36  }
0x83: {  	v36 =	vcvt.f32.s32 v36  }
0x84: {  	v37 =	vor.u32 $0x381, v35  }
0x85: {  	vm14 =	vgt.s32 v36, $0x0  }
0x86: {  	v36 =	vnsel vm14, $0x0, v36  }
0x87: {  	v36 =	vmin.u32 v36, $0xF  }
0x88: {  	[tilespmem:$0x10E0] =	vst v36  }
0x89: {  	v36 =	vld.idx.msk [tilespmem:v37+s16+$0x0], $0xffff;
	_ =	sdelay $0x4  }
0x8a: {  	v36 =	vtrunc.f32 v36  }
0x8b: {  	v36 =	vcvt.f32.s32 v36  }
0x8c: {  	v37 =	vor.u32 $0x401, v35  }
0x8d: {  	vm15 =	vgt.s32 v36, $0x0  }
0x8e: {  	v36 =	vnsel vm15, $0x0, v36  }
0x8f: {  	v36 =	vmin.u32 v36, $0xF  }
0x90: {  	[tilespmem:$0x10F0] =	vst v36  }
0x91: {  	v36 =	vld.idx.msk [tilespmem:v37+s16+$0x0], $0xffff;
	_ =	sdelay $0x4  }
0x92: {  	v36 =	vtrunc.f32 v36  }
0x93: {  	v36 =	vcvt.f32.s32 v36  }
0x94: {  	v37 =	vor.u32 $0x481, v35  }
0x95: {  	vm4 =	vgt.s32 v36, $0x0  }
0x96: {  	v36 =	vnsel vm4, $0x0, v36  }
0x97: {  	v36 =	vmin.u32 v36, $0xF  }
0x98: {  	[tilespmem:$0x1100] =	vst v36  }
0x99: {  	v36 =	vld.idx.msk [tilespmem:v37+s16+$0x0], $0xffff;
	_ =	sdelay $0x4  }
0x9a: {  	v36 =	vtrunc.f32 v36  }
0x9b: {  	v36 =	vcvt.f32.s32 v36  }
0x9c: {  	v37 =	vor.u32 $0x501, v35  }
0x9d: {  	vm5 =	vgt.s32 v36, $0x0  }
0x9e: {  	v36 =	vnsel vm5, $0x0, v36  }
0x9f: {  	v36 =	vmin.u32 v36, $0xF  }
0xa0: {  	[tilespmem:$0x1110] =	vst v36  }
0xa1: {  	v36 =	vld.idx.msk [tilespmem:v37+s16+$0x0], $0xffff;
	_ =	sdelay $0x4  }
0xa2: {  	v36 =	vtrunc.f32 v36  }
0xa3: {  	v36 =	vcvt.f32.s32 v36  }
0xa4: {  	v37 =	vor.u32 $0x581, v35  }
0xa5: {  	vm6 =	vgt.s32 v36, $0x0  }
0xa6: {  	v36 =	vnsel vm6, $0x0, v36  }
0xa7: {  	v36 =	vmin.u32 v36, $0xF  }
0xa8: {  	[tilespmem:$0x1120] =	vst v36  }
0xa9: {  	v36 =	vld.idx.msk [tilespmem:v37+s16+$0x0], $0xffff;
	_ =	sdelay $0x4  }
0xaa: {  	v36 =	vtrunc.f32 v36  }
0xab: {  	v36 =	vcvt.f32.s32 v36  }
0xac: {  	v37 =	vor.u32 $0x601, v35  }
0xad: {  	vm7 =	vgt.s32 v36, $0x0  }
0xae: {  	v36 =	vnsel vm7, $0x0, v36  }
0xaf: {  	v36 =	vmin.u32 v36, $0xF  }
0xb0: {  	[tilespmem:$0x1130] =	vst v36  }
0xb1: {  	v36 =	vld.idx.msk [tilespmem:v37+s16+$0x0], $0xffff;
	_ =	sdelay $0x4  }
0xb2: {  	v36 =	vtrunc.f32 v36  }
0xb3: {  	v36 =	vcvt.f32.s32 v36  }
0xb4: {  	v37 =	vor.u32 $0x681, v35  }
0xb5: {  	vm8 =	vgt.s32 v36, $0x0  }
0xb6: {  	v36 =	vnsel vm8, $0x0, v36  }
0xb7: {  	v36 =	vmin.u32 v36, $0xF  }
0xb8: {  	[tilespmem:$0x1140] =	vst v36  }
0xb9: {  	v36 =	vld.idx.msk [tilespmem:v37+s16+$0x0], $0xffff;
	_ =	sdelay $0x4  }
0xba: {  	v36 =	vtrunc.f32 v36  }
0xbb: {  	v36 =	vcvt.f32.s32 v36  }
0xbc: {  	v37 =	vor.u32 $0x701, v35  }
0xbd: {  	vm9 =	vgt.s32 v36, $0x0  }
0xbe: {  	v36 =	vnsel vm9, $0x0, v36  }
0xbf: {  	v36 =	vmin.u32 v36, $0xF  }
0xc0: {  	[tilespmem:$0x1150] =	vst v36  }
0xc1: {  	v36 =	vld.idx.msk [tilespmem:v37+s16+$0x0], $0xffff;
	_ =	sdelay $0x4  }
0xc2: {  	v36 =	vtrunc.f32 v36  }
0xc3: {  	v36 =	vcvt.f32.s32 v36  }
0xc4: {  	v37 =	vor.u32 $0x781, v35  }
0xc5: {  	vm10 =	vgt.s32 v36, $0x0  }
0xc6: {  	v36 =	vnsel vm10, $0x0, v36  }
0xc7: {  	v36 =	vmin.u32 v36, $0xF  }
0xc8: {  	[tilespmem:$0x1160] =	vst v36  }
0xc9: {  	v36 =	vld.idx.msk [tilespmem:v37+s16+$0x0], $0xffff;
	_ =	sdelay $0x4  }
0xca: {  	v36 =	vtrunc.f32 v36  }
0xcb: {  	v36 =	vcvt.f32.s32 v36  }
0xcc: {  	v37 =	vor.u32 $0x801, v35  }
0xcd: {  	vm11 =	vgt.s32 v36, $0x0  }
0xce: {  	v36 =	vnsel vm11, $0x0, v36  }
0xcf: {  	v36 =	vmin.u32 v36, $0xF  }
0xd0: {  	[tilespmem:$0x1170] =	vst v36  }
0xd1: {  	v36 =	vld.idx.msk [tilespmem:v37+s16+$0x0], $0xffff;
	_ =	sdelay $0x4  }
0xd2: {  	v36 =	vtrunc.f32 v36  }
0xd3: {  	v36 =	vcvt.f32.s32 v36  }
0xd4: {  	v37 =	vor.u32 $0x881, v35  }
0xd5: {  	vm12 =	vgt.s32 v36, $0x0  }
0xd6: {  	v36 =	vnsel vm12, $0x0, v36  }
0xd7: {  	v36 =	vmin.u32 v36, $0xF  }
0xd8: {  	[tilespmem:$0x1180] =	vst v36  }
0xd9: {  	v36 =	vld.idx.msk [tilespmem:v37+s16+$0x0], $0xffff;
	_ =	sdelay $0x4  }
0xda: {  	v36 =	vtrunc.f32 v36  }
0xdb: {  	v36 =	vcvt.f32.s32 v36  }
0xdc: {  	v37 =	vor.u32 $0x901, v35  }
0xdd: {  	vm13 =	vgt.s32 v36, $0x0  }
0xde: {  	v36 =	vnsel vm13, $0x0, v36  }
0xdf: {  	v36 =	vmin.u32 v36, $0xF  }
0xe0: {  	[tilespmem:$0x1190] =	vst v36  }
0xe1: {  	v36 =	vld.idx.msk [tilespmem:v37+s16+$0x0], $0xffff;
	_ =	sdelay $0x4  }
0xe2: {  	v36 =	vtrunc.f32 v36  }
0xe3: {  	v36 =	vcvt.f32.s32 v36  }
0xe4: {  	v37 =	vor.u32 $0x981, v35  }
0xe5: {  	vm14 =	vgt.s32 v36, $0x0  }
0xe6: {  	v36 =	vnsel vm14, $0x0, v36  }
0xe7: {  	v36 =	vmin.u32 v36, $0xF  }
0xe8: {  	[tilespmem:$0x11A0] =	vst v36  }
0xe9: {  	v36 =	vld.idx.msk [tilespmem:v37+s16+$0x0], $0xffff;
	_ =	sdelay $0x4  }
0xea: {  	v36 =	vtrunc.f32 v36  }
0xeb: {  	v36 =	vcvt.f32.s32 v36  }
0xec: {  	v37 =	vor.u32 $0xA01, v35  }
0xed: {  	vm15 =	vgt.s32 v36, $0x0  }
0xee: {  	v36 =	vnsel vm15, $0x0, v36  }
0xef: {  	v36 =	vmin.u32 v36, $0xF  }
0xf0: {  	[tilespmem:$0x11B0] =	vst v36  }
0xf1: {  	v36 =	vld.idx.msk [tilespmem:v37+s16+$0x0], $0xffff;
	_ =	sdelay $0x4  }
0xf2: {  	v36 =	vtrunc.f32 v36  }
0xf3: {  	v36 =	vcvt.f32.s32 v36  }
0xf4: {  	v37 =	vor.u32 $0xA81, v35  }
0xf5: {  	vm4 =	vgt.s32 v36, $0x0  }
0xf6: {  	v36 =	vnsel vm4, $0x0, v36  }
0xf7: {  	v36 =	vmin.u32 v36, $0xF  }
0xf8: {  	[tilespmem:$0x11C0] =	vst v36  }
0xf9: {  	v36 =	vld.idx.msk [tilespmem:v37+s16+$0x0], $0xffff;
	_ =	sdelay $0x4  }
0xfa: {  	v36 =	vtrunc.f32 v36  }
0xfb: {  	v36 =	vcvt.f32.s32 v36  }
0xfc: {  	v37 =	vor.u32 $0xB01, v35  }
0xfd: {  	vm5 =	vgt.s32 v36, $0x0  }
0xfe: {  	v36 =	vnsel vm5, $0x0, v36  }
0xff: {  	v36 =	vmin.u32 v36, $0xF  }
0x100: {  	[tilespmem:$0x11D0] =	vst v36  }
0x101: {  	v36 =	vld.idx.msk [tilespmem:v37+s16+$0x0], $0xffff;
	_ =	sdelay $0x4  }
0x102: {  	v36 =	vtrunc.f32 v36  }
0x103: {  	v36 =	vcvt.f32.s32 v36  }
0x104: {  	v37 =	vor.u32 $0xB81, v35  }
0x105: {  	vm6 =	vgt.s32 v36, $0x0  }
0x106: {  	v36 =	vnsel vm6, $0x0, v36  }
0x107: {  	v36 =	vmin.u32 v36, $0xF  }
0x108: {  	[tilespmem:$0x11E0] =	vst v36  }
0x109: {  	v36 =	vld.idx.msk [tilespmem:v37+s16+$0x0], $0xffff;
	_ =	sdelay $0x4  }
0x10a: {  	v36 =	vtrunc.f32 v36  }
0x10b: {  	v36 =	vcvt.f32.s32 v36  }
0x10c: {  	v37 =	vor.u32 $0xC01, v35  }
0x10d: {  	vm7 =	vgt.s32 v36, $0x0  }
0x10e: {  	v36 =	vnsel vm7, $0x0, v36  }
0x10f: {  	v36 =	vmin.u32 v36, $0xF  }
0x110: {  	[tilespmem:$0x11F0] =	vst v36  }
0x111: {  	v36 =	vld.idx.msk [tilespmem:v37+s16+$0x0], $0xffff;
	_ =	sdelay $0x4  }
0x112: {  	v36 =	vtrunc.f32 v36  }
0x113: {  	v36 =	vcvt.f32.s32 v36  }
0x114: {  	v37 =	vor.u32 $0xC81, v35  }
0x115: {  	vm8 =	vgt.s32 v36, $0x0  }
0x116: {  	v36 =	vnsel vm8, $0x0, v36  }
0x117: {  	v36 =	vmin.u32 v36, $0xF  }
0x118: {  	[tilespmem:$0x1200] =	vst v36  }
0x119: {  	v36 =	vld.idx.msk [tilespmem:v37+s16+$0x0], $0xffff;
	_ =	sdelay $0x4  }
0x11a: {  	v36 =	vtrunc.f32 v36  }
0x11b: {  	v36 =	vcvt.f32.s32 v36  }
0x11c: {  	v37 =	vor.u32 $0xD01, v35  }
0x11d: {  	vm9 =	vgt.s32 v36, $0x0  }
0x11e: {  	v36 =	vnsel vm9, $0x0, v36  }
0x11f: {  	v36 =	vmin.u32 v36, $0xF  }
0x120: {  	[tilespmem:$0x1210] =	vst v36  }
0x121: {  	v36 =	vld.idx.msk [tilespmem:v37+s16+$0x0], $0xffff;
	_ =	sdelay $0x4  }
0x122: {  	v36 =	vtrunc.f32 v36  }
0x123: {  	v36 =	vcvt.f32.s32 v36  }
0x124: {  	v37 =	vor.u32 $0xD81, v35  }
0x125: {  	vm10 =	vgt.s32 v36, $0x0  }
0x126: {  	v36 =	vnsel vm10, $0x0, v36  }
0x127: {  	v36 =	vmin.u32 v36, $0xF  }
0x128: {  	[tilespmem:$0x1220] =	vst v36  }
0x129: {  	v36 =	vld.idx.msk [tilespmem:v37+s16+$0x0], $0xffff;
	_ =	sdelay $0x4  }
0x12a: {  	v36 =	vtrunc.f32 v36  }
0x12b: {  	v36 =	vcvt.f32.s32 v36  }
0x12c: {  	v37 =	vor.u32 $0xE01, v35  }
0x12d: {  	vm11 =	vgt.s32 v36, $0x0  }
0x12e: {  	v36 =	vnsel vm11, $0x0, v36  }
0x12f: {  	v36 =	vmin.u32 v36, $0xF  }
0x130: {  	[tilespmem:$0x1230] =	vst v36  }
0x131: {  	v36 =	vld.idx.msk [tilespmem:v37+s16+$0x0], $0xffff;
	_ =	sdelay $0x4  }
0x132: {  	v36 =	vtrunc.f32 v36  }
0x133: {  	v36 =	vcvt.f32.s32 v36  }
0x134: {  	v37 =	vor.u32 $0xE81, v35  }
0x135: {  	vm12 =	vgt.s32 v36, $0x0  }
0x136: {  	v36 =	vnsel vm12, $0x0, v36  }
0x137: {  	v36 =	vmin.u32 v36, $0xF  }
0x138: {  	[tilespmem:$0x1240] =	vst v36  }
0x139: {  	v36 =	vld.idx.msk [tilespmem:v37+s16+$0x0], $0xffff;
	_ =	sdelay $0x4  }
0x13a: {  	v36 =	vtrunc.f32 v36  }
0x13b: {  	v36 =	vcvt.f32.s32 v36  }
0x13c: {  	v37 =	vor.u32 $0xF01, v35  }
0x13d: {  	vm13 =	vgt.s32 v36, $0x0  }
0x13e: {  	v36 =	vnsel vm13, $0x0, v36  }
0x13f: {  	v36 =	vmin.u32 v36, $0xF  }
0x140: {  	[tilespmem:$0x1250] =	vst v36  }
0x141: {  	v36 =	vld.idx.msk [tilespmem:v37+s16+$0x0], $0xffff;
	_ =	sdelay $0x4  }
0x142: {  	v36 =	vtrunc.f32 v36  }
0x143: {  	v36 =	vcvt.f32.s32 v36  }
0x144: {  	v37 =	vor.u32 $0xF81, v35  }
0x145: {  	vm14 =	vgt.s32 v36, $0x0  }
0x146: {  	v36 =	vnsel vm14, $0x0, v36  }
0x147: {  	v36 =	vmin.u32 v36, $0xF  }
0x148: {  	[tilespmem:$0x1260] =	vst v36  }
0x149: {  	v36 =	vld.idx.msk [tilespmem:v37+s16+$0x0], $0xffff;
	_ =	sdelay $0x4  }
0x14a: {  	v36 =	vtrunc.f32 v36  }
0x14b: {  	v36 =	vcvt.f32.s32 v36;
	_ =	sdelay $0x1  }
0x14c: {  	vm15 =	vgt.s32 v36, $0x0  }
0x14d: {  	v36 =	vnsel vm15, $0x0, v36  }
0x14e: {  	v36 =	vmin.u32 v36, $0xF  }
0x14f: {  	[tilespmem:$0x1270] =	vst v36  }
0x150: {  	[tilespmem:s18], [sflag:$0x2] =	stream.indirect.gather [spmem:s0], $0x80, s17, s16, $0xb8;
	[tilespmem:$0x12E80] =	vst v63  }
0x151: {  	_ = 	snop  }
0x152: {  	[tilespmem:s20], [sflag:$0x2] =	stream.indirect.gather [spmem:s0], $0x80, s19, s16, $0xb8;
	[tilespmem:$0x12E80] =	vst v63  }
0x153: {  	_ = 	snop  }
0x154: {  	[tilespmem:s22], [sflag:$0x3] =	stream.indirect.gather [spmem:s0], $0x80, s21, s16, $0xb8;
	[tilespmem:$0x12E80] =	vst v63  }
0x155: {  	_ = 	snop  }
0x156: {  	[tilespmem:s24], [sflag:$0x3] =	stream.indirect.gather [spmem:s0], $0x80, s23, s16, $0xb8;
	[tilespmem:$0x12E80] =	vst v63  }
0x157: {  	_ =	swait.ge [sflag:s25], $0x4000  }
0x158: {  	[sflag:s25] =	ssyncset.done $0x0  }
0x159: {  	[sflag:s25] =	ssyncadd.s32 $0xFFFFC000  }
0x15a: {  	_ =	swait.ge [sflag:s25], $0x4000  }
0x15b: {  	[sflag:s25] =	ssyncset.done $0x0  }
0x15c: {  	[sflag:s25] =	ssyncadd.s32 $0xFFFFC000  }
0x15d: {  	v35 =	vld.idx.msk [tilespmem:v35+s16+$0x0], $0xffff;
	_ =	sdelay $0x4  }
0x15e: {  	[tilespmem:v1+s18+$0x0] =	vst.idx.msk $0xffff, v35  }
0x15f: {  	v36 =	vor.u32 $0x800, v1;
	v34 =	vld.idx.msk [tilespmem:v34+s16+$0x0], $0xffff;
	_ =	sdelay $0x4  }
0x160: {  	[tilespmem:v36+s18+$0x0] =	vst.idx.msk $0xffff, v34  }
0x161: {  	v37 =	vor.u32 $0x1000, v1;
	v33 =	vld.idx.msk [tilespmem:v33+s16+$0x0], $0xffff;
	_ =	sdelay $0x4  }
0x162: {  	[tilespmem:v37+s18+$0x0] =	vst.idx.msk $0xffff, v33  }
0x163: {  	v36 =	vor.u32 $0x1800, v1;
	v32 =	vld.idx.msk [tilespmem:v32+s16+$0x0], $0xffff;
	_ =	sdelay $0x4  }
0x164: {  	[tilespmem:v36+s18+$0x0] =	vst.idx.msk $0xffff, v32  }
0x165: {  	v37 =	vor.u32 $0x2000, v1;
	v31 =	vld.idx.msk [tilespmem:v31+s16+$0x0], $0xffff;
	_ =	sdelay $0x4  }
0x166: {  	[tilespmem:v37+s18+$0x0] =	vst.idx.msk $0xffff, v31  }
0x167: {  	v34 =	vor.u32 $0x2800, v1;
	v30 =	vld.idx.msk [tilespmem:v30+s16+$0x0], $0xffff;
	_ =	sdelay $0x4  }
0x168: {  	[tilespmem:v34+s18+$0x0] =	vst.idx.msk $0xffff, v30  }
0x169: {  	v35 =	vor.u32 $0x3000, v1;
	v29 =	vld.idx.msk [tilespmem:v29+s16+$0x0], $0xffff;
	_ =	sdelay $0x4  }
0x16a: {  	[tilespmem:v35+s18+$0x0] =	vst.idx.msk $0xffff, v29  }
0x16b: {  	v36 =	vor.u32 $0x3800, v1;
	v28 =	vld.idx.msk [tilespmem:v28+s16+$0x0], $0xffff;
	_ =	sdelay $0x4  }
0x16c: {  	[tilespmem:v36+s18+$0x0] =	vst.idx.msk $0xffff, v28  }
0x16d: {  	v37 =	vor.u32 $0x4000, v1;
	v27 =	vld.idx.msk [tilespmem:v27+s16+$0x0], $0xffff;
	_ =	sdelay $0x4  }
0x16e: {  	[tilespmem:v37+s18+$0x0] =	vst.idx.msk $0xffff, v27  }
0x16f: {  	v30 =	vor.u32 $0x4800, v1;
	v26 =	vld.idx.msk [tilespmem:v26+s16+$0x0], $0xffff;
	_ =	sdelay $0x4  }
0x170: {  	[tilespmem:v30+s18+$0x0] =	vst.idx.msk $0xffff, v26  }
0x171: {  	v31 =	vor.u32 $0x5000, v1;
	v25 =	vld.idx.msk [tilespmem:v25+s16+$0x0], $0xffff;
	_ =	sdelay $0x4  }
0x172: {  	[tilespmem:v31+s18+$0x0] =	vst.idx.msk $0xffff, v25  }
0x173: {  	v32 =	vor.u32 $0x5800, v1;
	v24 =	vld.idx.msk [tilespmem:v24+s16+$0x0], $0xffff;
	_ =	sdelay $0x4  }
0x174: {  	[tilespmem:v32+s18+$0x0] =	vst.idx.msk $0xffff, v24  }
0x175: {  	v33 =	vor.u32 $0x6000, v1;
	v23 =	vld.idx.msk [tilespmem:v23+s16+$0x0], $0xffff;
	_ =	sdelay $0x4  }
0x176: {  	[tilespmem:v33+s18+$0x0] =	vst.idx.msk $0xffff, v23  }
0x177: {  	v34 =	vor.u32 $0x6800, v1;
	v22 =	vld.idx.msk [tilespmem:v22+s16+$0x0], $0xffff;
	_ =	sdelay $0x4  }
0x178: {  	[tilespmem:v34+s18+$0x0] =	vst.idx.msk $0xffff, v22  }
0x179: {  	v35 =	vor.u32 $0x7000, v1;
	v21 =	vld.idx.msk [tilespmem:v21+s16+$0x0], $0xffff;
	_ =	sdelay $0x4  }
0x17a: {  	[tilespmem:v35+s18+$0x0] =	vst.idx.msk $0xffff, v21  }
0x17b: {  	v36 =	vor.u32 $0x7800, v1;
	v20 =	vld.idx.msk [tilespmem:v20+s16+$0x0], $0xffff;
	_ =	sdelay $0x4  }
0x17c: {  	[tilespmem:v36+s18+$0x0] =	vst.idx.msk $0xffff, v20  }
0x17d: {  	[hbm4b:s6+s16] =	stream.strided.scatter [tilespmem:s18], [sflag:$0x4], $0x8000, s14, s16, $0x38;
	[tilespmem:$0x12E80] =	vst v63  }
0x17e: {  	_ =	swait.ge [sflag:s26], $0x4000  }
0x17f: {  	[sflag:s26] =	ssyncset.done $0x0  }
0x180: {  	[sflag:s26] =	ssyncadd.s32 $0xFFFFC000  }
0x181: {  	_ =	swait.ge [sflag:s26], $0x4000  }
0x182: {  	[sflag:s26] =	ssyncset.done $0x0  }
0x183: {  	[sflag:s26] =	ssyncadd.s32 $0xFFFFC000  }
0x184: {  	v37 =	vor.u32 $0x8000, v1;
	v19 =	vld.idx.msk [tilespmem:v19+s16+$0x0], $0xffff;
	_ =	sdelay $0x4  }
0x185: {  	[tilespmem:v37+s18+$0x0] =	vst.idx.msk $0xffff, v19  }
0x186: {  	v24 =	vor.u32 $0x8800, v1;
	v18 =	vld.idx.msk [tilespmem:v18+s16+$0x0], $0xffff;
	_ =	sdelay $0x4  }
0x187: {  	[tilespmem:v24+s18+$0x0] =	vst.idx.msk $0xffff, v18  }
0x188: {  	v25 =	vor.u32 $0x9000, v1;
	v17 =	vld.idx.msk [tilespmem:v17+s16+$0x0], $0xffff;
	_ =	sdelay $0x4  }
0x189: {  	[tilespmem:v25+s18+$0x0] =	vst.idx.msk $0xffff, v17  }
0x18a: {  	v26 =	vor.u32 $0x9800, v1;
	v16 =	vld.idx.msk [tilespmem:v16+s16+$0x0], $0xffff;
	_ =	sdelay $0x4  }
0x18b: {  	[tilespmem:v26+s18+$0x0] =	vst.idx.msk $0xffff, v16  }
0x18c: {  	v27 =	vor.u32 $0xA000, v1;
	v15 =	vld.idx.msk [tilespmem:v15+s16+$0x0], $0xffff;
	_ =	sdelay $0x4  }
0x18d: {  	[tilespmem:v27+s18+$0x0] =	vst.idx.msk $0xffff, v15  }
0x18e: {  	v28 =	vor.u32 $0xA800, v1;
	v14 =	vld.idx.msk [tilespmem:v14+s16+$0x0], $0xffff;
	_ =	sdelay $0x4  }
0x18f: {  	[tilespmem:v28+s18+$0x0] =	vst.idx.msk $0xffff, v14  }
0x190: {  	v29 =	vor.u32 $0xB000, v1;
	v13 =	vld.idx.msk [tilespmem:v13+s16+$0x0], $0xffff;
	_ =	sdelay $0x4  }
0x191: {  	[tilespmem:v29+s18+$0x0] =	vst.idx.msk $0xffff, v13  }
0x192: {  	v30 =	vor.u32 $0xB800, v1;
	v12 =	vld.idx.msk [tilespmem:v12+s16+$0x0], $0xffff;
	_ =	sdelay $0x4  }
0x193: {  	[tilespmem:v30+s18+$0x0] =	vst.idx.msk $0xffff, v12  }
0x194: {  	v31 =	vor.u32 $0xC000, v1;
	v11 =	vld.idx.msk [tilespmem:v11+s16+$0x0], $0xffff;
	_ =	sdelay $0x4  }
0x195: {  	[tilespmem:v31+s18+$0x0] =	vst.idx.msk $0xffff, v11  }
0x196: {  	v32 =	vor.u32 $0xC800, v1;
	v10 =	vld.idx.msk [tilespmem:v10+s16+$0x0], $0xffff;
	_ =	sdelay $0x4  }
0x197: {  	[tilespmem:v32+s18+$0x0] =	vst.idx.msk $0xffff, v10  }
0x198: {  	v33 =	vor.u32 $0xD000, v1;
	v9 =	vld.idx.msk [tilespmem:v9+s16+$0x0], $0xffff;
	_ =	sdelay $0x4  }
0x199: {  	[tilespmem:v33+s18+$0x0] =	vst.idx.msk $0xffff, v9  }
0x19a: {  	v34 =	vor.u32 $0xD800, v1;
	v8 =	vld.idx.msk [tilespmem:v8+s16+$0x0], $0xffff;
	_ =	sdelay $0x4  }
0x19b: {  	[tilespmem:v34+s18+$0x0] =	vst.idx.msk $0xffff, v8  }
0x19c: {  	v35 =	vor.u32 $0xE000, v1;
	v7 =	vld.idx.msk [tilespmem:v7+s16+$0x0], $0xffff;
	_ =	sdelay $0x4  }
0x19d: {  	[tilespmem:v35+s18+$0x0] =	vst.idx.msk $0xffff, v7  }
0x19e: {  	v36 =	vor.u32 $0xE800, v1;
	v6 =	vld.idx.msk [tilespmem:v6+s16+$0x0], $0xffff;
	_ =	sdelay $0x4  }
0x19f: {  	[tilespmem:v36+s18+$0x0] =	vst.idx.msk $0xffff, v6  }
0x1a0: {  	v37 =	vor.u32 $0xF000, v1;
	v5 =	vld.idx.msk [tilespmem:v5+s16+$0x0], $0xffff;
	_ =	sdelay $0x4  }
0x1a1: {  	[tilespmem:v37+s18+$0x0] =	vst.idx.msk $0xffff, v5  }
0x1a2: {  	v5 =	vor.u32 $0xF800, v1;
	v4 =	vld.idx.msk [tilespmem:v4+s16+$0x0], $0xffff;
	_ =	sdelay $0x4  }
0x1a3: {  	[tilespmem:v5+s18+$0x0] =	vst.idx.msk $0xffff, v4  }
0x1a4: {  	[hbm4b:s7+s16] =	stream.strided.scatter [tilespmem:s22], [sflag:$0x4], $0x8000, s14, s16, $0x38;
	[tilespmem:$0x12E80] =	vst v63  }
0x1a5: {  	_ =	swait.ge [sflag:s28], $0x8000  }
0x1a6: {  	[sflag:s28] =	ssyncset.done $0x0  }
0x1a7: {  	s30 =	sadd.s32 $0x1, s30;
	[sflag:s28] =	ssyncadd.s32 $0xFFFF8000  }
0x1a8: {  	p1 =	sne.s32 s30, s8;
	_ =	swait.ge [sflag:s28], $0x8000  }
.Ltmp1:
0x1a9: {  	[sflag:s28] =	ssyncset.done $0x0;
	(pc) =	sbr.rel @!p1 .LBB2_6-.Ltmp1, $4  }
0x1aa: {  	[sflag:s28] =	ssyncadd.s32 $0xFFFF8000  }
0x1ab: {  	_ =	swait.ge [sflag:s29], $0x1000  }
0x1ac: {  	[sflag:s29] =	ssyncset.done $0x0  }
0x1ad: {  	[sflag:s29] =	ssyncadd.s32 $0xFFFFF000  }
.LBB2_1:
0x1ae: {  	s31 =	simm.s32 $0x11  }
0x1af: {  	s13 =	sadd.s32 $0x0, s4;
	s1 =	simm.s32 $0x88;
	s3 =	simm.s32 $0x80  }
.LBB2_2:
0x1b0: {  	[tilespmem:s3], [sflag:$0x1] =	stream.linear.gather [hbm4b:s13+s2], $0x2, $0x38;
	[tilespmem:$0x12E80] =	vst v63  }
0x1b1: {  	s13 =	smov.u32 s31;
	s3 =	smov.u32 s1;
	p1 =	sne.s32 s31, $0x21EF  }
.Ltmp2:
0x1b2: {  	s31 =	sadd.s32 $0x11, s31;
	(pc) =	sbr.rel @p1 .LBB2_2-.Ltmp2, $2  }
0x1b3: {  	_ =	sdelay $0x2  }
0x1b4: {  	s1 =	sadd.s32 $0x8, s1;
	s13 =	sadd.s32 s13, s4  }
.Ltmp3:
0x1b5: {  	(pc) =	sbr.rel @p0 .LBB2_5-.Ltmp3, $2  }
0x1b6: {  	_ =	sdelay $0x2  }
0x1b7: {  	[tilespmem:s3], [sflag:$0x1] =	stream.linear.gather [hbm4b:s13+s2], $0x2, $0x38;
	[tilespmem:$0x12E80] =	vst v63  }
0x1b8: {  	s1 =	rddreg [dreg:$0x4]  }
0x1b9: {  	[tilespmem:s9], [sflag:$0x6] =	stream.linear.gather [hbm4b:s1+s2], $0x400, $0x38;
	[tilespmem:$0x12E80] =	vst v63  }
0x1ba: {  	_ =	swait.ge [sflag:s10], $0x400  }
0x1bb: {  	[sflag:s10] =	ssyncset.done $0x0;
	v5 =	vld [tilespmem:$0x1FDE0]  }
0x1bc: {  	[sflag:s10] =	ssyncadd.s32 $0xFFFFFC00  }
0x1bd: {  	[tilespmem:v1+s11+$0x0] =	vst.idx.msk $0xffff, v3  }
0x1be: {  	v4 =	vld.idx.msk [tilespmem:v2+s9+$0x0], $0xffff;
	_ =	sdelay $0x4  }
0x1bf: {  	[tilespmem:v5+s11+$0x0] =	vst.idx.msk $0xffff, v4;
	v4 =	vld [tilespmem:$0x1FDF0];
	_ =	sdelay $0x4  }
0x1c0: {  	v5 =	vld [tilespmem:$0x1FE00];
	_ =	sdelay $0x2  }
0x1c1: {  	v4 =	vld.idx.msk [tilespmem:v4+s9+$0x0], $0xffff;
	_ =	sdelay $0x4  }
0x1c2: {  	[tilespmem:v5+s11+$0x0] =	vst.idx.msk $0xffff, v4;
	v4 =	vld [tilespmem:$0x1FE10];
	_ =	sdelay $0x4  }
0x1c3: {  	v5 =	vld [tilespmem:$0x1FE20];
	_ =	sdelay $0x2  }
0x1c4: {  	v4 =	vld.idx.msk [tilespmem:v4+s9+$0x0], $0xffff;
	_ =	sdelay $0x4  }
0x1c5: {  	[tilespmem:v5+s11+$0x0] =	vst.idx.msk $0xffff, v4;
	v4 =	vld [tilespmem:$0x1FE30];
	_ =	sdelay $0x4  }
0x1c6: {  	v5 =	vld [tilespmem:$0x1FE40];
	_ =	sdelay $0x2  }
0x1c7: {  	v4 =	vld.idx.msk [tilespmem:v4+s9+$0x0], $0xffff;
	_ =	sdelay $0x4  }
0x1c8: {  	[tilespmem:v5+s11+$0x0] =	vst.idx.msk $0xffff, v4;
	v4 =	vld [tilespmem:$0x1FE50];
	_ =	sdelay $0x4  }
0x1c9: {  	v5 =	vld [tilespmem:$0x1FE60];
	_ =	sdelay $0x2  }
0x1ca: {  	v4 =	vld.idx.msk [tilespmem:v4+s9+$0x0], $0xffff;
	_ =	sdelay $0x4  }
0x1cb: {  	[tilespmem:v5+s11+$0x0] =	vst.idx.msk $0xffff, v4;
	v4 =	vld [tilespmem:$0x1FE70];
	_ =	sdelay $0x4  }
0x1cc: {  	v5 =	vld [tilespmem:$0x1FE80];
	_ =	sdelay $0x2  }
0x1cd: {  	v4 =	vld.idx.msk [tilespmem:v4+s9+$0x0], $0xffff;
	_ =	sdelay $0x4  }
0x1ce: {  	[tilespmem:v5+s11+$0x0] =	vst.idx.msk $0xffff, v4;
	v4 =	vld [tilespmem:$0x1FE90];
	_ =	sdelay $0x4  }
0x1cf: {  	v5 =	vld [tilespmem:$0x1FEA0];
	_ =	sdelay $0x2  }
0x1d0: {  	v4 =	vld.idx.msk [tilespmem:v4+s9+$0x0], $0xffff;
	_ =	sdelay $0x4  }
0x1d1: {  	[tilespmem:v5+s11+$0x0] =	vst.idx.msk $0xffff, v4;
	v4 =	vld [tilespmem:$0x1FEB0];
	_ =	sdelay $0x4  }
0x1d2: {  	v5 =	vld [tilespmem:$0x1FEC0];
	_ =	sdelay $0x2  }
0x1d3: {  	v4 =	vld.idx.msk [tilespmem:v4+s9+$0x0], $0xffff;
	_ =	sdelay $0x4  }
0x1d4: {  	[tilespmem:v5+s11+$0x0] =	vst.idx.msk $0xffff, v4;
	v4 =	vld [tilespmem:$0x1FED0];
	_ =	sdelay $0x4  }
0x1d5: {  	v5 =	vld [tilespmem:$0x1FEE0];
	_ =	sdelay $0x2  }
0x1d6: {  	v4 =	vld.idx.msk [tilespmem:v4+s9+$0x0], $0xffff;
	_ =	sdelay $0x4  }
0x1d7: {  	[tilespmem:v5+s11+$0x0] =	vst.idx.msk $0xffff, v4;
	v4 =	vld [tilespmem:$0x1FEF0];
	_ =	sdelay $0x4  }
0x1d8: {  	v5 =	vld [tilespmem:$0x1FF00];
	_ =	sdelay $0x2  }
0x1d9: {  	v4 =	vld.idx.msk [tilespmem:v4+s9+$0x0], $0xffff;
	_ =	sdelay $0x4  }
0x1da: {  	[tilespmem:v5+s11+$0x0] =	vst.idx.msk $0xffff, v4;
	v4 =	vld [tilespmem:$0x1FF10];
	_ =	sdelay $0x4  }
0x1db: {  	v5 =	vld [tilespmem:$0x1FF20];
	_ =	sdelay $0x2  }
0x1dc: {  	v4 =	vld.idx.msk [tilespmem:v4+s9+$0x0], $0xffff;
	_ =	sdelay $0x4  }
0x1dd: {  	[tilespmem:v5+s11+$0x0] =	vst.idx.msk $0xffff, v4;
	v4 =	vld [tilespmem:$0x1FF30];
	_ =	sdelay $0x4  }
0x1de: {  	v5 =	vld [tilespmem:$0x1FF40];
	_ =	sdelay $0x2  }
0x1df: {  	v4 =	vld.idx.msk [tilespmem:v4+s9+$0x0], $0xffff;
	_ =	sdelay $0x4  }
0x1e0: {  	[tilespmem:v5+s11+$0x0] =	vst.idx.msk $0xffff, v4;
	v4 =	vld [tilespmem:$0x1FF50];
	_ =	sdelay $0x4  }
0x1e1: {  	v5 =	vld [tilespmem:$0x1FF60];
	_ =	sdelay $0x2  }
0x1e2: {  	v4 =	vld.idx.msk [tilespmem:v4+s9+$0x0], $0xffff;
	_ =	sdelay $0x4  }
0x1e3: {  	[tilespmem:v5+s11+$0x0] =	vst.idx.msk $0xffff, v4;
	v4 =	vld [tilespmem:$0x1FF70];
	_ =	sdelay $0x4  }
0x1e4: {  	v5 =	vld [tilespmem:$0x1FF80];
	_ =	sdelay $0x2  }
0x1e5: {  	v4 =	vld.idx.msk [tilespmem:v4+s9+$0x0], $0xffff;
	_ =	sdelay $0x4  }
0x1e6: {  	[tilespmem:v5+s11+$0x0] =	vst.idx.msk $0xffff, v4;
	v4 =	vld [tilespmem:$0x1FF90];
	_ =	sdelay $0x4  }
0x1e7: {  	v5 =	vld [tilespmem:$0x1FFA0];
	_ =	sdelay $0x2  }
0x1e8: {  	v4 =	vld.idx.msk [tilespmem:v4+s9+$0x0], $0xffff;
	_ =	sdelay $0x4  }
0x1e9: {  	[tilespmem:v5+s11+$0x0] =	vst.idx.msk $0xffff, v4;
	v4 =	vld [tilespmem:$0x1FFB0];
	_ =	sdelay $0x4  }
0x1ea: {  	v5 =	vld [tilespmem:$0x1FFC0];
	_ =	sdelay $0x2  }
0x1eb: {  	v4 =	vld.idx.msk [tilespmem:v4+s9+$0x0], $0xffff;
	_ =	sdelay $0x4  }
0x1ec: {  	[tilespmem:v5+s11+$0x0] =	vst.idx.msk $0xffff, v4;
	v4 =	vld [tilespmem:$0x1FFD0];
	_ =	sdelay $0x4  }
0x1ed: {  	v5 =	vld [tilespmem:$0x1FFE0];
	_ =	sdelay $0x2  }
0x1ee: {  	v4 =	vld.idx.msk [tilespmem:v4+s9+$0x0], $0xffff;
	_ =	sdelay $0x4  }
0x1ef: {  	[tilespmem:v5+s11+$0x0] =	vst.idx.msk $0xffff, v4;
	v4 =	vld [tilespmem:$0x1FFF0];
	_ =	sdelay $0x7  }
0x1f0: {  	v4 =	vld.idx.msk [tilespmem:v4+s9+$0x0], $0xffff;
	_ =	sdelay $0x4  }
0x1f1: {  	[tilespmem:v38+s11+$0x0] =	vst.idx.msk $0xffff, v4  }
0x1f2: {  	v4 =	vld.idx.msk [tilespmem:v39+s9+$0x0], $0xffff;
	_ =	sdelay $0x4  }
0x1f3: {  	[tilespmem:v40+s11+$0x0] =	vst.idx.msk $0xffff, v4  }
0x1f4: {  	v4 =	vld.idx.msk [tilespmem:v41+s9+$0x0], $0xffff;
	_ =	sdelay $0x4  }
0x1f5: {  	[tilespmem:v42+s11+$0x0] =	vst.idx.msk $0xffff, v4  }
0x1f6: {  	v4 =	vld.idx.msk [tilespmem:v43+s9+$0x0], $0xffff;
	_ =	sdelay $0x4  }
0x1f7: {  	[tilespmem:v44+s11+$0x0] =	vst.idx.msk $0xffff, v4  }
0x1f8: {  	v4 =	vld.idx.msk [tilespmem:v45+s9+$0x0], $0xffff;
	_ =	sdelay $0x4  }
0x1f9: {  	[tilespmem:v46+s11+$0x0] =	vst.idx.msk $0xffff, v4  }
0x1fa: {  	v4 =	vld.idx.msk [tilespmem:v47+s9+$0x0], $0xffff;
	_ =	sdelay $0x4  }
0x1fb: {  	[tilespmem:v48+s11+$0x0] =	vst.idx.msk $0xffff, v4  }
0x1fc: {  	v4 =	vld.idx.msk [tilespmem:v49+s9+$0x0], $0xffff;
	_ =	sdelay $0x4  }
0x1fd: {  	[tilespmem:v50+s11+$0x0] =	vst.idx.msk $0xffff, v4  }
0x1fe: {  	v4 =	vld.idx.msk [tilespmem:v51+s9+$0x0], $0xffff;
	_ =	sdelay $0x4  }
0x1ff: {  	[tilespmem:v52+s11+$0x0] =	vst.idx.msk $0xffff, v4  }
0x200: {  	v4 =	vld.idx.msk [tilespmem:v53+s9+$0x0], $0xffff;
	_ =	sdelay $0x4  }
0x201: {  	[tilespmem:v54+s11+$0x0] =	vst.idx.msk $0xffff, v4  }
0x202: {  	v4 =	vld.idx.msk [tilespmem:v55+s9+$0x0], $0xffff;
	_ =	sdelay $0x4  }
0x203: {  	[tilespmem:v56+s11+$0x0] =	vst.idx.msk $0xffff, v4  }
0x204: {  	v4 =	vld.idx.msk [tilespmem:v57+s9+$0x0], $0xffff;
	_ =	sdelay $0x4  }
0x205: {  	[tilespmem:v58+s11+$0x0] =	vst.idx.msk $0xffff, v4  }
0x206: {  	v4 =	vld.idx.msk [tilespmem:v59+s9+$0x0], $0xffff;
	_ =	sdelay $0x4  }
0x207: {  	[tilespmem:v60+s11+$0x0] =	vst.idx.msk $0xffff, v4  }
0x208: {  	v4 =	vld.idx.msk [tilespmem:v61+s9+$0x0], $0xffff;
	_ =	sdelay $0x4  }
0x209: {  	[tilespmem:v62+s11+$0x0] =	vst.idx.msk $0xffff, v4  }
0x20a: {  	v5 =	vor.u32 $0x1F, v1;
	v4 =	vld.idx.msk [tilespmem:v63+s9+$0x0], $0xffff  }
0x20b: {  	v6 =	vor.u32 $0x1F, v2;
	_ =	sdelay $0x3  }
0x20c: {  	[tilespmem:v5+s11+$0x0] =	vst.idx.msk $0xffff, v4  }
0x20d: {  	v5 =	vor.u32 $0x20, v1;
	v4 =	vld.idx.msk [tilespmem:v6+s9+$0x0], $0xffff  }
0x20e: {  	v25 =	vor.u32 $0x20, v2;
	_ =	sdelay $0x3  }
0x20f: {  	[tilespmem:v5+s11+$0x0] =	vst.idx.msk $0xffff, v4  }
0x210: {  	v5 =	vor.u32 $0x21, v1;
	v4 =	vld.idx.msk [tilespmem:v25+s9+$0x0], $0xffff  }
0x211: {  	v26 =	vor.u32 $0x21, v2;
	_ =	sdelay $0x3  }
0x212: {  	[tilespmem:v5+s11+$0x0] =	vst.idx.msk $0xffff, v4  }
0x213: {  	v5 =	vor.u32 $0x22, v1;
	v4 =	vld.idx.msk [tilespmem:v26+s9+$0x0], $0xffff  }
0x214: {  	v27 =	vor.u32 $0x22, v2;
	_ =	sdelay $0x3  }
0x215: {  	[tilespmem:v5+s11+$0x0] =	vst.idx.msk $0xffff, v4  }
0x216: {  	v5 =	vor.u32 $0x23, v1;
	v4 =	vld.idx.msk [tilespmem:v27+s9+$0x0], $0xffff  }
0x217: {  	v28 =	vor.u32 $0x23, v2;
	_ =	sdelay $0x3  }
0x218: {  	[tilespmem:v5+s11+$0x0] =	vst.idx.msk $0xffff, v4  }
0x219: {  	v5 =	vor.u32 $0x24, v1;
	v4 =	vld.idx.msk [tilespmem:v28+s9+$0x0], $0xffff  }
0x21a: {  	v29 =	vor.u32 $0x24, v2;
	_ =	sdelay $0x3  }
0x21b: {  	[tilespmem:v5+s11+$0x0] =	vst.idx.msk $0xffff, v4  }
0x21c: {  	v5 =	vor.u32 $0x25, v1;
	v4 =	vld.idx.msk [tilespmem:v29+s9+$0x0], $0xffff  }
0x21d: {  	v30 =	vor.u32 $0x25, v2;
	_ =	sdelay $0x3  }
0x21e: {  	[tilespmem:v5+s11+$0x0] =	vst.idx.msk $0xffff, v4  }
0x21f: {  	v5 =	vor.u32 $0x26, v1;
	v4 =	vld.idx.msk [tilespmem:v30+s9+$0x0], $0xffff  }
0x220: {  	v31 =	vor.u32 $0x26, v2;
	_ =	sdelay $0x3  }
0x221: {  	[tilespmem:v5+s11+$0x0] =	vst.idx.msk $0xffff, v4  }
0x222: {  	v5 =	vor.u32 $0x27, v1;
	v4 =	vld.idx.msk [tilespmem:v31+s9+$0x0], $0xffff  }
0x223: {  	v32 =	vor.u32 $0x27, v2;
	_ =	sdelay $0x3  }
0x224: {  	[tilespmem:v5+s11+$0x0] =	vst.idx.msk $0xffff, v4  }
0x225: {  	v5 =	vor.u32 $0x28, v1;
	v4 =	vld.idx.msk [tilespmem:v32+s9+$0x0], $0xffff  }
0x226: {  	v33 =	vor.u32 $0x28, v2;
	_ =	sdelay $0x3  }
0x227: {  	[tilespmem:v5+s11+$0x0] =	vst.idx.msk $0xffff, v4  }
0x228: {  	v5 =	vor.u32 $0x29, v1;
	v4 =	vld.idx.msk [tilespmem:v33+s9+$0x0], $0xffff  }
0x229: {  	v34 =	vor.u32 $0x29, v2;
	_ =	sdelay $0x3  }
0x22a: {  	[tilespmem:v5+s11+$0x0] =	vst.idx.msk $0xffff, v4  }
0x22b: {  	v5 =	vor.u32 $0x2A, v1;
	v4 =	vld.idx.msk [tilespmem:v34+s9+$0x0], $0xffff  }
0x22c: {  	v35 =	vor.u32 $0x2A, v2;
	_ =	sdelay $0x3  }
0x22d: {  	[tilespmem:v5+s11+$0x0] =	vst.idx.msk $0xffff, v4  }
0x22e: {  	v5 =	vor.u32 $0x2B, v1;
	v4 =	vld.idx.msk [tilespmem:v35+s9+$0x0], $0xffff  }
0x22f: {  	v36 =	vor.u32 $0x2B, v2;
	_ =	sdelay $0x3  }
0x230: {  	[tilespmem:v5+s11+$0x0] =	vst.idx.msk $0xffff, v4  }
0x231: {  	v5 =	vor.u32 $0x2C, v1;
	v4 =	vld.idx.msk [tilespmem:v36+s9+$0x0], $0xffff  }
0x232: {  	v37 =	vor.u32 $0x2C, v2;
	_ =	sdelay $0x3  }
0x233: {  	[tilespmem:v5+s11+$0x0] =	vst.idx.msk $0xffff, v4  }
0x234: {  	v5 =	vor.u32 $0x2D, v1;
	v4 =	vld.idx.msk [tilespmem:v37+s9+$0x0], $0xffff  }
0x235: {  	v9 =	vor.u32 $0x2D, v2;
	_ =	sdelay $0x3  }
0x236: {  	[tilespmem:v5+s11+$0x0] =	vst.idx.msk $0xffff, v4  }
0x237: {  	v5 =	vor.u32 $0x2E, v1;
	v4 =	vld.idx.msk [tilespmem:v9+s9+$0x0], $0xffff  }
0x238: {  	v10 =	vor.u32 $0x2E, v2;
	_ =	sdelay $0x3  }
0x239: {  	[tilespmem:v5+s11+$0x0] =	vst.idx.msk $0xffff, v4  }
0x23a: {  	v5 =	vor.u32 $0x2F, v1;
	v4 =	vld.idx.msk [tilespmem:v10+s9+$0x0], $0xffff  }
0x23b: {  	v11 =	vor.u32 $0x2F, v2;
	_ =	sdelay $0x3  }
0x23c: {  	[tilespmem:v5+s11+$0x0] =	vst.idx.msk $0xffff, v4  }
0x23d: {  	v5 =	vor.u32 $0x30, v1;
	v4 =	vld.idx.msk [tilespmem:v11+s9+$0x0], $0xffff  }
0x23e: {  	v12 =	vor.u32 $0x30, v2;
	_ =	sdelay $0x3  }
0x23f: {  	[tilespmem:v5+s11+$0x0] =	vst.idx.msk $0xffff, v4  }
0x240: {  	v5 =	vor.u32 $0x31, v1;
	v4 =	vld.idx.msk [tilespmem:v12+s9+$0x0], $0xffff  }
0x241: {  	v13 =	vor.u32 $0x31, v2;
	_ =	sdelay $0x3  }
0x242: {  	[tilespmem:v5+s11+$0x0] =	vst.idx.msk $0xffff, v4  }
0x243: {  	v5 =	vor.u32 $0x32, v1;
	v4 =	vld.idx.msk [tilespmem:v13+s9+$0x0], $0xffff  }
0x244: {  	v14 =	vor.u32 $0x32, v2;
	_ =	sdelay $0x3  }
0x245: {  	[tilespmem:v5+s11+$0x0] =	vst.idx.msk $0xffff, v4  }
0x246: {  	v5 =	vor.u32 $0x33, v1;
	v4 =	vld.idx.msk [tilespmem:v14+s9+$0x0], $0xffff  }
0x247: {  	v15 =	vor.u32 $0x33, v2;
	_ =	sdelay $0x3  }
0x248: {  	[tilespmem:v5+s11+$0x0] =	vst.idx.msk $0xffff, v4  }
0x249: {  	v5 =	vor.u32 $0x34, v1;
	v4 =	vld.idx.msk [tilespmem:v15+s9+$0x0], $0xffff  }
0x24a: {  	v16 =	vor.u32 $0x34, v2;
	_ =	sdelay $0x3  }
0x24b: {  	[tilespmem:v5+s11+$0x0] =	vst.idx.msk $0xffff, v4  }
0x24c: {  	v5 =	vor.u32 $0x35, v1;
	v4 =	vld.idx.msk [tilespmem:v16+s9+$0x0], $0xffff  }
0x24d: {  	v17 =	vor.u32 $0x35, v2;
	_ =	sdelay $0x3  }
0x24e: {  	[tilespmem:v5+s11+$0x0] =	vst.idx.msk $0xffff, v4  }
0x24f: {  	v5 =	vor.u32 $0x36, v1;
	v4 =	vld.idx.msk [tilespmem:v17+s9+$0x0], $0xffff  }
0x250: {  	v18 =	vor.u32 $0x36, v2;
	_ =	sdelay $0x3  }
0x251: {  	[tilespmem:v5+s11+$0x0] =	vst.idx.msk $0xffff, v4  }
0x252: {  	v5 =	vor.u32 $0x37, v1;
	v4 =	vld.idx.msk [tilespmem:v18+s9+$0x0], $0xffff  }
0x253: {  	v19 =	vor.u32 $0x37, v2;
	_ =	sdelay $0x3  }
0x254: {  	[tilespmem:v5+s11+$0x0] =	vst.idx.msk $0xffff, v4  }
0x255: {  	v5 =	vor.u32 $0x38, v1;
	v4 =	vld.idx.msk [tilespmem:v19+s9+$0x0], $0xffff  }
0x256: {  	v20 =	vor.u32 $0x38, v2;
	_ =	sdelay $0x3  }
0x257: {  	[tilespmem:v5+s11+$0x0] =	vst.idx.msk $0xffff, v4  }
0x258: {  	v5 =	vor.u32 $0x39, v1;
	v4 =	vld.idx.msk [tilespmem:v20+s9+$0x0], $0xffff  }
0x259: {  	v21 =	vor.u32 $0x39, v2;
	_ =	sdelay $0x3  }
0x25a: {  	[tilespmem:v5+s11+$0x0] =	vst.idx.msk $0xffff, v4  }
0x25b: {  	v5 =	vor.u32 $0x3A, v1;
	v4 =	vld.idx.msk [tilespmem:v21+s9+$0x0], $0xffff  }
0x25c: {  	v22 =	vor.u32 $0x3A, v2;
	_ =	sdelay $0x3  }
0x25d: {  	[tilespmem:v5+s11+$0x0] =	vst.idx.msk $0xffff, v4  }
0x25e: {  	v5 =	vor.u32 $0x3B, v1;
	v4 =	vld.idx.msk [tilespmem:v22+s9+$0x0], $0xffff  }
0x25f: {  	v23 =	vor.u32 $0x3B, v2;
	_ =	sdelay $0x3  }
0x260: {  	[tilespmem:v5+s11+$0x0] =	vst.idx.msk $0xffff, v4  }
0x261: {  	v5 =	vor.u32 $0x3C, v1;
	v4 =	vld.idx.msk [tilespmem:v23+s9+$0x0], $0xffff  }
0x262: {  	v24 =	vor.u32 $0x3C, v2;
	_ =	sdelay $0x3  }
0x263: {  	[tilespmem:v5+s11+$0x0] =	vst.idx.msk $0xffff, v4  }
0x264: {  	v5 =	vor.u32 $0x3D, v1;
	v4 =	vld.idx.msk [tilespmem:v24+s9+$0x0], $0xffff  }
0x265: {  	v25 =	vor.u32 $0x3D, v2;
	_ =	sdelay $0x3  }
0x266: {  	[tilespmem:v5+s11+$0x0] =	vst.idx.msk $0xffff, v4  }
0x267: {  	v5 =	vor.u32 $0x3E, v1;
	v4 =	vld.idx.msk [tilespmem:v25+s9+$0x0], $0xffff  }
0x268: {  	v26 =	vor.u32 $0x3E, v2;
	_ =	sdelay $0x3  }
0x269: {  	[tilespmem:v5+s11+$0x0] =	vst.idx.msk $0xffff, v4  }
0x26a: {  	v5 =	vor.u32 $0x3F, v1;
	v4 =	vld.idx.msk [tilespmem:v26+s9+$0x0], $0xffff  }
0x26b: {  	v27 =	vor.u32 $0x3F, v2;
	_ =	sdelay $0x3  }
0x26c: {  	[tilespmem:v5+s11+$0x0] =	vst.idx.msk $0xffff, v4  }
0x26d: {  	v5 =	vor.u32 $0x40, v1;
	v4 =	vld.idx.msk [tilespmem:v27+s9+$0x0], $0xffff  }
0x26e: {  	v28 =	vor.u32 $0x41, v1  }
0x26f: {  	v7 =	vor.u32 $0x42, v1  }
0x270: {  	v8 =	vor.u32 $0x43, v1  }
0x271: {  	v9 =	vor.u32 $0x44, v1  }
0x272: {  	[tilespmem:v5+s11+$0x0] =	vst.idx.msk $0xffff, v4;
	v4 =	vor.u32 $0x45, v1  }
0x273: {  	v5 =	vor.u32 $0x46, v1;
	[tilespmem:v28+s11+$0x0] =	vst.idx.msk $0xffff, v3  }
0x274: {  	v29 =	vor.u32 $0x47, v1;
	[tilespmem:v7+s11+$0x0] =	vst.idx.msk $0xffff, v3  }
0x275: {  	v30 =	vor.u32 $0x48, v1;
	[tilespmem:v8+s11+$0x0] =	vst.idx.msk $0xffff, v3  }
0x276: {  	v31 =	vor.u32 $0x49, v1;
	[tilespmem:v9+s11+$0x0] =	vst.idx.msk $0xffff, v3  }
0x277: {  	[tilespmem:v4+s11+$0x0] =	vst.idx.msk $0xffff, v3;
	v4 =	vor.u32 $0x4A, v1  }
0x278: {  	[tilespmem:v5+s11+$0x0] =	vst.idx.msk $0xffff, v3;
	v5 =	vor.u32 $0x4B, v1  }
0x279: {  	v32 =	vor.u32 $0x4C, v1;
	[tilespmem:v29+s11+$0x0] =	vst.idx.msk $0xffff, v3  }
0x27a: {  	v33 =	vor.u32 $0x4D, v1;
	[tilespmem:v30+s11+$0x0] =	vst.idx.msk $0xffff, v3  }
0x27b: {  	v34 =	vor.u32 $0x4E, v1;
	[tilespmem:v31+s11+$0x0] =	vst.idx.msk $0xffff, v3  }
0x27c: {  	[tilespmem:v4+s11+$0x0] =	vst.idx.msk $0xffff, v3;
	v4 =	vor.u32 $0x4F, v1  }
0x27d: {  	[tilespmem:v5+s11+$0x0] =	vst.idx.msk $0xffff, v3;
	v5 =	vor.u32 $0x50, v1  }
0x27e: {  	v35 =	vor.u32 $0x51, v1;
	[tilespmem:v32+s11+$0x0] =	vst.idx.msk $0xffff, v3  }
0x27f: {  	v36 =	vor.u32 $0x52, v1;
	[tilespmem:v33+s11+$0x0] =	vst.idx.msk $0xffff, v3  }
0x280: {  	v37 =	vor.u32 $0x53, v1;
	[tilespmem:v34+s11+$0x0] =	vst.idx.msk $0xffff, v3  }
0x281: {  	[tilespmem:v4+s11+$0x0] =	vst.idx.msk $0xffff, v3;
	v4 =	vor.u32 $0x54, v1  }
0x282: {  	[tilespmem:v5+s11+$0x0] =	vst.idx.msk $0xffff, v3;
	v5 =	vor.u32 $0x55, v1  }
0x283: {  	v12 =	vor.u32 $0x56, v1;
	[tilespmem:v35+s11+$0x0] =	vst.idx.msk $0xffff, v3  }
0x284: {  	v13 =	vor.u32 $0x57, v1;
	[tilespmem:v36+s11+$0x0] =	vst.idx.msk $0xffff, v3  }
0x285: {  	v14 =	vor.u32 $0x58, v1;
	[tilespmem:v37+s11+$0x0] =	vst.idx.msk $0xffff, v3  }
0x286: {  	[tilespmem:v4+s11+$0x0] =	vst.idx.msk $0xffff, v3;
	v4 =	vor.u32 $0x59, v1  }
0x287: {  	[tilespmem:v5+s11+$0x0] =	vst.idx.msk $0xffff, v3;
	v5 =	vor.u32 $0x5A, v1  }
0x288: {  	v15 =	vor.u32 $0x5B, v1;
	[tilespmem:v12+s11+$0x0] =	vst.idx.msk $0xffff, v3  }
0x289: {  	v16 =	vor.u32 $0x5C, v1;
	[tilespmem:v13+s11+$0x0] =	vst.idx.msk $0xffff, v3  }
0x28a: {  	v17 =	vor.u32 $0x5D, v1;
	[tilespmem:v14+s11+$0x0] =	vst.idx.msk $0xffff, v3  }
0x28b: {  	[tilespmem:v4+s11+$0x0] =	vst.idx.msk $0xffff, v3;
	v4 =	vor.u32 $0x5E, v1  }
0x28c: {  	[tilespmem:v5+s11+$0x0] =	vst.idx.msk $0xffff, v3;
	v5 =	vor.u32 $0x5F, v1  }
0x28d: {  	v18 =	vor.u32 $0x60, v1;
	[tilespmem:v15+s11+$0x0] =	vst.idx.msk $0xffff, v3  }
0x28e: {  	v19 =	vor.u32 $0x61, v1;
	[tilespmem:v16+s11+$0x0] =	vst.idx.msk $0xffff, v3  }
0x28f: {  	v20 =	vor.u32 $0x62, v1;
	[tilespmem:v17+s11+$0x0] =	vst.idx.msk $0xffff, v3  }
0x290: {  	[tilespmem:v4+s11+$0x0] =	vst.idx.msk $0xffff, v3;
	v4 =	vor.u32 $0x63, v1  }
0x291: {  	[tilespmem:v5+s11+$0x0] =	vst.idx.msk $0xffff, v3;
	v5 =	vor.u32 $0x64, v1  }
0x292: {  	v21 =	vor.u32 $0x65, v1;
	[tilespmem:v18+s11+$0x0] =	vst.idx.msk $0xffff, v3  }
0x293: {  	v22 =	vor.u32 $0x66, v1;
	[tilespmem:v19+s11+$0x0] =	vst.idx.msk $0xffff, v3  }
0x294: {  	v23 =	vor.u32 $0x67, v1;
	[tilespmem:v20+s11+$0x0] =	vst.idx.msk $0xffff, v3  }
0x295: {  	[tilespmem:v4+s11+$0x0] =	vst.idx.msk $0xffff, v3;
	v4 =	vor.u32 $0x68, v1  }
0x296: {  	[tilespmem:v5+s11+$0x0] =	vst.idx.msk $0xffff, v3;
	v5 =	vor.u32 $0x69, v1  }
0x297: {  	v24 =	vor.u32 $0x6A, v1;
	[tilespmem:v21+s11+$0x0] =	vst.idx.msk $0xffff, v3  }
0x298: {  	v25 =	vor.u32 $0x6B, v1;
	[tilespmem:v22+s11+$0x0] =	vst.idx.msk $0xffff, v3  }
0x299: {  	v26 =	vor.u32 $0x6C, v1;
	[tilespmem:v23+s11+$0x0] =	vst.idx.msk $0xffff, v3  }
0x29a: {  	[tilespmem:v4+s11+$0x0] =	vst.idx.msk $0xffff, v3;
	v4 =	vor.u32 $0x6D, v1  }
0x29b: {  	[tilespmem:v5+s11+$0x0] =	vst.idx.msk $0xffff, v3;
	v5 =	vor.u32 $0x6E, v1  }
0x29c: {  	v27 =	vor.u32 $0x6F, v1;
	[tilespmem:v24+s11+$0x0] =	vst.idx.msk $0xffff, v3  }
0x29d: {  	v28 =	vor.u32 $0x70, v1;
	[tilespmem:v25+s11+$0x0] =	vst.idx.msk $0xffff, v3  }
0x29e: {  	v29 =	vor.u32 $0x71, v1;
	[tilespmem:v26+s11+$0x0] =	vst.idx.msk $0xffff, v3  }
0x29f: {  	[tilespmem:v4+s11+$0x0] =	vst.idx.msk $0xffff, v3;
	v4 =	vor.u32 $0x72, v1  }
0x2a0: {  	[tilespmem:v5+s11+$0x0] =	vst.idx.msk $0xffff, v3;
	v5 =	vor.u32 $0x73, v1  }
0x2a1: {  	v30 =	vor.u32 $0x74, v1;
	[tilespmem:v27+s11+$0x0] =	vst.idx.msk $0xffff, v3  }
0x2a2: {  	v31 =	vor.u32 $0x75, v1;
	[tilespmem:v28+s11+$0x0] =	vst.idx.msk $0xffff, v3  }
0x2a3: {  	v32 =	vor.u32 $0x76, v1;
	[tilespmem:v29+s11+$0x0] =	vst.idx.msk $0xffff, v3  }
0x2a4: {  	[tilespmem:v4+s11+$0x0] =	vst.idx.msk $0xffff, v3;
	v4 =	vor.u32 $0x77, v1  }
0x2a5: {  	[tilespmem:v5+s11+$0x0] =	vst.idx.msk $0xffff, v3;
	v5 =	vor.u32 $0x78, v1  }
0x2a6: {  	v33 =	vor.u32 $0x79, v1;
	[tilespmem:v30+s11+$0x0] =	vst.idx.msk $0xffff, v3  }
0x2a7: {  	v34 =	vor.u32 $0x7A, v1;
	[tilespmem:v31+s11+$0x0] =	vst.idx.msk $0xffff, v3  }
0x2a8: {  	v35 =	vor.u32 $0x7B, v1;
	[tilespmem:v32+s11+$0x0] =	vst.idx.msk $0xffff, v3  }
0x2a9: {  	[tilespmem:v4+s11+$0x0] =	vst.idx.msk $0xffff, v3;
	v4 =	vor.u32 $0x7C, v1  }
0x2aa: {  	[tilespmem:v5+s11+$0x0] =	vst.idx.msk $0xffff, v3;
	v5 =	vor.u32 $0x7D, v1  }
0x2ab: {  	v36 =	vor.u32 $0x7E, v1;
	[tilespmem:v33+s11+$0x0] =	vst.idx.msk $0xffff, v3  }
0x2ac: {  	v37 =	vor.u32 $0x7F, v1;
	[tilespmem:v34+s11+$0x0] =	vst.idx.msk $0xffff, v3  }
0x2ad: {  	[tilespmem:v35+s11+$0x0] =	vst.idx.msk $0xffff, v3  }
0x2ae: {  	[tilespmem:v4+s11+$0x0] =	vst.idx.msk $0xffff, v3  }
0x2af: {  	[tilespmem:v5+s11+$0x0] =	vst.idx.msk $0xffff, v3  }
0x2b0: {  	[tilespmem:v36+s11+$0x0] =	vst.idx.msk $0xffff, v3  }
.Ltmp4:
0x2b1: {  	[tilespmem:v37+s11+$0x0] =	vst.idx.msk $0xffff, v3;
	(pc) =	sbr.rel .LBB2_5-.Ltmp4, $4  }
0x2b2: {  	[spmem:s0] =	stream.linear.scatter [tilespmem:s11], [sflag:$0x6], $0x800, $0x38;
	[tilespmem:$0x12E80] =	vst v63  }
0x2b3: {  	_ =	swait.ge [sflag:s10], $0x800  }
0x2b4: {  	[sflag:s10] =	ssyncset.done $0x0  }
0x2b5: {  	[sflag:s10] =	ssyncadd.s32 $0xFFFFF800  }
.LBB2_6:
0x2b6: {  	_ =	sfence.sel $0x180000  }
0x2b7: {  	[bflag:$0x0] =	sbarrier.arrive $0xFFFF  }
0x2b8: {  	_ =	strace $0x90000047  }
0x2b9: {  	[bflag:$0x2] =	sbarrier.arrive $0xFFFF  }
0x2ba: {  	s0 =	rddreg [dreg:$0x3]  }
0x2bb: {  	s0 =	sadd.s32 @!p0 $0x100000, s0  }
0x2bc: {  	[sflag:s0] =	ssyncadd.tile.s32 @!p0 $0x1;
	_ =	shalt  }
.Lfunc_end2:
_tile_overlayer_lowered:
.L_overlay_start_2:
0x2bd: {  	(tag) =	ssettag $0x2  }
0x2be: {  	s0 =	rddreg [dreg:$0x0];
	s2 =	stileid.u32  }
0x2bf: {  	s1 =	rddreg [dreg:$0x1];
	p0 =	sne.s32 s2, $0x0  }
0x2c0: {  	s3 =	rddreg [dreg:$0x2];
	[bflag:$0x3] =	sbarrier.arrive $0xFFFF;
	s2 =	simm.s32 @!p0 $0x1C06  }
0x2c1: {  	[timem:s3], [sflag:s2] =	dma.local @!p0 [hbm:s0], s1  }
0x2c2: {  	s0 =	simm.s32 @!p0 $0x6  }
0x2c3: {  	_ =	swait.ge @!p0 [sflag:s0], s1  }
0x2c4: {  	s1 =	ssub.s32 @!p0 $0x0, s1;
	[sflag:s0] =	ssyncset.done @!p0 $0x0  }
0x2c5: {  	[sflag:s0] =	ssyncadd.s32 @!p0 s1  }
0x2c6: {  	[bflag:$0x3] =	sbarrier.arrive $0xFFFF  }
0x2c7: {  	_ =	shalt  }

</sc_bundles>
